<compile_context>
chip_gen: v7x
topology: tpu7x:2x2x1
jax: 0.10.2.dev20260603
libtpu: 0.0.44.dev20260713+nightly
codegen_flags: <defaults>
</compile_context>

<pallas_src>
import dataclasses
import functools

import jax
import jax.numpy as jnp
import numpy as np
from jax import lax
from jax.experimental import pallas as pl
from jax.experimental.pallas import tpu as pltpu
from jax.experimental.pallas import tpu_sc as plsc

B = 8
N = 2048
M1 = 1024
M2 = 256
MAXN = 64
R1SQ = 0.2 * 0.2
R2SQ = 0.4 * 0.4
INVSTD = float(1.0 / np.sqrt(1.0 + 1e-5))
TD1 = 16
TD2 = 80
NEG = -1e30
F32 = jnp.float32
I32 = jnp.int32


def _fps_body(posx_ref, posy_ref, p1x_ref, p1y_ref, p2x_ref, p2y_ref):
    px = posx_ref[...]
    py = posy_ref[...]

    def run_level(sx, sy, n_src, n_smp):
        il = lax.broadcasted_iota(I32, (B, n_src), 1)
        ol = lax.broadcasted_iota(I32, (B, n_smp), 1)

        def body(i, st):
            dmin, ox, oy, lx, ly = st
            d = (sx - lx) ** 2 + (sy - ly) ** 2
            dmin = jnp.minimum(dmin, d)
            mx = jnp.max(dmin, axis=1, keepdims=True)
            am = jnp.min(jnp.where(dmin == mx, il, n_src), axis=1,
                         keepdims=True)
            sel = il == am
            lx = jnp.max(jnp.where(sel, sx, -jnp.inf), axis=1, keepdims=True)
            ly = jnp.max(jnp.where(sel, sy, -jnp.inf), axis=1, keepdims=True)
            ox = jnp.where(ol == i, lx, ox)
            oy = jnp.where(ol == i, ly, oy)
            return dmin, ox, oy, lx, ly

        st0 = (jnp.full((B, n_src), jnp.inf, F32),
               jnp.broadcast_to(sx[:, :1], (B, n_smp)),
               jnp.broadcast_to(sy[:, :1], (B, n_smp)),
               sx[:, :1], sy[:, :1])
        _, ox, oy, _, _ = lax.fori_loop(1, n_smp, body, st0)
        return ox, oy

    p1x, p1y = run_level(px, py, N, M1)
    p2x, p2y = run_level(p1x, p1y, M1, M2)
    p1x_ref[...] = p1x
    p1y_ref[...] = p1y
    p2x_ref[...] = p2x
    p2y_ref[...] = p2y


def _fps_call(posx, posy):
    out = jax.ShapeDtypeStruct
    return pl.pallas_call(
        _fps_body,
        out_shape=[out((B, M1), F32), out((B, M1), F32),
                   out((B, M2), F32), out((B, M2), F32)],
    )(posx, posy)


def _sc_compiler_params():
    cp = pltpu.CompilerParams()
    fields = pltpu.CompilerParams.__dataclass_fields__
    if "needs_layout_passes" in fields:
        cp = dataclasses.replace(cp, needs_layout_passes=False)
    if "use_tc_tiling_on_sc" in fields:
        cp = dataclasses.replace(cp, use_tc_tiling_on_sc=False)
    return cp


def _select(nq, nchunks, r2, sx_ref, sy_ref, qx_ref, qy_ref, cand_ref,
            d2c_ref, nbr_ref, cntl_ref, base):
    lane = lax.iota(I32, 16)
    inf16 = jnp.full((16,), jnp.inf, F32)
    big = jnp.int32(1 << 30)

    def per_query(m, _):
        msplat = jnp.full((16,), m, I32)
        qxs = plsc.load_gather(qx_ref, [msplat])
        qys = plsc.load_gather(qy_ref, [msplat])

        def chunk_body(k, cnt):
            j0 = k * 16
            dx = sx_ref[pl.ds(j0, 16)] - qxs
            dy = sy_ref[pl.ds(j0, 16)] - qys
            d2 = dx * dx + dy * dy
            msk = d2 <= r2
            plsc.store_compressed(cand_ref.at[pl.ds(cnt, 16)], lane + j0,
                                  mask=msk)
            return cnt + jnp.sum(msk.astype(I32))

        cnt = lax.fori_loop(0, nchunks, chunk_body, jnp.int32(0))
        ncap = jnp.minimum(cnt, MAXN)
        plsc.store_scatter(cntl_ref, [jnp.full((16,), m, I32)],
                           jnp.full((16,), ncap, I32), mask=lane == 0)

        def light(_):
            for t in range(4):
                v = cand_ref[pl.ds(t * 16, 16)] + base
                nbr_ref[pl.ds(m * MAXN + t * 16, 16)] = v
            return 0

        def heavy(_):
            cc = (cnt + 15) // 16

            def mkd2(k, _):
                j0 = k * 16
                cv = cand_ref[pl.ds(j0, 16)]
                gx = plsc.load_gather(sx_ref, [cv])
                gy = plsc.load_gather(sy_ref, [cv])
                dx = gx - qxs
                dy = gy - qys
                d2 = dx * dx + dy * dy
                valid = (lane + j0) < cnt
                d2c_ref[pl.ds(j0, 16)] = jnp.where(valid, d2, jnp.inf)
                return 0

            lax.fori_loop(0, cc, mkd2, 0)

            def extract(t, _):
                def mn(k, mv):
                    return jnp.minimum(mv, d2c_ref[pl.ds(k * 16, 16)])

                m0 = jnp.min(lax.fori_loop(0, cc, mn, inf16))

                def fi(k, bi):
                    j0 = k * 16
                    cv = cand_ref[pl.ds(j0, 16)]
                    d2v = d2c_ref[pl.ds(j0, 16)]
                    return jnp.minimum(bi, jnp.min(
                        jnp.where(d2v == m0, cv, big)))

                bi = lax.fori_loop(0, cc, fi, big)
                plsc.store_scatter(nbr_ref,
                                   [jnp.full((16,), m * MAXN + t, I32)],
                                   jnp.full((16,), bi + base, I32),
                                   mask=lane == 0)

                def inv(k, _):
                    j0 = k * 16
                    cv = cand_ref[pl.ds(j0, 16)]
                    d2v = d2c_ref[pl.ds(j0, 16)]
                    d2c_ref[pl.ds(j0, 16)] = jnp.where(cv == bi, jnp.inf, d2v)
                    return 0

                lax.fori_loop(0, cc, inv, 0)
                return 0

            lax.fori_loop(0, MAXN, extract, 0)
            return 0

        lax.cond(cnt > MAXN, heavy, light, 0)
        return 0

    lax.fori_loop(0, nq, per_query, 0)


def _s1_body(posx_h, posy_h, p1x_h, p1y_h, p2x_h, p2y_h, tab1_h,
             g1_h, cnt1_h, nbr2_h, cnt2_h,
             sx, sy, s1x, s1y, qx, qy, q2x, q2y, cand, d2c,
             nbr1, cnt1l, nbr2l, cnt2l, buf0, buf1, sem0, sem1):
    w = lax.axis_index("s") * 2 + lax.axis_index("c")
    c = w // 4
    part = w % 4
    def zinit(k, _):
        cand[pl.ds(k * 16, 16)] = jnp.zeros((16,), I32)
        return 0
    lax.fori_loop(0, 129, zinit, 0)

    pltpu.sync_copy(posx_h.at[c], sx)
    pltpu.sync_copy(posy_h.at[c], sy)
    pltpu.sync_copy(p1x_h.at[c], s1x)
    pltpu.sync_copy(p1y_h.at[c], s1y)
    qoff = part * 256
    pltpu.sync_copy(p1x_h.at[c, pl.ds(qoff, 256)], qx)
    pltpu.sync_copy(p1y_h.at[c, pl.ds(qoff, 256)], qy)
    q2off = part * 64
    pltpu.sync_copy(p2x_h.at[c, pl.ds(q2off, 64)], q2x)
    pltpu.sync_copy(p2y_h.at[c, pl.ds(q2off, 64)], q2y)

    _select(256, N // 16, R1SQ, sx, sy, qx, qy, cand, d2c,
            nbr1, cnt1l, c * N)
    gq0 = c * M1 + qoff
    pltpu.sync_copy(cnt1l, cnt1_h.at[pl.ds(gq0, 256)])

    _select(64, M1 // 16, R2SQ, s1x, s1y, q2x, q2y, cand, d2c,
            nbr2l, cnt2l, c * M1)
    gq20 = c * M2 + q2off
    pltpu.sync_copy(nbr2l, nbr2_h.at[pl.ds(gq20 * MAXN, 64 * MAXN)])
    pltpu.sync_copy(cnt2l, cnt2_h.at[pl.ds(gq20, 64)])

    row0 = gq0 * MAXN
    bufs = (buf0, buf1)
    sems = (sem0, sem1)
    copies = []
    for ch in range(8):
        b = ch % 2
        cp = pltpu.make_async_copy(
            tab1_h.at[nbr1.at[pl.ds(ch * 2048, 2048)]], bufs[b], sems[b])
        if ch >= 1:
            copies[ch - 1].wait()
        cp.start()
        copies.append(cp)
        if ch >= 1:
            pltpu.sync_copy(bufs[1 - b],
                            g1_h.at[pl.ds(row0 + (ch - 1) * 2048, 2048)])
    copies[7].wait()
    pltpu.sync_copy(bufs[1], g1_h.at[pl.ds(row0 + 7 * 2048, 2048)])


def _s1_call(posx, posy, p1x, p1y, p2x, p2y, table1):
    mesh = plsc.VectorSubcoreMesh(core_axis_name="c", subcore_axis_name="s")
    sds = jax.ShapeDtypeStruct
    vm = pltpu.VMEM
    kern = pl.kernel(
        _s1_body,
        mesh=mesh,
        out_type=[sds((B * M1 * MAXN, TD1), F32), sds((B * M1,), I32),
                  sds((B * M2 * MAXN,), I32), sds((B * M2,), I32)],
        scratch_types=[vm((N,), F32), vm((N,), F32),
                       vm((M1,), F32), vm((M1,), F32),
                       vm((256,), F32), vm((256,), F32),
                       vm((64,), F32), vm((64,), F32),
                       vm((2064,), I32), vm((2064,), F32),
                       vm((256 * MAXN,), I32), vm((256,), I32),
                       vm((64 * MAXN,), I32), vm((64,), I32),
                       vm((2048, TD1), F32), vm((2048, TD1), F32),
                       pltpu.SemaphoreType.DMA, pltpu.SemaphoreType.DMA],
        compiler_params=_sc_compiler_params(),
    )
    return kern(posx, posy, p1x, p1y, p2x, p2y, table1)


def _s2_body(tab2_h, nbr2_h, g2_h, idxv, buf0, buf1, sem0, sem1):
    w = lax.axis_index("s") * 2 + lax.axis_index("c")
    base = w * 4096
    bufs = (buf0, buf1)
    sems = (sem0, sem1)
    pltpu.sync_copy(nbr2_h.at[pl.ds(base, 4096)], idxv)
    copies = []
    for ch in range(8):
        b = ch % 2
        cp = pltpu.make_async_copy(
            tab2_h.at[idxv.at[pl.ds(ch * 512, 512)]], bufs[b], sems[b])
        if ch >= 1:
            copies[ch - 1].wait()
        cp.start()
        copies.append(cp)
        if ch >= 1:
            pltpu.sync_copy(bufs[1 - b],
                            g2_h.at[pl.ds(base + (ch - 1) * 512, 512)])
    copies[7].wait()
    pltpu.sync_copy(bufs[1], g2_h.at[pl.ds(base + 7 * 512, 512)])


def _s2_call(table2, nbr2):
    mesh = plsc.VectorSubcoreMesh(core_axis_name="c", subcore_axis_name="s")
    sds = jax.ShapeDtypeStruct
    vm = pltpu.VMEM
    kern = pl.kernel(
        _s2_body,
        mesh=mesh,
        out_type=sds((B * M2 * MAXN, TD2), F32),
        scratch_types=[vm((4096,), I32),
                       vm((512, TD2), F32), vm((512, TD2), F32),
                       pltpu.SemaphoreType.DMA, pltpu.SemaphoreType.DMA],
        compiler_params=_sc_compiler_params(),
    )
    return kern(table2, nbr2)


def _sa1_body(g1_ref, px_ref, py_ref, cnt_ref, w1c_ref, w1px_ref, w1py_ref,
              b1_ref, ga1_ref, be1_ref, w2t_ref, b2_ref, t2_ref):
    G = g1_ref[...]
    H = jnp.dot(G, w1c_ref[...], preferred_element_type=F32)
    px = px_ref[0, 0, :]
    py = py_ref[0, 0, :]
    ty = b1_ref[...] - px[:, None] * w1px_ref[...] - py[:, None] * w1py_ref[...]
    H = H.reshape(256, MAXN, 32) + ty[:, None, :]
    H = jnp.maximum(H * ga1_ref[...][None] + be1_ref[...][None], 0.0)
    M = jnp.dot(H.reshape(256 * MAXN, 32), w2t_ref[...],
                preferred_element_type=F32) + b2_ref[...]
    M = M.reshape(256, MAXN, 64)
    slot = lax.broadcasted_iota(I32, (256, MAXN, 1), 1)
    cnt = cnt_ref[0, 0, :]
    M = jnp.where(slot < cnt[:, None, None], M, NEG)
    o = jnp.max(M, axis=1)
    o = jnp.where(o <= -1e20, 0.0, o)
    T2 = jnp.concatenate(
        [o, px[:, None], py[:, None], jnp.zeros((256, TD2 - 66), F32)], axis=1)
    t2_ref[...] = T2


def _sa1_call(g1, p1x, p1y, cnt1, w1c, w1px, w1py, b1, ga1, be1, w2t, b2):
    nblk = B * M1 // 256
    full = lambda shape: pl.BlockSpec(shape, lambda i: tuple(0 for _ in shape))
    return pl.pallas_call(
        _sa1_body,
        grid=(nblk,),
        in_specs=[
            pl.BlockSpec((256 * MAXN, TD1), lambda i: (i, 0)),
            pl.BlockSpec((1, 1, 256), lambda i: (i, 0, 0)),
            pl.BlockSpec((1, 1, 256), lambda i: (i, 0, 0)),
            pl.BlockSpec((1, 1, 256), lambda i: (i, 0, 0)),
            full((TD1, 32)), full((1, 32)), full((1, 32)), full((1, 32)),
            full((1, 32)), full((1, 32)), full((32, 64)), full((1, 64)),
        ],
        out_specs=pl.BlockSpec((256, TD2), lambda i: (i, 0)),
        out_shape=jax.ShapeDtypeStruct((B * M1, TD2), F32),
    )(g1, p1x.reshape(nblk, 1, 256), p1y.reshape(nblk, 1, 256),
      cnt1.reshape(nblk, 1, 256), w1c, w1px, w1py, b1, ga1, be1, w2t, b2)


def _sa2_body(g2_ref, px_ref, py_ref, cnt_ref, w2c_ref, w2px_ref, w2py_ref,
              b21_ref, ga2_ref, be2_ref, w22_ref, b22_ref,
              w3a_ref, b3a_ref, ga3_ref, be3_ref, w3b_ref, b3b_ref,
              hw1_ref, hb1_ref, hw2_ref, hb2_ref, out_ref):
    G = g2_ref[...]
    H = jnp.dot(G, w2c_ref[...], preferred_element_type=F32)
    px = px_ref[0, 0, :]
    py = py_ref[0, 0, :]
    ty = b21_ref[...] - px[:, None] * w2px_ref[...] - py[:, None] * w2py_ref[...]
    H = H.reshape(M2, MAXN, 64) + ty[:, None, :]
    H = jnp.maximum(H * ga2_ref[...][None] + be2_ref[...][None], 0.0)
    M = jnp.dot(H.reshape(M2 * MAXN, 64), w22_ref[...],
                preferred_element_type=F32) + b22_ref[...]
    M = M.reshape(M2, MAXN, 128)
    slot = lax.broadcasted_iota(I32, (M2, MAXN, 1), 1)
    cnt = cnt_ref[0, 0, :]
    M = jnp.where(slot < cnt[:, None, None], M, NEG)
    x2 = jnp.max(M, axis=1)
    x2 = jnp.where(x2 <= -1e20, 0.0, x2)
    t = jnp.concatenate([x2, px[:, None], py[:, None]], axis=1)
    h = jnp.dot(t, w3a_ref[...], preferred_element_type=F32) + b3a_ref[...]
    h = jnp.maximum(h * ga3_ref[...] + be3_ref[...], 0.0)
    h = jnp.dot(h, w3b_ref[...], preferred_element_type=F32) + b3b_ref[...]
    g = jnp.max(h, axis=0, keepdims=True)
    z = jnp.maximum(jnp.dot(g, hw1_ref[...],
                            preferred_element_type=F32) + hb1_ref[...], 0.0)
    o = jnp.dot(z, hw2_ref[...], preferred_element_type=F32) + hb2_ref[...]
    out_ref[...] = o.reshape(1, 1, 1024)


def _sa2_call(g2, p2x, p2y, cnt2, w2c, w2px, w2py, b21, ga2, be2, w22, b22,
              w3a, b3a, ga3, be3, w3b, b3b, hw1, hb1, hw2, hb2):
    full = lambda shape: pl.BlockSpec(shape, lambda i: tuple(0 for _ in shape))
    out = pl.pallas_call(
        _sa2_body,
        grid=(B,),
        in_specs=[
            pl.BlockSpec((M2 * MAXN, TD2), lambda i: (i, 0)),
            pl.BlockSpec((1, 1, M2), lambda i: (i, 0, 0)),
            pl.BlockSpec((1, 1, M2), lambda i: (i, 0, 0)),
            pl.BlockSpec((1, 1, M2), lambda i: (i, 0, 0)),
            full((TD2, 64)), full((1, 64)), full((1, 64)), full((1, 64)),
            full((1, 64)), full((1, 64)), full((64, 128)), full((1, 128)),
            full((130, 128)), full((1, 128)), full((1, 128)), full((1, 128)),
            full((128, 256)), full((1, 256)),
            full((256, 256)), full((1, 256)), full((256, 1024)),
            full((1, 1024)),
        ],
        out_specs=pl.BlockSpec((1, 1, 1024), lambda i: (i, 0, 0)),
        out_shape=jax.ShapeDtypeStruct((B, 1, 1024), F32),
    )(g2, p2x.reshape(B, 1, M2), p2y.reshape(B, 1, M2),
      cnt2.reshape(B, 1, M2), w2c, w2px, w2py, b21, ga2, be2, w22, b22,
      w3a, b3a, ga3, be3, w3b, b3b, hw1, hb1, hw2, hb2)
    return out


def kernel(x, pos, batch, params):
    p = params
    posb = pos.reshape(B, N, 2)
    posx = posb[:, :, 0]
    posy = posb[:, :, 1]
    table1 = jnp.concatenate(
        [x, pos, jnp.zeros((B * N, TD1 - 7), F32)], axis=1)

    p1x, p1y, p2x, p2y = _fps_call(posx, posy)
    g1, cnt1, nbr2, cnt2 = _s1_call(posx, posy, p1x, p1y, p2x, p2y, table1)

    w1 = p['sa1_W1']
    w1c = jnp.concatenate([w1.T, jnp.zeros((TD1 - 7, 32), F32)], axis=0)
    w1px = w1[:, 5].reshape(1, 32)
    w1py = w1[:, 6].reshape(1, 32)
    table2 = _sa1_call(
        g1, p1x, p1y, cnt1, w1c, w1px, w1py,
        p['sa1_b1'].reshape(1, 32), (p['sa1_g1'] * INVSTD).reshape(1, 32),
        p['sa1_be1'].reshape(1, 32), p['sa1_W2'].T, p['sa1_b2'].reshape(1, 64))

    g2 = _s2_call(table2, nbr2)

    w2 = p['sa2_W1']
    w2c = jnp.concatenate([w2.T, jnp.zeros((TD2 - 66, 64), F32)], axis=0)
    w2px = w2[:, 64].reshape(1, 64)
    w2py = w2[:, 65].reshape(1, 64)
    out = _sa2_call(
        g2, p2x, p2y, cnt2, w2c, w2px, w2py,
        p['sa2_b1'].reshape(1, 64), (p['sa2_g1'] * INVSTD).reshape(1, 64),
        p['sa2_be1'].reshape(1, 64), p['sa2_W2'].T, p['sa2_b2'].reshape(1, 128),
        p['sa3_W1'].T, p['sa3_b1'].reshape(1, 128),
        (p['sa3_g1'] * INVSTD).reshape(1, 128), p['sa3_be1'].reshape(1, 128),
        p['sa3_W2'].T, p['sa3_b2'].reshape(1, 256),
        p['head_W1'].T, p['head_b1'].reshape(1, 256),
        p['head_W2'].T, p['head_b2'].reshape(1, 1024))
    return out.reshape(B, 1024)

# --- scband reference (transcript-rebuilt; emitter-appended) ---
"""Pipeline reference for scband-point-net2-47090021433719 (READ-ONLY COPY).

The authoritative reference and input builder live on the scoring server;
editing this copy changes nothing except your own understanding.
"""

import jax, jax.numpy as jnp
import numpy as np

B = 8
N = 2048
POS_DIM = 2
FEAT_DIM = 5
MAXN = 64
INVSTD = float(1.0 / np.sqrt(1.0 + 1e-5))


def _init_params(key):
    def lin(k, fout, fin):
        return (jax.random.normal(k, (fout, fin), dtype=jnp.float32) / np.sqrt(fin)).astype(jnp.float32)
    ks = jax.random.split(key, 8)
    z = lambda n: jnp.zeros((n,), dtype=jnp.float32)
    o = lambda n: jnp.ones((n,), dtype=jnp.float32)
    p = {}
    p['sa1_W1'] = lin(ks[0], 32, FEAT_DIM + POS_DIM); p['sa1_b1'] = z(32); p['sa1_g1'] = o(32); p['sa1_be1'] = z(32)
    p['sa1_W2'] = lin(ks[1], 64, 32); p['sa1_b2'] = z(64)
    p['sa2_W1'] = lin(ks[2], 64, 64 + POS_DIM); p['sa2_b1'] = z(64); p['sa2_g1'] = o(64); p['sa2_be1'] = z(64)
    p['sa2_W2'] = lin(ks[3], 128, 64); p['sa2_b2'] = z(128)
    p['sa3_W1'] = lin(ks[4], 128, 128 + POS_DIM); p['sa3_b1'] = z(128); p['sa3_g1'] = o(128); p['sa3_be1'] = z(128)
    p['sa3_W2'] = lin(ks[5], 256, 128); p['sa3_b2'] = z(256)
    p['head_W1'] = lin(ks[6], 256, 256); p['head_b1'] = z(256)
    p['head_W2'] = lin(ks[7], 1024, 256); p['head_b2'] = z(1024)
    return p


def _bn_relu_lin(t, W1, b1, g1, be1, W2, b2):
    # pyg MLP with plain_last=True: Linear -> BatchNorm(eval, mean=0, var=1) -> ReLU -> Linear
    h = t @ W1.T + b1
    h = h * (g1 * INVSTD) + be1
    h = jax.nn.relu(h)
    return h @ W2.T + b2


def _fps_single(pos, n_sample):
    # deterministic farthest point sampling, start at index 0
    n = pos.shape[0]
    sel0 = jnp.zeros((n_sample,), dtype=jnp.int32)
    d0 = jnp.full((n,), jnp.inf, dtype=jnp.float32)
    def body(i, state):
        sel, dmin = state
        last = pos[sel[i - 1]]
        d = jnp.sum((pos - last) ** 2, axis=-1)
        dmin = jnp.minimum(dmin, d)
        sel = sel.at[i].set(jnp.argmax(dmin).astype(jnp.int32))
        return (sel, dmin)
    sel, _ = jax.lax.fori_loop(1, n_sample, body, (sel0, d0))
    return sel


def _radius_single(pos_x, pos_y, r):
    # up to MAXN neighbors of each query pos_y within radius r among pos_x
    d2 = jnp.sum((pos_y[:, None, :] - pos_x[None, :, :]) ** 2, axis=-1)
    neg = jnp.where(d2 <= r * r, -d2, -jnp.inf)
    vals, nbr = jax.lax.top_k(neg, MAXN)
    return nbr.astype(jnp.int32), vals > -jnp.inf


def _sa(xb, posb, r, n_sample, mlp_fn):
    # PointNetConv with max aggregation over radius neighborhoods
    Bc, n, f = xb.shape
    posb_c = jax.lax.stop_gradient(posb)
    idx = jax.vmap(lambda p: _fps_single(p, n_sample))(posb_c)  # [B, M]
    pos_y = jnp.take_along_axis(posb, idx[..., None], axis=1)  # [B, M, d]
    nbr, valid = jax.vmap(lambda px, py: _radius_single(px, py, r))(posb_c, jax.lax.stop_gradient(pos_y))
    flat = nbr.reshape(Bc, n_sample * MAXN, 1)
    x_j = jnp.take_along_axis(xb, flat, axis=1).reshape(Bc, n_sample, MAXN, f)
    pos_j = jnp.take_along_axis(posb, flat, axis=1).reshape(Bc, n_sample, MAXN, posb.shape[-1])
    rel = pos_j - pos_y[:, :, None, :]
    msg = mlp_fn(jnp.concatenate([x_j, rel], axis=-1))
    msg = jnp.where(valid[..., None], msg, -1e30)
    out = jnp.max(msg, axis=2)
    out = jnp.where(out <= -1e20, 0.0, out)
    return out, pos_y


def _forward(x, pos, params):
    p = params
    xb = x.reshape(B, N, FEAT_DIM)
    posb = pos.reshape(B, N, POS_DIM)
    x1, pos1 = _sa(xb, posb, 0.2, N // 2,
                   lambda t: _bn_relu_lin(t, p['sa1_W1'], p['sa1_b1'], p['sa1_g1'], p['sa1_be1'], p['sa1_W2'], p['sa1_b2']))
    x2, pos2 = _sa(x1, pos1, 0.4, N // 8,
                   lambda t: _bn_relu_lin(t, p['sa2_W1'], p['sa2_b1'], p['sa2_g1'], p['sa2_be1'], p['sa2_W2'], p['sa2_b2']))
    h = jnp.concatenate([x2, pos2], axis=-1)
    h = _bn_relu_lin(h, p['sa3_W1'], p['sa3_b1'], p['sa3_g1'], p['sa3_be1'], p['sa3_W2'], p['sa3_b2'])
    g = jnp.max(h, axis=1)  # global_max_pool over each cloud -> [B, 256]
    z = jax.nn.relu(g @ p['head_W1'].T + p['head_b1'])  # final MLP, norm=None, dropout eval
    return z @ p['head_W2'].T + p['head_b2']


def setup_inputs(seed: int = 0):
    key = jax.random.key(seed)
    k1, k2, k3 = jax.random.split(key, 3)
    x = jax.random.normal(k1, (B * N, FEAT_DIM), dtype=jnp.float32)
    pos = jax.random.normal(k2, (B * N, POS_DIM), dtype=jnp.float32)
    batch = jnp.repeat(jnp.arange(B, dtype=jnp.int32), N)
    return {'x': x, 'pos': pos, 'batch': batch, 'params': _init_params(k3)}


def reference(x, pos, batch, params):
    return _forward(x, pos, params)

if __name__ == "__main__":
    import jax
    _d = setup_inputs()
    print(jax.jit(kernel)(*tuple(_d.values())))

</pallas_src>

<mosaic_0001>
#map = affine_map<(d0, d1) -> (0, 0)>
#map1 = affine_map<(d0, d1) -> (0)>
module attributes {stable_mosaic.version = 14 : i64} {
  func.func @_s2_body(%arg0: i32, %arg1: i32, %arg2: memref<8192x80xf32, #tpu.memory_space<hbm>>, %arg3: memref<131072xi32, #tpu.memory_space<hbm>>, %arg4: memref<131072x80xf32, #tpu.memory_space<hbm>>, %arg5: memref<4096xi32, #tpu.memory_space<vmem>>, %arg6: memref<512x80xf32, #tpu.memory_space<vmem>>, %arg7: memref<512x80xf32, #tpu.memory_space<vmem>>, %arg8: memref<!tpu.dma_semaphore, #tpu.memory_space<semaphore_mem>>, %arg9: memref<!tpu.dma_semaphore, #tpu.memory_space<semaphore_mem>>) attributes {dimension_semantics = [#tpu.dimension_semantics<core_parallel>, #tpu.dimension_semantics<subcore_parallel>], iteration_bounds = array<i64: 2, 16>, scalar_prefetch = 0 : i64, scratch_operands = 5 : i64, tpu.core_type = #tpu.core_type<sc_vector_subcore>, window_params = [{transform_indices = #map}, {transform_indices = #map1}, {transform_indices = #map}]} {
    %mul3A = arith.constant 2 : i32
    %mul3A_0 = arith.muli %arg1, %mul3A : i32
    %add3A = arith.addi %mul3A_0, %arg0 : i32
    %mul3A_1 = arith.constant 4096 : i32
    %mul3A_2 = arith.muli %add3A, %mul3A_1 : i32
    "tpu.region"() ({
      %run_scoped3A = tpu.sem_alloc : memref<!tpu.dma_semaphore, #tpu.memory_space<semaphore_mem>>
      %dma_start3A_97 = tpu.memref_slice %arg3[%mul3A_2] : memref<131072xi32, #tpu.memory_space<hbm>> -> memref<4096xi32, #tpu.memory_space<hbm>>
      %dma_start3A_98 = tpu.memref_slice %arg3[%mul3A_2] : memref<131072xi32, #tpu.memory_space<hbm>> -> memref<4096xi32, #tpu.memory_space<hbm>>
      tpu.enqueue_dma source(%dma_start3A_98 : memref<4096xi32, #tpu.memory_space<hbm>>) target(%arg5 : memref<4096xi32, #tpu.memory_space<vmem>>) target_semaphore(%run_scoped3A : memref<!tpu.dma_semaphore, #tpu.memory_space<semaphore_mem>>)
      %dma_wait3A_99 = tpu.memref_slice %arg3[%mul3A_2] : memref<131072xi32, #tpu.memory_space<hbm>> -> memref<4096xi32, #tpu.memory_space<hbm>>
      %dma_wait3A_100 = tpu.memref_slice %arg3[%mul3A_2] : memref<131072xi32, #tpu.memory_space<hbm>> -> memref<4096xi32, #tpu.memory_space<hbm>>
      tpu.wait_dma2 semaphore(%run_scoped3A : memref<!tpu.dma_semaphore, #tpu.memory_space<semaphore_mem>>) src(%dma_wait3A_100 : memref<4096xi32, #tpu.memory_space<hbm>>) dst(%arg5 : memref<4096xi32, #tpu.memory_space<vmem>>)
      tpu.yield
    }) : () -> ()
    %dma_start3A = arith.constant 0 : i32
    %dma_start3A_3 = tpu.memref_slice %arg5[%dma_start3A] : memref<4096xi32, #tpu.memory_space<vmem>> -> memref<512xi32, #tpu.memory_space<vmem>>
    %dma_start3A_4 = arith.constant 0 : i32
    %dma_start3A_5 = arith.constant 0 : i32
    %dma_start3A_6 = tpu.memref_slice %arg2[%dma_start3A_4, %dma_start3A_5] : memref<8192x80xf32, #tpu.memory_space<hbm>> -> memref<8192x80xf32, #tpu.memory_space<hbm>>
    tpu.enqueue_indirect_dma source(%dma_start3A_6 : memref<8192x80xf32, #tpu.memory_space<hbm>>) target(%arg6 : memref<512x80xf32, #tpu.memory_space<vmem>>) offsets(%dma_start3A_3 : memref<512xi32, #tpu.memory_space<vmem>>) semaphore(%arg8 : memref<!tpu.dma_semaphore, #tpu.memory_space<semaphore_mem>>)
    %dma_wait3A = arith.constant 0 : i32
    %dma_wait3A_7 = tpu.memref_slice %arg5[%dma_wait3A] : memref<4096xi32, #tpu.memory_space<vmem>> -> memref<512xi32, #tpu.memory_space<vmem>>
    %dma_wait3A_8 = arith.constant 0 : i32
    %dma_wait3A_9 = arith.constant 0 : i32
    %dma_wait3A_10 = tpu.memref_slice %arg2[%dma_wait3A_8, %dma_wait3A_9] : memref<8192x80xf32, #tpu.memory_space<hbm>> -> memref<8192x80xf32, #tpu.memory_space<hbm>>
    tpu.wait_indirect_dma semaphore(%arg8 : memref<!tpu.dma_semaphore, #tpu.memory_space<semaphore_mem>>) src(%dma_wait3A_10 : memref<8192x80xf32, #tpu.memory_space<hbm>>) dst(%arg6 : memref<512x80xf32, #tpu.memory_space<vmem>>)
    %dma_start3A_11 = arith.constant 512 : i32
    %dma_start3A_12 = tpu.memref_slice %arg5[%dma_start3A_11] : memref<4096xi32, #tpu.memory_space<vmem>> -> memref<512xi32, #tpu.memory_space<vmem>>
    %dma_start3A_13 = arith.constant 0 : i32
    %dma_start3A_14 = arith.constant 0 : i32
    %dma_start3A_15 = tpu.memref_slice %arg2[%dma_start3A_13, %dma_start3A_14] : memref<8192x80xf32, #tpu.memory_space<hbm>> -> memref<8192x80xf32, #tpu.memory_space<hbm>>
    tpu.enqueue_indirect_dma source(%dma_start3A_15 : memref<8192x80xf32, #tpu.memory_space<hbm>>) target(%arg7 : memref<512x80xf32, #tpu.memory_space<vmem>>) offsets(%dma_start3A_12 : memref<512xi32, #tpu.memory_space<vmem>>) semaphore(%arg9 : memref<!tpu.dma_semaphore, #tpu.memory_space<semaphore_mem>>)
    %add3A_16 = arith.constant 0 : i32
    %add3A_17 = arith.addi %mul3A_2, %add3A_16 : i32
    "tpu.region"() ({
      %run_scoped3A = tpu.sem_alloc : memref<!tpu.dma_semaphore, #tpu.memory_space<semaphore_mem>>
      %dma_start3A_97 = arith.constant 0 : i32
      %dma_start3A_98 = tpu.memref_slice %arg4[%add3A_17, %dma_start3A_97] : memref<131072x80xf32, #tpu.memory_space<hbm>> -> memref<512x80xf32, #tpu.memory_space<hbm>>
      %dma_start3A_99 = arith.constant 0 : i32
      %dma_start3A_100 = tpu.memref_slice %arg4[%add3A_17, %dma_start3A_99] : memref<131072x80xf32, #tpu.memory_space<hbm>> -> memref<512x80xf32, #tpu.memory_space<hbm>>
      tpu.enqueue_dma source(%arg6 : memref<512x80xf32, #tpu.memory_space<vmem>>) target(%dma_start3A_100 : memref<512x80xf32, #tpu.memory_space<hbm>>) target_semaphore(%run_scoped3A : memref<!tpu.dma_semaphore, #tpu.memory_space<semaphore_mem>>)
      %dma_wait3A_101 = arith.constant 0 : i32
      %dma_wait3A_102 = tpu.memref_slice %arg4[%add3A_17, %dma_wait3A_101] : memref<131072x80xf32, #tpu.memory_space<hbm>> -> memref<512x80xf32, #tpu.memory_space<hbm>>
      %dma_wait3A_103 = arith.constant 0 : i32
      %dma_wait3A_104 = tpu.memref_slice %arg4[%add3A_17, %dma_wait3A_103] : memref<131072x80xf32, #tpu.memory_space<hbm>> -> memref<512x80xf32, #tpu.memory_space<hbm>>
      tpu.wait_dma2 semaphore(%run_scoped3A : memref<!tpu.dma_semaphore, #tpu.memory_space<semaphore_mem>>) src(%arg6 : memref<512x80xf32, #tpu.memory_space<vmem>>) dst(%dma_wait3A_104 : memref<512x80xf32, #tpu.memory_space<hbm>>)
      tpu.yield
    }) : () -> ()
    %dma_wait3A_18 = arith.constant 512 : i32
    %dma_wait3A_19 = tpu.memref_slice %arg5[%dma_wait3A_18] : memref<4096xi32, #tpu.memory_space<vmem>> -> memref<512xi32, #tpu.memory_space<vmem>>
    %dma_wait3A_20 = arith.constant 0 : i32
    %dma_wait3A_21 = arith.constant 0 : i32
    %dma_wait3A_22 = tpu.memref_slice %arg2[%dma_wait3A_20, %dma_wait3A_21] : memref<8192x80xf32, #tpu.memory_space<hbm>> -> memref<8192x80xf32, #tpu.memory_space<hbm>>
    tpu.wait_indirect_dma semaphore(%arg9 : memref<!tpu.dma_semaphore, #tpu.memory_space<semaphore_mem>>) src(%dma_wait3A_22 : memref<8192x80xf32, #tpu.memory_space<hbm>>) dst(%arg7 : memref<512x80xf32, #tpu.memory_space<vmem>>)
    %dma_start3A_23 = arith.constant 1024 : i32
    %dma_start3A_24 = tpu.memref_slice %arg5[%dma_start3A_23] : memref<4096xi32, #tpu.memory_space<vmem>> -> memref<512xi32, #tpu.memory_space<vmem>>
    %dma_start3A_25 = arith.constant 0 : i32
    %dma_start3A_26 = arith.constant 0 : i32
    %dma_start3A_27 = tpu.memref_slice %arg2[%dma_start3A_25, %dma_start3A_26] : memref<8192x80xf32, #tpu.memory_space<hbm>> -> memref<8192x80xf32, #tpu.memory_space<hbm>>
    tpu.enqueue_indirect_dma source(%dma_start3A_27 : memref<8192x80xf32, #tpu.memory_space<hbm>>) target(%arg6 : memref<512x80xf32, #tpu.memory_space<vmem>>) offsets(%dma_start3A_24 : memref<512xi32, #tpu.memory_space<vmem>>) semaphore(%arg8 : memref<!tpu.dma_semaphore, #tpu.memory_space<semaphore_mem>>)
    %add3A_28 = arith.constant 512 : i32
    %add3A_29 = arith.addi %mul3A_2, %add3A_28 : i32
    "tpu.region"() ({
      %run_scoped3A = tpu.sem_alloc : memref<!tpu.dma_semaphore, #tpu.memory_space<semaphore_mem>>
      %dma_start3A_97 = arith.constant 0 : i32
      %dma_start3A_98 = tpu.memref_slice %arg4[%add3A_29, %dma_start3A_97] : memref<131072x80xf32, #tpu.memory_space<hbm>> -> memref<512x80xf32, #tpu.memory_space<hbm>>
      %dma_start3A_99 = arith.constant 0 : i32
      %dma_start3A_100 = tpu.memref_slice %arg4[%add3A_29, %dma_start3A_99] : memref<131072x80xf32, #tpu.memory_space<hbm>> -> memref<512x80xf32, #tpu.memory_space<hbm>>
      tpu.enqueue_dma source(%arg7 : memref<512x80xf32, #tpu.memory_space<vmem>>) target(%dma_start3A_100 : memref<512x80xf32, #tpu.memory_space<hbm>>) target_semaphore(%run_scoped3A : memref<!tpu.dma_semaphore, #tpu.memory_space<semaphore_mem>>)
      %dma_wait3A_101 = arith.constant 0 : i32
      %dma_wait3A_102 = tpu.memref_slice %arg4[%add3A_29, %dma_wait3A_101] : memref<131072x80xf32, #tpu.memory_space<hbm>> -> memref<512x80xf32, #tpu.memory_space<hbm>>
      %dma_wait3A_103 = arith.constant 0 : i32
      %dma_wait3A_104 = tpu.memref_slice %arg4[%add3A_29, %dma_wait3A_103] : memref<131072x80xf32, #tpu.memory_space<hbm>> -> memref<512x80xf32, #tpu.memory_space<hbm>>
      tpu.wait_dma2 semaphore(%run_scoped3A : memref<!tpu.dma_semaphore, #tpu.memory_space<semaphore_mem>>) src(%arg7 : memref<512x80xf32, #tpu.memory_space<vmem>>) dst(%dma_wait3A_104 : memref<512x80xf32, #tpu.memory_space<hbm>>)
      tpu.yield
    }) : () -> ()
    %dma_wait3A_30 = arith.constant 1024 : i32
    %dma_wait3A_31 = tpu.memref_slice %arg5[%dma_wait3A_30] : memref<4096xi32, #tpu.memory_space<vmem>> -> memref<512xi32, #tpu.memory_space<vmem>>
    %dma_wait3A_32 = arith.constant 0 : i32
    %dma_wait3A_33 = arith.constant 0 : i32
    %dma_wait3A_34 = tpu.memref_slice %arg2[%dma_wait3A_32, %dma_wait3A_33] : memref<8192x80xf32, #tpu.memory_space<hbm>> -> memref<8192x80xf32, #tpu.memory_space<hbm>>
    tpu.wait_indirect_dma semaphore(%arg8 : memref<!tpu.dma_semaphore, #tpu.memory_space<semaphore_mem>>) src(%dma_wait3A_34 : memref<8192x80xf32, #tpu.memory_space<hbm>>) dst(%arg6 : memref<512x80xf32, #tpu.memory_space<vmem>>)
    %dma_start3A_35 = arith.constant 1536 : i32
    %dma_start3A_36 = tpu.memref_slice %arg5[%dma_start3A_35] : memref<4096xi32, #tpu.memory_space<vmem>> -> memref<512xi32, #tpu.memory_space<vmem>>
    %dma_start3A_37 = arith.constant 0 : i32
    %dma_start3A_38 = arith.constant 0 : i32
    %dma_start3A_39 = tpu.memref_slice %arg2[%dma_start3A_37, %dma_start3A_38] : memref<8192x80xf32, #tpu.memory_space<hbm>> -> memref<8192x80xf32, #tpu.memory_space<hbm>>
    tpu.enqueue_indirect_dma source(%dma_start3A_39 : memref<8192x80xf32, #tpu.memory_space<hbm>>) target(%arg7 : memref<512x80xf32, #tpu.memory_space<vmem>>) offsets(%dma_start3A_36 : memref<512xi32, #tpu.memory_space<vmem>>) semaphore(%arg9 : memref<!tpu.dma_semaphore, #tpu.memory_space<semaphore_mem>>)
    %add3A_40 = arith.constant 1024 : i32
    %add3A_41 = arith.addi %mul3A_2, %add3A_40 : i32
    "tpu.region"() ({
      %run_scoped3A = tpu.sem_alloc : memref<!tpu.dma_semaphore, #tpu.memory_space<semaphore_mem>>
      %dma_start3A_97 = arith.constant 0 : i32
      %dma_start3A_98 = tpu.memref_slice %arg4[%add3A_41, %dma_start3A_97] : memref<131072x80xf32, #tpu.memory_space<hbm>> -> memref<512x80xf32, #tpu.memory_space<hbm>>
      %dma_start3A_99 = arith.constant 0 : i32
      %dma_start3A_100 = tpu.memref_slice %arg4[%add3A_41, %dma_start3A_99] : memref<131072x80xf32, #tpu.memory_space<hbm>> -> memref<512x80xf32, #tpu.memory_space<hbm>>
      tpu.enqueue_dma source(%arg6 : memref<512x80xf32, #tpu.memory_space<vmem>>) target(%dma_start3A_100 : memref<512x80xf32, #tpu.memory_space<hbm>>) target_semaphore(%run_scoped3A : memref<!tpu.dma_semaphore, #tpu.memory_space<semaphore_mem>>)
      %dma_wait3A_101 = arith.constant 0 : i32
      %dma_wait3A_102 = tpu.memref_slice %arg4[%add3A_41, %dma_wait3A_101] : memref<131072x80xf32, #tpu.memory_space<hbm>> -> memref<512x80xf32, #tpu.memory_space<hbm>>
      %dma_wait3A_103 = arith.constant 0 : i32
      %dma_wait3A_104 = tpu.memref_slice %arg4[%add3A_41, %dma_wait3A_103] : memref<131072x80xf32, #tpu.memory_space<hbm>> -> memref<512x80xf32, #tpu.memory_space<hbm>>
      tpu.wait_dma2 semaphore(%run_scoped3A : memref<!tpu.dma_semaphore, #tpu.memory_space<semaphore_mem>>) src(%arg6 : memref<512x80xf32, #tpu.memory_space<vmem>>) dst(%dma_wait3A_104 : memref<512x80xf32, #tpu.memory_space<hbm>>)
      tpu.yield
    }) : () -> ()
    %dma_wait3A_42 = arith.constant 1536 : i32
    %dma_wait3A_43 = tpu.memref_slice %arg5[%dma_wait3A_42] : memref<4096xi32, #tpu.memory_space<vmem>> -> memref<512xi32, #tpu.memory_space<vmem>>
    %dma_wait3A_44 = arith.constant 0 : i32
    %dma_wait3A_45 = arith.constant 0 : i32
    %dma_wait3A_46 = tpu.memref_slice %arg2[%dma_wait3A_44, %dma_wait3A_45] : memref<8192x80xf32, #tpu.memory_space<hbm>> -> memref<8192x80xf32, #tpu.memory_space<hbm>>
    tpu.wait_indirect_dma semaphore(%arg9 : memref<!tpu.dma_semaphore, #tpu.memory_space<semaphore_mem>>) src(%dma_wait3A_46 : memref<8192x80xf32, #tpu.memory_space<hbm>>) dst(%arg7 : memref<512x80xf32, #tpu.memory_space<vmem>>)
    %dma_start3A_47 = arith.constant 2048 : i32
    %dma_start3A_48 = tpu.memref_slice %arg5[%dma_start3A_47] : memref<4096xi32, #tpu.memory_space<vmem>> -> memref<512xi32, #tpu.memory_space<vmem>>
    %dma_start3A_49 = arith.constant 0 : i32
    %dma_start3A_50 = arith.constant 0 : i32
    %dma_start3A_51 = tpu.memref_slice %arg2[%dma_start3A_49, %dma_start3A_50] : memref<8192x80xf32, #tpu.memory_space<hbm>> -> memref<8192x80xf32, #tpu.memory_space<hbm>>
    tpu.enqueue_indirect_dma source(%dma_start3A_51 : memref<8192x80xf32, #tpu.memory_space<hbm>>) target(%arg6 : memref<512x80xf32, #tpu.memory_space<vmem>>) offsets(%dma_start3A_48 : memref<512xi32, #tpu.memory_space<vmem>>) semaphore(%arg8 : memref<!tpu.dma_semaphore, #tpu.memory_space<semaphore_mem>>)
    %add3A_52 = arith.constant 1536 : i32
    %add3A_53 = arith.addi %mul3A_2, %add3A_52 : i32
    "tpu.region"() ({
      %run_scoped3A = tpu.sem_alloc : memref<!tpu.dma_semaphore, #tpu.memory_space<semaphore_mem>>
      %dma_start3A_97 = arith.constant 0 : i32
      %dma_start3A_98 = tpu.memref_slice %arg4[%add3A_53, %dma_start3A_97] : memref<131072x80xf32, #tpu.memory_space<hbm>> -> memref<512x80xf32, #tpu.memory_space<hbm>>
      %dma_start3A_99 = arith.constant 0 : i32
      %dma_start3A_100 = tpu.memref_slice %arg4[%add3A_53, %dma_start3A_99] : memref<131072x80xf32, #tpu.memory_space<hbm>> -> memref<512x80xf32, #tpu.memory_space<hbm>>
      tpu.enqueue_dma source(%arg7 : memref<512x80xf32, #tpu.memory_space<vmem>>) target(%dma_start3A_100 : memref<512x80xf32, #tpu.memory_space<hbm>>) target_semaphore(%run_scoped3A : memref<!tpu.dma_semaphore, #tpu.memory_space<semaphore_mem>>)
      %dma_wait3A_101 = arith.constant 0 : i32
      %dma_wait3A_102 = tpu.memref_slice %arg4[%add3A_53, %dma_wait3A_101] : memref<131072x80xf32, #tpu.memory_space<hbm>> -> memref<512x80xf32, #tpu.memory_space<hbm>>
      %dma_wait3A_103 = arith.constant 0 : i32
      %dma_wait3A_104 = tpu.memref_slice %arg4[%add3A_53, %dma_wait3A_103] : memref<131072x80xf32, #tpu.memory_space<hbm>> -> memref<512x80xf32, #tpu.memory_space<hbm>>
      tpu.wait_dma2 semaphore(%run_scoped3A : memref<!tpu.dma_semaphore, #tpu.memory_space<semaphore_mem>>) src(%arg7 : memref<512x80xf32, #tpu.memory_space<vmem>>) dst(%dma_wait3A_104 : memref<512x80xf32, #tpu.memory_space<hbm>>)
      tpu.yield
    }) : () -> ()
    %dma_wait3A_54 = arith.constant 2048 : i32
    %dma_wait3A_55 = tpu.memref_slice %arg5[%dma_wait3A_54] : memref<4096xi32, #tpu.memory_space<vmem>> -> memref<512xi32, #tpu.memory_space<vmem>>
    %dma_wait3A_56 = arith.constant 0 : i32
    %dma_wait3A_57 = arith.constant 0 : i32
    %dma_wait3A_58 = tpu.memref_slice %arg2[%dma_wait3A_56, %dma_wait3A_57] : memref<8192x80xf32, #tpu.memory_space<hbm>> -> memref<8192x80xf32, #tpu.memory_space<hbm>>
    tpu.wait_indirect_dma semaphore(%arg8 : memref<!tpu.dma_semaphore, #tpu.memory_space<semaphore_mem>>) src(%dma_wait3A_58 : memref<8192x80xf32, #tpu.memory_space<hbm>>) dst(%arg6 : memref<512x80xf32, #tpu.memory_space<vmem>>)
    %dma_start3A_59 = arith.constant 2560 : i32
    %dma_start3A_60 = tpu.memref_slice %arg5[%dma_start3A_59] : memref<4096xi32, #tpu.memory_space<vmem>> -> memref<512xi32, #tpu.memory_space<vmem>>
    %dma_start3A_61 = arith.constant 0 : i32
    %dma_start3A_62 = arith.constant 0 : i32
    %dma_start3A_63 = tpu.memref_slice %arg2[%dma_start3A_61, %dma_start3A_62] : memref<8192x80xf32, #tpu.memory_space<hbm>> -> memref<8192x80xf32, #tpu.memory_space<hbm>>
    tpu.enqueue_indirect_dma source(%dma_start3A_63 : memref<8192x80xf32, #tpu.memory_space<hbm>>) target(%arg7 : memref<512x80xf32, #tpu.memory_space<vmem>>) offsets(%dma_start3A_60 : memref<512xi32, #tpu.memory_space<vmem>>) semaphore(%arg9 : memref<!tpu.dma_semaphore, #tpu.memory_space<semaphore_mem>>)
    %add3A_64 = arith.constant 2048 : i32
    %add3A_65 = arith.addi %mul3A_2, %add3A_64 : i32
    "tpu.region"() ({
      %run_scoped3A = tpu.sem_alloc : memref<!tpu.dma_semaphore, #tpu.memory_space<semaphore_mem>>
      %dma_start3A_97 = arith.constant 0 : i32
      %dma_start3A_98 = tpu.memref_slice %arg4[%add3A_65, %dma_start3A_97] : memref<131072x80xf32, #tpu.memory_space<hbm>> -> memref<512x80xf32, #tpu.memory_space<hbm>>
      %dma_start3A_99 = arith.constant 0 : i32
      %dma_start3A_100 = tpu.memref_slice %arg4[%add3A_65, %dma_start3A_99] : memref<131072x80xf32, #tpu.memory_space<hbm>> -> memref<512x80xf32, #tpu.memory_space<hbm>>
      tpu.enqueue_dma source(%arg6 : memref<512x80xf32, #tpu.memory_space<vmem>>) target(%dma_start3A_100 : memref<512x80xf32, #tpu.memory_space<hbm>>) target_semaphore(%run_scoped3A : memref<!tpu.dma_semaphore, #tpu.memory_space<semaphore_mem>>)
      %dma_wait3A_101 = arith.constant 0 : i32
      %dma_wait3A_102 = tpu.memref_slice %arg4[%add3A_65, %dma_wait3A_101] : memref<131072x80xf32, #tpu.memory_space<hbm>> -> memref<512x80xf32, #tpu.memory_space<hbm>>
      %dma_wait3A_103 = arith.constant 0 : i32
      %dma_wait3A_104 = tpu.memref_slice %arg4[%add3A_65, %dma_wait3A_103] : memref<131072x80xf32, #tpu.memory_space<hbm>> -> memref<512x80xf32, #tpu.memory_space<hbm>>
      tpu.wait_dma2 semaphore(%run_scoped3A : memref<!tpu.dma_semaphore, #tpu.memory_space<semaphore_mem>>) src(%arg6 : memref<512x80xf32, #tpu.memory_space<vmem>>) dst(%dma_wait3A_104 : memref<512x80xf32, #tpu.memory_space<hbm>>)
      tpu.yield
    }) : () -> ()
    %dma_wait3A_66 = arith.constant 2560 : i32
    %dma_wait3A_67 = tpu.memref_slice %arg5[%dma_wait3A_66] : memref<4096xi32, #tpu.memory_space<vmem>> -> memref<512xi32, #tpu.memory_space<vmem>>
    %dma_wait3A_68 = arith.constant 0 : i32
    %dma_wait3A_69 = arith.constant 0 : i32
    %dma_wait3A_70 = tpu.memref_slice %arg2[%dma_wait3A_68, %dma_wait3A_69] : memref<8192x80xf32, #tpu.memory_space<hbm>> -> memref<8192x80xf32, #tpu.memory_space<hbm>>
    tpu.wait_indirect_dma semaphore(%arg9 : memref<!tpu.dma_semaphore, #tpu.memory_space<semaphore_mem>>) src(%dma_wait3A_70 : memref<8192x80xf32, #tpu.memory_space<hbm>>) dst(%arg7 : memref<512x80xf32, #tpu.memory_space<vmem>>)
    %dma_start3A_71 = arith.constant 3072 : i32
    %dma_start3A_72 = tpu.memref_slice %arg5[%dma_start3A_71] : memref<4096xi32, #tpu.memory_space<vmem>> -> memref<512xi32, #tpu.memory_space<vmem>>
    %dma_start3A_73 = arith.constant 0 : i32
    %dma_start3A_74 = arith.constant 0 : i32
    %dma_start3A_75 = tpu.memref_slice %arg2[%dma_start3A_73, %dma_start3A_74] : memref<8192x80xf32, #tpu.memory_space<hbm>> -> memref<8192x80xf32, #tpu.memory_space<hbm>>
    tpu.enqueue_indirect_dma source(%dma_start3A_75 : memref<8192x80xf32, #tpu.memory_space<hbm>>) target(%arg6 : memref<512x80xf32, #tpu.memory_space<vmem>>) offsets(%dma_start3A_72 : memref<512xi32, #tpu.memory_space<vmem>>) semaphore(%arg8 : memref<!tpu.dma_semaphore, #tpu.memory_space<semaphore_mem>>)
    %add3A_76 = arith.constant 2560 : i32
    %add3A_77 = arith.addi %mul3A_2, %add3A_76 : i32
    "tpu.region"() ({
      %run_scoped3A = tpu.sem_alloc : memref<!tpu.dma_semaphore, #tpu.memory_space<semaphore_mem>>
      %dma_start3A_97 = arith.constant 0 : i32
      %dma_start3A_98 = tpu.memref_slice %arg4[%add3A_77, %dma_start3A_97] : memref<131072x80xf32, #tpu.memory_space<hbm>> -> memref<512x80xf32, #tpu.memory_space<hbm>>
      %dma_start3A_99 = arith.constant 0 : i32
      %dma_start3A_100 = tpu.memref_slice %arg4[%add3A_77, %dma_start3A_99] : memref<131072x80xf32, #tpu.memory_space<hbm>> -> memref<512x80xf32, #tpu.memory_space<hbm>>
      tpu.enqueue_dma source(%arg7 : memref<512x80xf32, #tpu.memory_space<vmem>>) target(%dma_start3A_100 : memref<512x80xf32, #tpu.memory_space<hbm>>) target_semaphore(%run_scoped3A : memref<!tpu.dma_semaphore, #tpu.memory_space<semaphore_mem>>)
      %dma_wait3A_101 = arith.constant 0 : i32
      %dma_wait3A_102 = tpu.memref_slice %arg4[%add3A_77, %dma_wait3A_101] : memref<131072x80xf32, #tpu.memory_space<hbm>> -> memref<512x80xf32, #tpu.memory_space<hbm>>
      %dma_wait3A_103 = arith.constant 0 : i32
      %dma_wait3A_104 = tpu.memref_slice %arg4[%add3A_77, %dma_wait3A_103] : memref<131072x80xf32, #tpu.memory_space<hbm>> -> memref<512x80xf32, #tpu.memory_space<hbm>>
      tpu.wait_dma2 semaphore(%run_scoped3A : memref<!tpu.dma_semaphore, #tpu.memory_space<semaphore_mem>>) src(%arg7 : memref<512x80xf32, #tpu.memory_space<vmem>>) dst(%dma_wait3A_104 : memref<512x80xf32, #tpu.memory_space<hbm>>)
      tpu.yield
    }) : () -> ()
    %dma_wait3A_78 = arith.constant 3072 : i32
    %dma_wait3A_79 = tpu.memref_slice %arg5[%dma_wait3A_78] : memref<4096xi32, #tpu.memory_space<vmem>> -> memref<512xi32, #tpu.memory_space<vmem>>
    %dma_wait3A_80 = arith.constant 0 : i32
    %dma_wait3A_81 = arith.constant 0 : i32
    %dma_wait3A_82 = tpu.memref_slice %arg2[%dma_wait3A_80, %dma_wait3A_81] : memref<8192x80xf32, #tpu.memory_space<hbm>> -> memref<8192x80xf32, #tpu.memory_space<hbm>>
    tpu.wait_indirect_dma semaphore(%arg8 : memref<!tpu.dma_semaphore, #tpu.memory_space<semaphore_mem>>) src(%dma_wait3A_82 : memref<8192x80xf32, #tpu.memory_space<hbm>>) dst(%arg6 : memref<512x80xf32, #tpu.memory_space<vmem>>)
    %dma_start3A_83 = arith.constant 3584 : i32
    %dma_start3A_84 = tpu.memref_slice %arg5[%dma_start3A_83] : memref<4096xi32, #tpu.memory_space<vmem>> -> memref<512xi32, #tpu.memory_space<vmem>>
    %dma_start3A_85 = arith.constant 0 : i32
    %dma_start3A_86 = arith.constant 0 : i32
    %dma_start3A_87 = tpu.memref_slice %arg2[%dma_start3A_85, %dma_start3A_86] : memref<8192x80xf32, #tpu.memory_space<hbm>> -> memref<8192x80xf32, #tpu.memory_space<hbm>>
    tpu.enqueue_indirect_dma source(%dma_start3A_87 : memref<8192x80xf32, #tpu.memory_space<hbm>>) target(%arg7 : memref<512x80xf32, #tpu.memory_space<vmem>>) offsets(%dma_start3A_84 : memref<512xi32, #tpu.memory_space<vmem>>) semaphore(%arg9 : memref<!tpu.dma_semaphore, #tpu.memory_space<semaphore_mem>>)
    %add3A_88 = arith.constant 3072 : i32
    %add3A_89 = arith.addi %mul3A_2, %add3A_88 : i32
    "tpu.region"() ({
      %run_scoped3A = tpu.sem_alloc : memref<!tpu.dma_semaphore, #tpu.memory_space<semaphore_mem>>
      %dma_start3A_97 = arith.constant 0 : i32
      %dma_start3A_98 = tpu.memref_slice %arg4[%add3A_89, %dma_start3A_97] : memref<131072x80xf32, #tpu.memory_space<hbm>> -> memref<512x80xf32, #tpu.memory_space<hbm>>
      %dma_start3A_99 = arith.constant 0 : i32
      %dma_start3A_100 = tpu.memref_slice %arg4[%add3A_89, %dma_start3A_99] : memref<131072x80xf32, #tpu.memory_space<hbm>> -> memref<512x80xf32, #tpu.memory_space<hbm>>
      tpu.enqueue_dma source(%arg6 : memref<512x80xf32, #tpu.memory_space<vmem>>) target(%dma_start3A_100 : memref<512x80xf32, #tpu.memory_space<hbm>>) target_semaphore(%run_scoped3A : memref<!tpu.dma_semaphore, #tpu.memory_space<semaphore_mem>>)
      %dma_wait3A_101 = arith.constant 0 : i32
      %dma_wait3A_102 = tpu.memref_slice %arg4[%add3A_89, %dma_wait3A_101] : memref<131072x80xf32, #tpu.memory_space<hbm>> -> memref<512x80xf32, #tpu.memory_space<hbm>>
      %dma_wait3A_103 = arith.constant 0 : i32
      %dma_wait3A_104 = tpu.memref_slice %arg4[%add3A_89, %dma_wait3A_103] : memref<131072x80xf32, #tpu.memory_space<hbm>> -> memref<512x80xf32, #tpu.memory_space<hbm>>
      tpu.wait_dma2 semaphore(%run_scoped3A : memref<!tpu.dma_semaphore, #tpu.memory_space<semaphore_mem>>) src(%arg6 : memref<512x80xf32, #tpu.memory_space<vmem>>) dst(%dma_wait3A_104 : memref<512x80xf32, #tpu.memory_space<hbm>>)
      tpu.yield
    }) : () -> ()
    %dma_wait3A_90 = arith.constant 3584 : i32
    %dma_wait3A_91 = tpu.memref_slice %arg5[%dma_wait3A_90] : memref<4096xi32, #tpu.memory_space<vmem>> -> memref<512xi32, #tpu.memory_space<vmem>>
    %dma_wait3A_92 = arith.constant 0 : i32
    %dma_wait3A_93 = arith.constant 0 : i32
    %dma_wait3A_94 = tpu.memref_slice %arg2[%dma_wait3A_92, %dma_wait3A_93] : memref<8192x80xf32, #tpu.memory_space<hbm>> -> memref<8192x80xf32, #tpu.memory_space<hbm>>
    tpu.wait_indirect_dma semaphore(%arg9 : memref<!tpu.dma_semaphore, #tpu.memory_space<semaphore_mem>>) src(%dma_wait3A_94 : memref<8192x80xf32, #tpu.memory_space<hbm>>) dst(%arg7 : memref<512x80xf32, #tpu.memory_space<vmem>>)
    %add3A_95 = arith.constant 3584 : i32
    %add3A_96 = arith.addi %mul3A_2, %add3A_95 : i32
    "tpu.region"() ({
      %run_scoped3A = tpu.sem_alloc : memref<!tpu.dma_semaphore, #tpu.memory_space<semaphore_mem>>
      %dma_start3A_97 = arith.constant 0 : i32
      %dma_start3A_98 = tpu.memref_slice %arg4[%add3A_96, %dma_start3A_97] : memref<131072x80xf32, #tpu.memory_space<hbm>> -> memref<512x80xf32, #tpu.memory_space<hbm>>
      %dma_start3A_99 = arith.constant 0 : i32
      %dma_start3A_100 = tpu.memref_slice %arg4[%add3A_96, %dma_start3A_99] : memref<131072x80xf32, #tpu.memory_space<hbm>> -> memref<512x80xf32, #tpu.memory_space<hbm>>
      tpu.enqueue_dma source(%arg7 : memref<512x80xf32, #tpu.memory_space<vmem>>) target(%dma_start3A_100 : memref<512x80xf32, #tpu.memory_space<hbm>>) target_semaphore(%run_scoped3A : memref<!tpu.dma_semaphore, #tpu.memory_space<semaphore_mem>>)
      %dma_wait3A_101 = arith.constant 0 : i32
      %dma_wait3A_102 = tpu.memref_slice %arg4[%add3A_96, %dma_wait3A_101] : memref<131072x80xf32, #tpu.memory_space<hbm>> -> memref<512x80xf32, #tpu.memory_space<hbm>>
      %dma_wait3A_103 = arith.constant 0 : i32
      %dma_wait3A_104 = tpu.memref_slice %arg4[%add3A_96, %dma_wait3A_103] : memref<131072x80xf32, #tpu.memory_space<hbm>> -> memref<512x80xf32, #tpu.memory_space<hbm>>
      tpu.wait_dma2 semaphore(%run_scoped3A : memref<!tpu.dma_semaphore, #tpu.memory_space<semaphore_mem>>) src(%arg7 : memref<512x80xf32, #tpu.memory_space<vmem>>) dst(%dma_wait3A_104 : memref<512x80xf32, #tpu.memory_space<hbm>>)
      tpu.yield
    }) : () -> ()
    return
  }
}

#map = affine_map<(d0, d1) -> (0, 0)>
#map1 = affine_map<(d0, d1) -> (0)>
module attributes {stable_mosaic.version = 14 : i64} {
  func.func @_s1_body(%arg0: i32, %arg1: i32, %arg2: memref<8x2048xf32, #tpu.memory_space<hbm>>, %arg3: memref<8x2048xf32, #tpu.memory_space<hbm>>, %arg4: memref<8x1024xf32, #tpu.memory_space<hbm>>, %arg5: memref<8x1024xf32, #tpu.memory_space<hbm>>, %arg6: memref<8x256xf32, #tpu.memory_space<hbm>>, %arg7: memref<8x256xf32, #tpu.memory_space<hbm>>, %arg8: memref<16384x16xf32, #tpu.memory_space<hbm>>, %arg9: memref<524288x16xf32, #tpu.memory_space<hbm>>, %arg10: memref<8192xi32, #tpu.memory_space<hbm>>, %arg11: memref<131072xi32, #tpu.memory_space<hbm>>, %arg12: memref<2048xi32, #tpu.memory_space<hbm>>, %arg13: memref<2048xf32, #tpu.memory_space<vmem>>, %arg14: memref<2048xf32, #tpu.memory_space<vmem>>, %arg15: memref<1024xf32, #tpu.memory_space<vmem>>, %arg16: memref<1024xf32, #tpu.memory_space<vmem>>, %arg17: memref<256xf32, #tpu.memory_space<vmem>>, %arg18: memref<256xf32, #tpu.memory_space<vmem>>, %arg19: memref<64xf32, #tpu.memory_space<vmem>>, %arg20: memref<64xf32, #tpu.memory_space<vmem>>, %arg21: memref<2064xi32, #tpu.memory_space<vmem>>, %arg22: memref<2064xf32, #tpu.memory_space<vmem>>, %arg23: memref<16384xi32, #tpu.memory_space<vmem>>, %arg24: memref<256xi32, #tpu.memory_space<vmem>>, %arg25: memref<4096xi32, #tpu.memory_space<vmem>>, %arg26: memref<64xi32, #tpu.memory_space<vmem>>, %arg27: memref<2048x16xf32, #tpu.memory_space<vmem>>, %arg28: memref<2048x16xf32, #tpu.memory_space<vmem>>, %arg29: memref<!tpu.dma_semaphore, #tpu.memory_space<semaphore_mem>>, %arg30: memref<!tpu.dma_semaphore, #tpu.memory_space<semaphore_mem>>) attributes {dimension_semantics = [#tpu.dimension_semantics<core_parallel>, #tpu.dimension_semantics<subcore_parallel>], iteration_bounds = array<i64: 2, 16>, scalar_prefetch = 0 : i64, scratch_operands = 18 : i64, tpu.core_type = #tpu.core_type<sc_vector_subcore>, window_params = [{transform_indices = #map}, {transform_indices = #map}, {transform_indices = #map}, {transform_indices = #map}, {transform_indices = #map}, {transform_indices = #map}, {transform_indices = #map}, {transform_indices = #map}, {transform_indices = #map1}, {transform_indices = #map1}, {transform_indices = #map1}]} {
    %mul3A = arith.constant 2 : i32
    %mul3A_0 = arith.muli %arg1, %mul3A : i32
    %add3A = arith.addi %mul3A_0, %arg0 : i32
    %jit3A = arith.constant 4 : i32
    %div3A = arith.divsi %add3A, %jit3A : i32
    %sign3A = arith.constant 0 : i32
    %sign3A_1 = arith.cmpi sgt, %add3A, %sign3A : i32
    %sign3A_2 = arith.extui %sign3A_1 : i1 to i32
    %sign3A_3 = arith.constant 0 : i32
    %sign3A_4 = arith.cmpi slt, %add3A, %sign3A_3 : i32
    %sign3A_5 = arith.extui %sign3A_4 : i1 to i32
    %sign3A_6 = arith.subi %sign3A_2, %sign3A_5 : i32
    %sign3A_7 = arith.constant 0 : i32
    %sign3A_8 = arith.cmpi sgt, %jit3A, %sign3A_7 : i32
    %sign3A_9 = arith.extui %sign3A_8 : i1 to i32
    %sign3A_10 = arith.constant 0 : i32
    %sign3A_11 = arith.cmpi slt, %jit3A, %sign3A_10 : i32
    %sign3A_12 = arith.extui %sign3A_11 : i1 to i32
    %sign3A_13 = arith.subi %sign3A_9, %sign3A_12 : i32
    %ne3A = arith.cmpi ne, %sign3A_6, %sign3A_13 : i32
    %rem3A = arith.remsi %add3A, %jit3A : i32
    %ne3A_14 = arith.constant 0 : i32
    %ne3A_15 = arith.cmpi ne, %rem3A, %ne3A_14 : i32
    %and3A = arith.andi %ne3A, %ne3A_15 : i1
    %sub3A = arith.constant 1 : i32
    %sub3A_16 = arith.subi %div3A, %sub3A : i32
    %select_n3A = arith.select %and3A, %sub3A_16, %div3A : i32
    %jit3A_17 = arith.constant 4 : i32
    %eq3A = arith.constant 0 : i32
    %eq3A_18 = arith.cmpi eq, %jit3A_17, %eq3A : i32
    %jit3A_19 = arith.constant 1 : i32
    %select_n3A_20 = arith.select %eq3A_18, %jit3A_19, %jit3A_17 : i32
    %rem3A_21 = arith.remsi %add3A, %select_n3A_20 : i32
    %ne3A_22 = arith.constant 0 : i32
    %ne3A_23 = arith.cmpi ne, %rem3A_21, %ne3A_22 : i32
    %lt3A = arith.constant 0 : i32
    %lt3A_24 = arith.cmpi slt, %rem3A_21, %lt3A : i32
    %lt3A_25 = arith.constant 0 : i32
    %lt3A_26 = arith.cmpi slt, %select_n3A_20, %lt3A_25 : i32
    %ne3A_27 = arith.xori %lt3A_24, %lt3A_26 : i1
    %and3A_28 = arith.andi %ne3A_27, %ne3A_23 : i1
    %add3A_29 = arith.addi %rem3A_21, %select_n3A_20 : i32
    %select_n3A_30 = arith.select %and3A_28, %add3A_29, %rem3A_21 : i32
    %scan3A = arith.constant 0 : i32
    %scan3A_31 = arith.constant 0 : i32
    %scan3A_32 = arith.constant 129 : i32
    %scan3A_33 = arith.addi %scan3A_31, %scan3A_32 : i32
    %scan3A_34 = arith.constant 1 : i32
    %scan3A_35 = scf.for %scan3A_169 = %scan3A_31 to %scan3A_33 step %scan3A_34 iter_args(%scan3A_170 = %scan3A) -> (i32)  : i32 {
      %broadcast_in_dim3A_171 = arith.constant 0 : i32
      %broadcast_in_dim3A_172 = vector.broadcast %broadcast_in_dim3A_171 : i32 to vector<16xi32>
      %mul3A_173 = arith.constant 16 : i32
      %mul3A_174 = arith.muli %scan3A_169, %mul3A_173 : i32
      %swap3A = arith.index_cast %mul3A_174 : i32 to index
      %swap3A_175 = tpu.vector_load %arg21[%swap3A] {strides = array<i32>} : memref<2064xi32, #tpu.memory_space<vmem>>, vector<16xi32>,
      tpu.vector_store %arg21[%swap3A], %broadcast_in_dim3A_172 {strides = array<i32>} : memref<2064xi32, #tpu.memory_space<vmem>>, vector<16xi32>,
      %scan3A_176 = arith.constant 0 : i32
      scf.yield %scan3A_176 : i32
    }
    %scan3A_36 = arith.constant 129 : i32
    "tpu.region"() ({
      %run_scoped3A = tpu.sem_alloc : memref<!tpu.dma_semaphore, #tpu.memory_space<semaphore_mem>>
      %dma_start3A_169 = arith.constant 0 : i32
      %dma_start3A_170 = tpu.memref_slice %arg2[%select_n3A, %dma_start3A_169] : memref<8x2048xf32, #tpu.memory_space<hbm>> -> memref<1x2048xf32, #tpu.memory_space<hbm>>
      %dma_start3A_171 = tpu.memref_squeeze %dma_start3A_170 : memref<1x2048xf32, #tpu.memory_space<hbm>> -> memref<2048xf32, #tpu.memory_space<hbm>>
      %dma_start3A_172 = arith.constant 0 : i32
      %dma_start3A_173 = tpu.memref_slice %arg2[%select_n3A, %dma_start3A_172] : memref<8x2048xf32, #tpu.memory_space<hbm>> -> memref<1x2048xf32, #tpu.memory_space<hbm>>
      %dma_start3A_174 = tpu.memref_squeeze %dma_start3A_173 : memref<1x2048xf32, #tpu.memory_space<hbm>> -> memref<2048xf32, #tpu.memory_space<hbm>>
      tpu.enqueue_dma source(%dma_start3A_174 : memref<2048xf32, #tpu.memory_space<hbm>>) target(%arg13 : memref<2048xf32, #tpu.memory_space<vmem>>) target_semaphore(%run_scoped3A : memref<!tpu.dma_semaphore, #tpu.memory_space<semaphore_mem>>)
      %dma_wait3A_175 = arith.constant 0 : i32
      %dma_wait3A_176 = tpu.memref_slice %arg2[%select_n3A, %dma_wait3A_175] : memref<8x2048xf32, #tpu.memory_space<hbm>> -> memref<1x2048xf32, #tpu.memory_space<hbm>>
      %dma_wait3A_177 = tpu.memref_squeeze %dma_wait3A_176 : memref<1x2048xf32, #tpu.memory_space<hbm>> -> memref<2048xf32, #tpu.memory_space<hbm>>
      %dma_wait3A_178 = arith.constant 0 : i32
      %dma_wait3A_179 = tpu.memref_slice %arg2[%select_n3A, %dma_wait3A_178] : memref<8x2048xf32, #tpu.memory_space<hbm>> -> memref<1x2048xf32, #tpu.memory_space<hbm>>
      %dma_wait3A_180 = tpu.memref_squeeze %dma_wait3A_179 : memref<1x2048xf32, #tpu.memory_space<hbm>> -> memref<2048xf32, #tpu.memory_space<hbm>>
      tpu.wait_dma2 semaphore(%run_scoped3A : memref<!tpu.dma_semaphore, #tpu.memory_space<semaphore_mem>>) src(%dma_wait3A_180 : memref<2048xf32, #tpu.memory_space<hbm>>) dst(%arg13 : memref<2048xf32, #tpu.memory_space<vmem>>)
      tpu.yield
    }) : () -> ()
    "tpu.region"() ({
      %run_scoped3A = tpu.sem_alloc : memref<!tpu.dma_semaphore, #tpu.memory_space<semaphore_mem>>
      %dma_start3A_169 = arith.constant 0 : i32
      %dma_start3A_170 = tpu.memref_slice %arg3[%select_n3A, %dma_start3A_169] : memref<8x2048xf32, #tpu.memory_space<hbm>> -> memref<1x2048xf32, #tpu.memory_space<hbm>>
      %dma_start3A_171 = tpu.memref_squeeze %dma_start3A_170 : memref<1x2048xf32, #tpu.memory_space<hbm>> -> memref<2048xf32, #tpu.memory_space<hbm>>
      %dma_start3A_172 = arith.constant 0 : i32
      %dma_start3A_173 = tpu.memref_slice %arg3[%select_n3A, %dma_start3A_172] : memref<8x2048xf32, #tpu.memory_space<hbm>> -> memref<1x2048xf32, #tpu.memory_space<hbm>>
      %dma_start3A_174 = tpu.memref_squeeze %dma_start3A_173 : memref<1x2048xf32, #tpu.memory_space<hbm>> -> memref<2048xf32, #tpu.memory_space<hbm>>
      tpu.enqueue_dma source(%dma_start3A_174 : memref<2048xf32, #tpu.memory_space<hbm>>) target(%arg14 : memref<2048xf32, #tpu.memory_space<vmem>>) target_semaphore(%run_scoped3A : memref<!tpu.dma_semaphore, #tpu.memory_space<semaphore_mem>>)
      %dma_wait3A_175 = arith.constant 0 : i32
      %dma_wait3A_176 = tpu.memref_slice %arg3[%select_n3A, %dma_wait3A_175] : memref<8x2048xf32, #tpu.memory_space<hbm>> -> memref<1x2048xf32, #tpu.memory_space<hbm>>
      %dma_wait3A_177 = tpu.memref_squeeze %dma_wait3A_176 : memref<1x2048xf32, #tpu.memory_space<hbm>> -> memref<2048xf32, #tpu.memory_space<hbm>>
      %dma_wait3A_178 = arith.constant 0 : i32
      %dma_wait3A_179 = tpu.memref_slice %arg3[%select_n3A, %dma_wait3A_178] : memref<8x2048xf32, #tpu.memory_space<hbm>> -> memref<1x2048xf32, #tpu.memory_space<hbm>>
      %dma_wait3A_180 = tpu.memref_squeeze %dma_wait3A_179 : memref<1x2048xf32, #tpu.memory_space<hbm>> -> memref<2048xf32, #tpu.memory_space<hbm>>
      tpu.wait_dma2 semaphore(%run_scoped3A : memref<!tpu.dma_semaphore, #tpu.memory_space<semaphore_mem>>) src(%dma_wait3A_180 : memref<2048xf32, #tpu.memory_space<hbm>>) dst(%arg14 : memref<2048xf32, #tpu.memory_space<vmem>>)
      tpu.yield
    }) : () -> ()
    "tpu.region"() ({
      %run_scoped3A = tpu.sem_alloc : memref<!tpu.dma_semaphore, #tpu.memory_space<semaphore_mem>>
      %dma_start3A_169 = arith.constant 0 : i32
      %dma_start3A_170 = tpu.memref_slice %arg4[%select_n3A, %dma_start3A_169] : memref<8x1024xf32, #tpu.memory_space<hbm>> -> memref<1x1024xf32, #tpu.memory_space<hbm>>
      %dma_start3A_171 = tpu.memref_squeeze %dma_start3A_170 : memref<1x1024xf32, #tpu.memory_space<hbm>> -> memref<1024xf32, #tpu.memory_space<hbm>>
      %dma_start3A_172 = arith.constant 0 : i32
      %dma_start3A_173 = tpu.memref_slice %arg4[%select_n3A, %dma_start3A_172] : memref<8x1024xf32, #tpu.memory_space<hbm>> -> memref<1x1024xf32, #tpu.memory_space<hbm>>
      %dma_start3A_174 = tpu.memref_squeeze %dma_start3A_173 : memref<1x1024xf32, #tpu.memory_space<hbm>> -> memref<1024xf32, #tpu.memory_space<hbm>>
      tpu.enqueue_dma source(%dma_start3A_174 : memref<1024xf32, #tpu.memory_space<hbm>>) target(%arg15 : memref<1024xf32, #tpu.memory_space<vmem>>) target_semaphore(%run_scoped3A : memref<!tpu.dma_semaphore, #tpu.memory_space<semaphore_mem>>)
      %dma_wait3A_175 = arith.constant 0 : i32
      %dma_wait3A_176 = tpu.memref_slice %arg4[%select_n3A, %dma_wait3A_175] : memref<8x1024xf32, #tpu.memory_space<hbm>> -> memref<1x1024xf32, #tpu.memory_space<hbm>>
      %dma_wait3A_177 = tpu.memref_squeeze %dma_wait3A_176 : memref<1x1024xf32, #tpu.memory_space<hbm>> -> memref<1024xf32, #tpu.memory_space<hbm>>
      %dma_wait3A_178 = arith.constant 0 : i32
      %dma_wait3A_179 = tpu.memref_slice %arg4[%select_n3A, %dma_wait3A_178] : memref<8x1024xf32, #tpu.memory_space<hbm>> -> memref<1x1024xf32, #tpu.memory_space<hbm>>
      %dma_wait3A_180 = tpu.memref_squeeze %dma_wait3A_179 : memref<1x1024xf32, #tpu.memory_space<hbm>> -> memref<1024xf32, #tpu.memory_space<hbm>>
      tpu.wait_dma2 semaphore(%run_scoped3A : memref<!tpu.dma_semaphore, #tpu.memory_space<semaphore_mem>>) src(%dma_wait3A_180 : memref<1024xf32, #tpu.memory_space<hbm>>) dst(%arg15 : memref<1024xf32, #tpu.memory_space<vmem>>)
      tpu.yield
    }) : () -> ()
    "tpu.region"() ({
      %run_scoped3A = tpu.sem_alloc : memref<!tpu.dma_semaphore, #tpu.memory_space<semaphore_mem>>
      %dma_start3A_169 = arith.constant 0 : i32
      %dma_start3A_170 = tpu.memref_slice %arg5[%select_n3A, %dma_start3A_169] : memref<8x1024xf32, #tpu.memory_space<hbm>> -> memref<1x1024xf32, #tpu.memory_space<hbm>>
      %dma_start3A_171 = tpu.memref_squeeze %dma_start3A_170 : memref<1x1024xf32, #tpu.memory_space<hbm>> -> memref<1024xf32, #tpu.memory_space<hbm>>
      %dma_start3A_172 = arith.constant 0 : i32
      %dma_start3A_173 = tpu.memref_slice %arg5[%select_n3A, %dma_start3A_172] : memref<8x1024xf32, #tpu.memory_space<hbm>> -> memref<1x1024xf32, #tpu.memory_space<hbm>>
      %dma_start3A_174 = tpu.memref_squeeze %dma_start3A_173 : memref<1x1024xf32, #tpu.memory_space<hbm>> -> memref<1024xf32, #tpu.memory_space<hbm>>
      tpu.enqueue_dma source(%dma_start3A_174 : memref<1024xf32, #tpu.memory_space<hbm>>) target(%arg16 : memref<1024xf32, #tpu.memory_space<vmem>>) target_semaphore(%run_scoped3A : memref<!tpu.dma_semaphore, #tpu.memory_space<semaphore_mem>>)
      %dma_wait3A_175 = arith.constant 0 : i32
      %dma_wait3A_176 = tpu.memref_slice %arg5[%select_n3A, %dma_wait3A_175] : memref<8x1024xf32, #tpu.memory_space<hbm>> -> memref<1x1024xf32, #tpu.memory_space<hbm>>
      %dma_wait3A_177 = tpu.memref_squeeze %dma_wait3A_176 : memref<1x1024xf32, #tpu.memory_space<hbm>> -> memref<1024xf32, #tpu.memory_space<hbm>>
      %dma_wait3A_178 = arith.constant 0 : i32
      %dma_wait3A_179 = tpu.memref_slice %arg5[%select_n3A, %dma_wait3A_178] : memref<8x1024xf32, #tpu.memory_space<hbm>> -> memref<1x1024xf32, #tpu.memory_space<hbm>>
      %dma_wait3A_180 = tpu.memref_squeeze %dma_wait3A_179 : memref<1x1024xf32, #tpu.memory_space<hbm>> -> memref<1024xf32, #tpu.memory_space<hbm>>
      tpu.wait_dma2 semaphore(%run_scoped3A : memref<!tpu.dma_semaphore, #tpu.memory_space<semaphore_mem>>) src(%dma_wait3A_180 : memref<1024xf32, #tpu.memory_space<hbm>>) dst(%arg16 : memref<1024xf32, #tpu.memory_space<vmem>>)
      tpu.yield
    }) : () -> ()
    %mul3A_37 = arith.constant 256 : i32
    %mul3A_38 = arith.muli %select_n3A_30, %mul3A_37 : i32
    "tpu.region"() ({
      %run_scoped3A = tpu.sem_alloc : memref<!tpu.dma_semaphore, #tpu.memory_space<semaphore_mem>>
      %dma_start3A_169 = tpu.memref_slice %arg4[%select_n3A, %mul3A_38] : memref<8x1024xf32, #tpu.memory_space<hbm>> -> memref<1x256xf32, #tpu.memory_space<hbm>>
      %dma_start3A_170 = tpu.memref_squeeze %dma_start3A_169 : memref<1x256xf32, #tpu.memory_space<hbm>> -> memref<256xf32, #tpu.memory_space<hbm>>
      %dma_start3A_171 = tpu.memref_slice %arg4[%select_n3A, %mul3A_38] : memref<8x1024xf32, #tpu.memory_space<hbm>> -> memref<1x256xf32, #tpu.memory_space<hbm>>
      %dma_start3A_172 = tpu.memref_squeeze %dma_start3A_171 : memref<1x256xf32, #tpu.memory_space<hbm>> -> memref<256xf32, #tpu.memory_space<hbm>>
      tpu.enqueue_dma source(%dma_start3A_172 : memref<256xf32, #tpu.memory_space<hbm>>) target(%arg17 : memref<256xf32, #tpu.memory_space<vmem>>) target_semaphore(%run_scoped3A : memref<!tpu.dma_semaphore, #tpu.memory_space<semaphore_mem>>)
      %dma_wait3A_173 = tpu.memref_slice %arg4[%select_n3A, %mul3A_38] : memref<8x1024xf32, #tpu.memory_space<hbm>> -> memref<1x256xf32, #tpu.memory_space<hbm>>
      %dma_wait3A_174 = tpu.memref_squeeze %dma_wait3A_173 : memref<1x256xf32, #tpu.memory_space<hbm>> -> memref<256xf32, #tpu.memory_space<hbm>>
      %dma_wait3A_175 = tpu.memref_slice %arg4[%select_n3A, %mul3A_38] : memref<8x1024xf32, #tpu.memory_space<hbm>> -> memref<1x256xf32, #tpu.memory_space<hbm>>
      %dma_wait3A_176 = tpu.memref_squeeze %dma_wait3A_175 : memref<1x256xf32, #tpu.memory_space<hbm>> -> memref<256xf32, #tpu.memory_space<hbm>>
      tpu.wait_dma2 semaphore(%run_scoped3A : memref<!tpu.dma_semaphore, #tpu.memory_space<semaphore_mem>>) src(%dma_wait3A_176 : memref<256xf32, #tpu.memory_space<hbm>>) dst(%arg17 : memref<256xf32, #tpu.memory_space<vmem>>)
      tpu.yield
    }) : () -> ()
    "tpu.region"() ({
      %run_scoped3A = tpu.sem_alloc : memref<!tpu.dma_semaphore, #tpu.memory_space<semaphore_mem>>
      %dma_start3A_169 = tpu.memref_slice %arg5[%select_n3A, %mul3A_38] : memref<8x1024xf32, #tpu.memory_space<hbm>> -> memref<1x256xf32, #tpu.memory_space<hbm>>
      %dma_start3A_170 = tpu.memref_squeeze %dma_start3A_169 : memref<1x256xf32, #tpu.memory_space<hbm>> -> memref<256xf32, #tpu.memory_space<hbm>>
      %dma_start3A_171 = tpu.memref_slice %arg5[%select_n3A, %mul3A_38] : memref<8x1024xf32, #tpu.memory_space<hbm>> -> memref<1x256xf32, #tpu.memory_space<hbm>>
      %dma_start3A_172 = tpu.memref_squeeze %dma_start3A_171 : memref<1x256xf32, #tpu.memory_space<hbm>> -> memref<256xf32, #tpu.memory_space<hbm>>
      tpu.enqueue_dma source(%dma_start3A_172 : memref<256xf32, #tpu.memory_space<hbm>>) target(%arg18 : memref<256xf32, #tpu.memory_space<vmem>>) target_semaphore(%run_scoped3A : memref<!tpu.dma_semaphore, #tpu.memory_space<semaphore_mem>>)
      %dma_wait3A_173 = tpu.memref_slice %arg5[%select_n3A, %mul3A_38] : memref<8x1024xf32, #tpu.memory_space<hbm>> -> memref<1x256xf32, #tpu.memory_space<hbm>>
      %dma_wait3A_174 = tpu.memref_squeeze %dma_wait3A_173 : memref<1x256xf32, #tpu.memory_space<hbm>> -> memref<256xf32, #tpu.memory_space<hbm>>
      %dma_wait3A_175 = tpu.memref_slice %arg5[%select_n3A, %mul3A_38] : memref<8x1024xf32, #tpu.memory_space<hbm>> -> memref<1x256xf32, #tpu.memory_space<hbm>>
      %dma_wait3A_176 = tpu.memref_squeeze %dma_wait3A_175 : memref<1x256xf32, #tpu.memory_space<hbm>> -> memref<256xf32, #tpu.memory_space<hbm>>
      tpu.wait_dma2 semaphore(%run_scoped3A : memref<!tpu.dma_semaphore, #tpu.memory_space<semaphore_mem>>) src(%dma_wait3A_176 : memref<256xf32, #tpu.memory_space<hbm>>) dst(%arg18 : memref<256xf32, #tpu.memory_space<vmem>>)
      tpu.yield
    }) : () -> ()
    %mul3A_39 = arith.constant 64 : i32
    %mul3A_40 = arith.muli %select_n3A_30, %mul3A_39 : i32
    "tpu.region"() ({
      %run_scoped3A = tpu.sem_alloc : memref<!tpu.dma_semaphore, #tpu.memory_space<semaphore_mem>>
      %dma_start3A_169 = tpu.memref_slice %arg6[%select_n3A, %mul3A_40] : memref<8x256xf32, #tpu.memory_space<hbm>> -> memref<1x64xf32, #tpu.memory_space<hbm>>
      %dma_start3A_170 = tpu.memref_squeeze %dma_start3A_169 : memref<1x64xf32, #tpu.memory_space<hbm>> -> memref<64xf32, #tpu.memory_space<hbm>>
      %dma_start3A_171 = tpu.memref_slice %arg6[%select_n3A, %mul3A_40] : memref<8x256xf32, #tpu.memory_space<hbm>> -> memref<1x64xf32, #tpu.memory_space<hbm>>
      %dma_start3A_172 = tpu.memref_squeeze %dma_start3A_171 : memref<1x64xf32, #tpu.memory_space<hbm>> -> memref<64xf32, #tpu.memory_space<hbm>>
      tpu.enqueue_dma source(%dma_start3A_172 : memref<64xf32, #tpu.memory_space<hbm>>) target(%arg19 : memref<64xf32, #tpu.memory_space<vmem>>) target_semaphore(%run_scoped3A : memref<!tpu.dma_semaphore, #tpu.memory_space<semaphore_mem>>)
      %dma_wait3A_173 = tpu.memref_slice %arg6[%select_n3A, %mul3A_40] : memref<8x256xf32, #tpu.memory_space<hbm>> -> memref<1x64xf32, #tpu.memory_space<hbm>>
      %dma_wait3A_174 = tpu.memref_squeeze %dma_wait3A_173 : memref<1x64xf32, #tpu.memory_space<hbm>> -> memref<64xf32, #tpu.memory_space<hbm>>
      %dma_wait3A_175 = tpu.memref_slice %arg6[%select_n3A, %mul3A_40] : memref<8x256xf32, #tpu.memory_space<hbm>> -> memref<1x64xf32, #tpu.memory_space<hbm>>
      %dma_wait3A_176 = tpu.memref_squeeze %dma_wait3A_175 : memref<1x64xf32, #tpu.memory_space<hbm>> -> memref<64xf32, #tpu.memory_space<hbm>>
      tpu.wait_dma2 semaphore(%run_scoped3A : memref<!tpu.dma_semaphore, #tpu.memory_space<semaphore_mem>>) src(%dma_wait3A_176 : memref<64xf32, #tpu.memory_space<hbm>>) dst(%arg19 : memref<64xf32, #tpu.memory_space<vmem>>)
      tpu.yield
    }) : () -> ()
    "tpu.region"() ({
      %run_scoped3A = tpu.sem_alloc : memref<!tpu.dma_semaphore, #tpu.memory_space<semaphore_mem>>
      %dma_start3A_169 = tpu.memref_slice %arg7[%select_n3A, %mul3A_40] : memref<8x256xf32, #tpu.memory_space<hbm>> -> memref<1x64xf32, #tpu.memory_space<hbm>>
      %dma_start3A_170 = tpu.memref_squeeze %dma_start3A_169 : memref<1x64xf32, #tpu.memory_space<hbm>> -> memref<64xf32, #tpu.memory_space<hbm>>
      %dma_start3A_171 = tpu.memref_slice %arg7[%select_n3A, %mul3A_40] : memref<8x256xf32, #tpu.memory_space<hbm>> -> memref<1x64xf32, #tpu.memory_space<hbm>>
      %dma_start3A_172 = tpu.memref_squeeze %dma_start3A_171 : memref<1x64xf32, #tpu.memory_space<hbm>> -> memref<64xf32, #tpu.memory_space<hbm>>
      tpu.enqueue_dma source(%dma_start3A_172 : memref<64xf32, #tpu.memory_space<hbm>>) target(%arg20 : memref<64xf32, #tpu.memory_space<vmem>>) target_semaphore(%run_scoped3A : memref<!tpu.dma_semaphore, #tpu.memory_space<semaphore_mem>>)
      %dma_wait3A_173 = tpu.memref_slice %arg7[%select_n3A, %mul3A_40] : memref<8x256xf32, #tpu.memory_space<hbm>> -> memref<1x64xf32, #tpu.memory_space<hbm>>
      %dma_wait3A_174 = tpu.memref_squeeze %dma_wait3A_173 : memref<1x64xf32, #tpu.memory_space<hbm>> -> memref<64xf32, #tpu.memory_space<hbm>>
      %dma_wait3A_175 = tpu.memref_slice %arg7[%select_n3A, %mul3A_40] : memref<8x256xf32, #tpu.memory_space<hbm>> -> memref<1x64xf32, #tpu.memory_space<hbm>>
      %dma_wait3A_176 = tpu.memref_squeeze %dma_wait3A_175 : memref<1x64xf32, #tpu.memory_space<hbm>> -> memref<64xf32, #tpu.memory_space<hbm>>
      tpu.wait_dma2 semaphore(%run_scoped3A : memref<!tpu.dma_semaphore, #tpu.memory_space<semaphore_mem>>) src(%dma_wait3A_176 : memref<64xf32, #tpu.memory_space<hbm>>) dst(%arg20 : memref<64xf32, #tpu.memory_space<vmem>>)
      tpu.yield
    }) : () -> ()
    %mul3A_41 = arith.constant 2048 : i32
    %mul3A_42 = arith.muli %select_n3A, %mul3A_41 : i32
    %iota3A = tpu.iota {dimensions = array<i32: 0>} : vector<16xi32>
    %broadcast_in_dim3A = arith.constant 0x7F800000 : f32
    %broadcast_in_dim3A_43 = vector.broadcast %broadcast_in_dim3A : f32 to vector<16xf32>
    %scan3A_44 = arith.constant 1073741824 : i32
    %scan3A_45 = arith.constant 0 : i32
    %scan3A_46 = arith.constant 0 : i32
    %scan3A_47 = arith.constant 256 : i32
    %scan3A_48 = arith.addi %scan3A_46, %scan3A_47 : i32
    %scan3A_49 = arith.constant 1 : i32
    %scan3A_50 = scf.for %scan3A_169 = %scan3A_46 to %scan3A_48 step %scan3A_49 iter_args(%scan3A_170 = %scan3A_45) -> (i32)  : i32 {
      %broadcast_in_dim3A_171 = vector.broadcast %scan3A_169 : i32 to vector<16xi32>
      %gather3A = tpu.vector_load_idx %arg17[%broadcast_in_dim3A_171] : memref<256xf32, #tpu.memory_space<vmem>>[vector<16xi32>], vector<16xf32>,
      %gather3A_172 = tpu.vector_load_idx %arg18[%broadcast_in_dim3A_171] : memref<256xf32, #tpu.memory_space<vmem>>[vector<16xi32>], vector<16xf32>,
      %scan3A_173 = arith.constant 0 : i32
      %scan3A_174 = arith.constant 0 : i32
      %scan3A_175 = arith.constant 128 : i32
      %scan3A_176 = arith.addi %scan3A_174, %scan3A_175 : i32
      %scan3A_177 = arith.constant 1 : i32
      %scan3A_178 = scf.for %scan3A_191 = %scan3A_174 to %scan3A_176 step %scan3A_177 iter_args(%scan3A_192 = %scan3A_173) -> (i32)  : i32 {
        %mul3A_193 = arith.constant 16 : i32
        %mul3A_194 = arith.muli %scan3A_191, %mul3A_193 : i32
        %get3A = arith.index_cast %mul3A_194 : i32 to index
        %get3A_195 = tpu.vector_load %arg13[%get3A] {strides = array<i32>} : memref<2048xf32, #tpu.memory_space<vmem>>, vector<16xf32>,
        %sub3A_196 = arith.subf %get3A_195, %gather3A : vector<16xf32>
        %get3A_197 = arith.index_cast %mul3A_194 : i32 to index
        %get3A_198 = tpu.vector_load %arg14[%get3A_197] {strides = array<i32>} : memref<2048xf32, #tpu.memory_space<vmem>>, vector<16xf32>,
        %sub3A_199 = arith.subf %get3A_198, %gather3A_172 : vector<16xf32>
        %mul3A_200 = arith.mulf %sub3A_196, %sub3A_196 : vector<16xf32>
        %mul3A_201 = arith.mulf %sub3A_199, %sub3A_199 : vector<16xf32>
        %add3A_202 = arith.addf %mul3A_200, %mul3A_201 : vector<16xf32>
        %le3A = arith.constant 4.000000e-02 : f32
        %le3A_203 = vector.broadcast %le3A : f32 to vector<16xf32>
        %le3A_204 = arith.cmpf ole, %add3A_202, %le3A_203 : vector<16xf32>
        %add3A_205 = vector.broadcast %mul3A_194 : i32 to vector<16xi32>
        %add3A_206 = arith.addi %iota3A, %add3A_205 : vector<16xi32>
        %swap3A = arith.index_cast %scan3A_192 : i32 to index
        %swap3A_207 = tpu.vector_load %arg21[%swap3A] masked %le3A_204 {strides = array<i32>} : memref<2064xi32, #tpu.memory_space<vmem>>, vector<16xi32>, vector<16xi1>
        tpu.vector_store %arg21[%swap3A], %add3A_206 masked %le3A_204 {strides = array<i32>} : memref<2064xi32, #tpu.memory_space<vmem>>, vector<16xi32>, vector<16xi1>
        %convert_element_type3A_208 = arith.extui %le3A_204 : vector<16xi1> to vector<16xi32>
        %reduce_sum3A = arith.constant true
        %reduce_sum3A_209 = vector.broadcast %reduce_sum3A : i1 to vector<16xi1>
        %reduce_sum3A_210 = tpu.scan <sum>, %convert_element_type3A_208 masked %reduce_sum3A_209 : vector<16xi32>, vector<16xi1> -> vector<16xi32>
        %reduce_sum3A_211 = vector.extract %reduce_sum3A_210[15] : i32 from vector<16xi32>
        %add3A_212 = arith.addi %scan3A_192, %reduce_sum3A_211 : i32
        scf.yield %add3A_212 : i32
      }
      %scan3A_179 = arith.constant 128 : i32
      %min3A = arith.constant 64 : i32
      %min3A_180 = arith.minsi %scan3A_178, %min3A : i32
      %broadcast_in_dim3A_181 = vector.broadcast %scan3A_169 : i32 to vector<16xi32>
      %broadcast_in_dim3A_182 = vector.broadcast %min3A_180 : i32 to vector<16xi32>
      %eq3A_183 = arith.constant 0 : i32
      %eq3A_184 = vector.broadcast %eq3A_183 : i32 to vector<16xi32>
      %eq3A_185 = arith.cmpi eq, %iota3A, %eq3A_184 : vector<16xi32>
      tpu.vector_store_idx %arg24[%broadcast_in_dim3A_181], %broadcast_in_dim3A_182 masked %eq3A_185 : memref<256xi32, #tpu.memory_space<vmem>>[vector<16xi32>], vector<16xi32>, vector<16xi1>
      %gt3A = arith.constant 64 : i32
      %gt3A_186 = arith.cmpi sgt, %scan3A_178, %gt3A : i32
      %convert_element_type3A = arith.extui %gt3A_186 : i1 to i32
      %cond3A = arith.constant 0 : i32
      %cond3A_187 = arith.constant 0 : i32
      %cond3A_188 = arith.cmpi ne, %convert_element_type3A, %cond3A_187 : i32
      %cond3A_189 = scf.if %cond3A_188 -> (i32) {
        %add3A_191 = arith.constant 15 : i32
        %add3A_192 = arith.addi %scan3A_178, %add3A_191 : i32
        %jit3A_193 = arith.constant 16 : i32
        %div3A_194 = arith.divsi %add3A_192, %jit3A_193 : i32
        %sign3A_195 = arith.constant 0 : i32
        %sign3A_196 = arith.cmpi sgt, %add3A_192, %sign3A_195 : i32
        %sign3A_197 = arith.extui %sign3A_196 : i1 to i32
        %sign3A_198 = arith.constant 0 : i32
        %sign3A_199 = arith.cmpi slt, %add3A_192, %sign3A_198 : i32
        %sign3A_200 = arith.extui %sign3A_199 : i1 to i32
        %sign3A_201 = arith.subi %sign3A_197, %sign3A_200 : i32
        %sign3A_202 = arith.constant 0 : i32
        %sign3A_203 = arith.cmpi sgt, %jit3A_193, %sign3A_202 : i32
        %sign3A_204 = arith.extui %sign3A_203 : i1 to i32
        %sign3A_205 = arith.constant 0 : i32
        %sign3A_206 = arith.cmpi slt, %jit3A_193, %sign3A_205 : i32
        %sign3A_207 = arith.extui %sign3A_206 : i1 to i32
        %sign3A_208 = arith.subi %sign3A_204, %sign3A_207 : i32
        %ne3A_209 = arith.cmpi ne, %sign3A_201, %sign3A_208 : i32
        %rem3A_210 = arith.remsi %add3A_192, %jit3A_193 : i32
        %ne3A_211 = arith.constant 0 : i32
        %ne3A_212 = arith.cmpi ne, %rem3A_210, %ne3A_211 : i32
        %and3A_213 = arith.andi %ne3A_209, %ne3A_212 : i1
        %sub3A_214 = arith.constant 1 : i32
        %sub3A_215 = arith.subi %div3A_194, %sub3A_214 : i32
        %select_n3A_216 = arith.select %and3A_213, %sub3A_215, %div3A_194 : i32
        %while3A = arith.constant 0 : i32
        %while3A_217 = arith.constant 0 : i32
        %while3A_218 = arith.subi %select_n3A_216, %while3A : i32
        %while3A_219 = arith.addi %while3A, %while3A_218 : i32
        %while3A_220 = arith.constant 1 : i32
        %while3A_221 = arith.divsi %while3A_218, %while3A_220 : i32
        %while3A_222 = arith.muli %while3A_221, %while3A_220 : i32
        %while3A_223 = arith.addi %while3A, %while3A_222 : i32
        %while3A_224 = arith.constant 1 : i32
        %while3A_225 = scf.for %while3A_236 = %while3A to %while3A_223 step %while3A_224 iter_args(%while3A_237 = %while3A_217) -> (i32)  : i32 {
          %mul3A_238 = arith.constant 16 : i32
          %mul3A_239 = arith.muli %while3A_236, %mul3A_238 : i32
          %get3A = arith.index_cast %mul3A_239 : i32 to index
          %get3A_240 = tpu.vector_load %arg21[%get3A] {strides = array<i32>} : memref<2064xi32, #tpu.memory_space<vmem>>, vector<16xi32>,
          %gather3A_241 = tpu.vector_load_idx %arg13[%get3A_240] : memref<2048xf32, #tpu.memory_space<vmem>>[vector<16xi32>], vector<16xf32>,
          %gather3A_242 = tpu.vector_load_idx %arg14[%get3A_240] : memref<2048xf32, #tpu.memory_space<vmem>>[vector<16xi32>], vector<16xf32>,
          %sub3A_243 = arith.subf %gather3A_241, %gather3A : vector<16xf32>
          %sub3A_244 = arith.subf %gather3A_242, %gather3A_172 : vector<16xf32>
          %mul3A_245 = arith.mulf %sub3A_243, %sub3A_243 : vector<16xf32>
          %mul3A_246 = arith.mulf %sub3A_244, %sub3A_244 : vector<16xf32>
          %add3A_247 = arith.addf %mul3A_245, %mul3A_246 : vector<16xf32>
          %add3A_248 = vector.broadcast %mul3A_239 : i32 to vector<16xi32>
          %add3A_249 = arith.addi %iota3A, %add3A_248 : vector<16xi32>
          %lt3A_250 = vector.broadcast %scan3A_178 : i32 to vector<16xi32>
          %lt3A_251 = arith.cmpi slt, %add3A_249, %lt3A_250 : vector<16xi32>
          %jit3A_252 = arith.constant 0x7F800000 : f32
          %broadcast_in_dim3A_253 = vector.broadcast %jit3A_252 : f32 to vector<16xf32>
          %select_n3A_254 = arith.select %lt3A_251, %add3A_247, %broadcast_in_dim3A_253 : vector<16xi1>, vector<16xf32>
          %swap3A = arith.index_cast %mul3A_239 : i32 to index
          %swap3A_255 = tpu.vector_load %arg22[%swap3A] {strides = array<i32>} : memref<2064xf32, #tpu.memory_space<vmem>>, vector<16xf32>,
          tpu.vector_store %arg22[%swap3A], %select_n3A_254 {strides = array<i32>} : memref<2064xf32, #tpu.memory_space<vmem>>, vector<16xf32>,
          %while3A_256 = arith.constant 0 : i32
          scf.yield %while3A_256 : i32
        }
        %while3A_226 = arith.constant 1 : i32
        %while3A_227 = scf.for %while3A_236 = %while3A_223 to %while3A_219 step %while3A_226 iter_args(%while3A_237 = %while3A_225) -> (i32)  : i32 {
          %mul3A_238 = arith.constant 16 : i32
          %mul3A_239 = arith.muli %while3A_236, %mul3A_238 : i32
          %get3A = arith.index_cast %mul3A_239 : i32 to index
          %get3A_240 = tpu.vector_load %arg21[%get3A] {strides = array<i32>} : memref<2064xi32, #tpu.memory_space<vmem>>, vector<16xi32>,
          %gather3A_241 = tpu.vector_load_idx %arg13[%get3A_240] : memref<2048xf32, #tpu.memory_space<vmem>>[vector<16xi32>], vector<16xf32>,
          %gather3A_242 = tpu.vector_load_idx %arg14[%get3A_240] : memref<2048xf32, #tpu.memory_space<vmem>>[vector<16xi32>], vector<16xf32>,
          %sub3A_243 = arith.subf %gather3A_241, %gather3A : vector<16xf32>
          %sub3A_244 = arith.subf %gather3A_242, %gather3A_172 : vector<16xf32>
          %mul3A_245 = arith.mulf %sub3A_243, %sub3A_243 : vector<16xf32>
          %mul3A_246 = arith.mulf %sub3A_244, %sub3A_244 : vector<16xf32>
          %add3A_247 = arith.addf %mul3A_245, %mul3A_246 : vector<16xf32>
          %add3A_248 = vector.broadcast %mul3A_239 : i32 to vector<16xi32>
          %add3A_249 = arith.addi %iota3A, %add3A_248 : vector<16xi32>
          %lt3A_250 = vector.broadcast %scan3A_178 : i32 to vector<16xi32>
          %lt3A_251 = arith.cmpi slt, %add3A_249, %lt3A_250 : vector<16xi32>
          %jit3A_252 = arith.constant 0x7F800000 : f32
          %broadcast_in_dim3A_253 = vector.broadcast %jit3A_252 : f32 to vector<16xf32>
          %select_n3A_254 = arith.select %lt3A_251, %add3A_247, %broadcast_in_dim3A_253 : vector<16xi1>, vector<16xf32>
          %swap3A = arith.index_cast %mul3A_239 : i32 to index
          %swap3A_255 = tpu.vector_load %arg22[%swap3A] {strides = array<i32>} : memref<2064xf32, #tpu.memory_space<vmem>>, vector<16xf32>,
          tpu.vector_store %arg22[%swap3A], %select_n3A_254 {strides = array<i32>} : memref<2064xf32, #tpu.memory_space<vmem>>, vector<16xf32>,
          %while3A_256 = arith.constant 0 : i32
          scf.yield %while3A_256 : i32
        }
        %scan3A_228 = arith.constant 0 : i32
        %scan3A_229 = arith.constant 0 : i32
        %scan3A_230 = arith.constant 64 : i32
        %scan3A_231 = arith.addi %scan3A_229, %scan3A_230 : i32
        %scan3A_232 = arith.constant 1 : i32
        %scan3A_233 = scf.for %scan3A_236 = %scan3A_229 to %scan3A_231 step %scan3A_232 iter_args(%scan3A_237 = %scan3A_228) -> (i32)  : i32 {
          %while3A_238 = arith.constant 0 : i32
          %while3A_239 = arith.subi %select_n3A_216, %while3A_238 : i32
          %while3A_240 = arith.addi %while3A_238, %while3A_239 : i32
          %while3A_241 = arith.constant 1 : i32
          %while3A_242 = arith.divsi %while3A_239, %while3A_241 : i32
          %while3A_243 = arith.muli %while3A_242, %while3A_241 : i32
          %while3A_244 = arith.addi %while3A_238, %while3A_243 : i32
          %while3A_245 = arith.constant 1 : i32
          %while3A_246 = scf.for %while3A_285 = %while3A_238 to %while3A_244 step %while3A_245 iter_args(%while3A_286 = %broadcast_in_dim3A_43) -> (vector<16xf32>)  : i32 {
            %mul3A_287 = arith.constant 16 : i32
            %mul3A_288 = arith.muli %while3A_285, %mul3A_287 : i32
            %get3A = arith.index_cast %mul3A_288 : i32 to index
            %get3A_289 = tpu.vector_load %arg22[%get3A] {strides = array<i32>} : memref<2064xf32, #tpu.memory_space<vmem>>, vector<16xf32>,
            %min3A_290 = arith.minimumf %while3A_286, %get3A_289 : vector<16xf32>
            scf.yield %min3A_290 : vector<16xf32>
          }
          %while3A_247 = arith.constant 1 : i32
          %while3A_248 = scf.for %while3A_285 = %while3A_244 to %while3A_240 step %while3A_247 iter_args(%while3A_286 = %while3A_246) -> (vector<16xf32>)  : i32 {
            %mul3A_287 = arith.constant 16 : i32
            %mul3A_288 = arith.muli %while3A_285, %mul3A_287 : i32
            %get3A = arith.index_cast %mul3A_288 : i32 to index
            %get3A_289 = tpu.vector_load %arg22[%get3A] {strides = array<i32>} : memref<2064xf32, #tpu.memory_space<vmem>>, vector<16xf32>,
            %min3A_290 = arith.minimumf %while3A_286, %get3A_289 : vector<16xf32>
            scf.yield %min3A_290 : vector<16xf32>
          }
          %reduce_min3A = arith.constant true
          %reduce_min3A_249 = vector.broadcast %reduce_min3A : i1 to vector<16xi1>
          %reduce_min3A_250 = tpu.scan <min>, %while3A_248 masked %reduce_min3A_249 : vector<16xf32>, vector<16xi1> -> vector<16xf32>
          %reduce_min3A_251 = vector.extract %reduce_min3A_250[15] : f32 from vector<16xf32>
          %while3A_252 = arith.constant 0 : i32
          %while3A_253 = arith.subi %select_n3A_216, %while3A_252 : i32
          %while3A_254 = arith.addi %while3A_252, %while3A_253 : i32
          %while3A_255 = arith.constant 1 : i32
          %while3A_256 = arith.divsi %while3A_253, %while3A_255 : i32
          %while3A_257 = arith.muli %while3A_256, %while3A_255 : i32
          %while3A_258 = arith.addi %while3A_252, %while3A_257 : i32
          %while3A_259 = arith.constant 1 : i32
          %while3A_260 = scf.for %while3A_285 = %while3A_252 to %while3A_258 step %while3A_259 iter_args(%while3A_286 = %scan3A_44) -> (i32)  : i32 {
            %mul3A_287 = arith.constant 16 : i32
            %mul3A_288 = arith.muli %while3A_285, %mul3A_287 : i32
            %get3A = arith.index_cast %mul3A_288 : i32 to index
            %get3A_289 = tpu.vector_load %arg21[%get3A] {strides = array<i32>} : memref<2064xi32, #tpu.memory_space<vmem>>, vector<16xi32>,
            %get3A_290 = arith.index_cast %mul3A_288 : i32 to index
            %get3A_291 = tpu.vector_load %arg22[%get3A_290] {strides = array<i32>} : memref<2064xf32, #tpu.memory_space<vmem>>, vector<16xf32>,
            %eq3A_292 = vector.broadcast %reduce_min3A_251 : f32 to vector<16xf32>
            %eq3A_293 = arith.cmpf oeq, %get3A_291, %eq3A_292 : vector<16xf32>
            %broadcast_in_dim3A_294 = vector.broadcast %scan3A_44 : i32 to vector<16xi32>
            %select_n3A_295 = arith.select %eq3A_293, %get3A_289, %broadcast_in_dim3A_294 : vector<16xi1>, vector<16xi32>
            %reduce_min3A_296 = arith.constant true
            %reduce_min3A_297 = vector.broadcast %reduce_min3A_296 : i1 to vector<16xi1>
            %reduce_min3A_298 = arith.constant -2147483648 : i32
            %reduce_min3A_299 = vector.broadcast %reduce_min3A_298 : i32 to vector<16xi32>
            %reduce_min3A_300 = arith.xori %select_n3A_295, %reduce_min3A_299 : vector<16xi32>
            %reduce_min3A_301 = tpu.scan <min>, %reduce_min3A_300 masked %reduce_min3A_297 : vector<16xi32>, vector<16xi1> -> vector<16xi32>
            %reduce_min3A_302 = arith.xori %reduce_min3A_301, %reduce_min3A_299 : vector<16xi32>
            %reduce_min3A_303 = vector.extract %reduce_min3A_302[15] : i32 from vector<16xi32>
            %min3A_304 = arith.minsi %while3A_286, %reduce_min3A_303 : i32
            scf.yield %min3A_304 : i32
          }
          %while3A_261 = arith.constant 1 : i32
          %while3A_262 = scf.for %while3A_285 = %while3A_258 to %while3A_254 step %while3A_261 iter_args(%while3A_286 = %while3A_260) -> (i32)  : i32 {
            %mul3A_287 = arith.constant 16 : i32
            %mul3A_288 = arith.muli %while3A_285, %mul3A_287 : i32
            %get3A = arith.index_cast %mul3A_288 : i32 to index
            %get3A_289 = tpu.vector_load %arg21[%get3A] {strides = array<i32>} : memref<2064xi32, #tpu.memory_space<vmem>>, vector<16xi32>,
            %get3A_290 = arith.index_cast %mul3A_288 : i32 to index
            %get3A_291 = tpu.vector_load %arg22[%get3A_290] {strides = array<i32>} : memref<2064xf32, #tpu.memory_space<vmem>>, vector<16xf32>,
            %eq3A_292 = vector.broadcast %reduce_min3A_251 : f32 to vector<16xf32>
            %eq3A_293 = arith.cmpf oeq, %get3A_291, %eq3A_292 : vector<16xf32>
            %broadcast_in_dim3A_294 = vector.broadcast %scan3A_44 : i32 to vector<16xi32>
            %select_n3A_295 = arith.select %eq3A_293, %get3A_289, %broadcast_in_dim3A_294 : vector<16xi1>, vector<16xi32>
            %reduce_min3A_296 = arith.constant true
            %reduce_min3A_297 = vector.broadcast %reduce_min3A_296 : i1 to vector<16xi1>
            %reduce_min3A_298 = arith.constant -2147483648 : i32
            %reduce_min3A_299 = vector.broadcast %reduce_min3A_298 : i32 to vector<16xi32>
            %reduce_min3A_300 = arith.xori %select_n3A_295, %reduce_min3A_299 : vector<16xi32>
            %reduce_min3A_301 = tpu.scan <min>, %reduce_min3A_300 masked %reduce_min3A_297 : vector<16xi32>, vector<16xi1> -> vector<16xi32>
            %reduce_min3A_302 = arith.xori %reduce_min3A_301, %reduce_min3A_299 : vector<16xi32>
            %reduce_min3A_303 = vector.extract %reduce_min3A_302[15] : i32 from vector<16xi32>
            %min3A_304 = arith.minsi %while3A_286, %reduce_min3A_303 : i32
            scf.yield %min3A_304 : i32
          }
          %mul3A_263 = arith.constant 64 : i32
          %mul3A_264 = arith.muli %scan3A_169, %mul3A_263 : i32
          %add3A_265 = arith.addi %mul3A_264, %scan3A_236 : i32
          %broadcast_in_dim3A_266 = vector.broadcast %add3A_265 : i32 to vector<16xi32>
          %add3A_267 = arith.addi %while3A_262, %mul3A_42 : i32
          %broadcast_in_dim3A_268 = vector.broadcast %add3A_267 : i32 to vector<16xi32>
          %eq3A_269 = arith.constant 0 : i32
          %eq3A_270 = vector.broadcast %eq3A_269 : i32 to vector<16xi32>
          %eq3A_271 = arith.cmpi eq, %iota3A, %eq3A_270 : vector<16xi32>
          tpu.vector_store_idx %arg23[%broadcast_in_dim3A_266], %broadcast_in_dim3A_268 masked %eq3A_271 : memref<16384xi32, #tpu.memory_space<vmem>>[vector<16xi32>], vector<16xi32>, vector<16xi1>
          %while3A_272 = arith.constant 0 : i32
          %while3A_273 = arith.constant 0 : i32
          %while3A_274 = arith.subi %select_n3A_216, %while3A_272 : i32
          %while3A_275 = arith.addi %while3A_272, %while3A_274 : i32
          %while3A_276 = arith.constant 1 : i32
          %while3A_277 = arith.divsi %while3A_274, %while3A_276 : i32
          %while3A_278 = arith.muli %while3A_277, %while3A_276 : i32
          %while3A_279 = arith.addi %while3A_272, %while3A_278 : i32
          %while3A_280 = arith.constant 1 : i32
          %while3A_281 = scf.for %while3A_285 = %while3A_272 to %while3A_279 step %while3A_280 iter_args(%while3A_286 = %while3A_273) -> (i32)  : i32 {
            %mul3A_287 = arith.constant 16 : i32
            %mul3A_288 = arith.muli %while3A_285, %mul3A_287 : i32
            %get3A = arith.index_cast %mul3A_288 : i32 to index
            %get3A_289 = tpu.vector_load %arg21[%get3A] {strides = array<i32>} : memref<2064xi32, #tpu.memory_space<vmem>>, vector<16xi32>,
            %get3A_290 = arith.index_cast %mul3A_288 : i32 to index
            %get3A_291 = tpu.vector_load %arg22[%get3A_290] {strides = array<i32>} : memref<2064xf32, #tpu.memory_space<vmem>>, vector<16xf32>,
            %eq3A_292 = vector.broadcast %while3A_262 : i32 to vector<16xi32>
            %eq3A_293 = arith.cmpi eq, %get3A_289, %eq3A_292 : vector<16xi32>
            %jit3A_294 = arith.constant 0x7F800000 : f32
            %broadcast_in_dim3A_295 = vector.broadcast %jit3A_294 : f32 to vector<16xf32>
            %select_n3A_296 = arith.select %eq3A_293, %broadcast_in_dim3A_295, %get3A_291 : vector<16xi1>, vector<16xf32>
            %swap3A = arith.index_cast %mul3A_288 : i32 to index
            %swap3A_297 = tpu.vector_load %arg22[%swap3A] {strides = array<i32>} : memref<2064xf32, #tpu.memory_space<vmem>>, vector<16xf32>,
            tpu.vector_store %arg22[%swap3A], %select_n3A_296 {strides = array<i32>} : memref<2064xf32, #tpu.memory_space<vmem>>, vector<16xf32>,
            %while3A_298 = arith.constant 0 : i32
            scf.yield %while3A_298 : i32
          }
          %while3A_282 = arith.constant 1 : i32
          %while3A_283 = scf.for %while3A_285 = %while3A_279 to %while3A_275 step %while3A_282 iter_args(%while3A_286 = %while3A_281) -> (i32)  : i32 {
            %mul3A_287 = arith.constant 16 : i32
            %mul3A_288 = arith.muli %while3A_285, %mul3A_287 : i32
            %get3A = arith.index_cast %mul3A_288 : i32 to index
            %get3A_289 = tpu.vector_load %arg21[%get3A] {strides = array<i32>} : memref<2064xi32, #tpu.memory_space<vmem>>, vector<16xi32>,
            %get3A_290 = arith.index_cast %mul3A_288 : i32 to index
            %get3A_291 = tpu.vector_load %arg22[%get3A_290] {strides = array<i32>} : memref<2064xf32, #tpu.memory_space<vmem>>, vector<16xf32>,
            %eq3A_292 = vector.broadcast %while3A_262 : i32 to vector<16xi32>
            %eq3A_293 = arith.cmpi eq, %get3A_289, %eq3A_292 : vector<16xi32>
            %jit3A_294 = arith.constant 0x7F800000 : f32
            %broadcast_in_dim3A_295 = vector.broadcast %jit3A_294 : f32 to vector<16xf32>
            %select_n3A_296 = arith.select %eq3A_293, %broadcast_in_dim3A_295, %get3A_291 : vector<16xi1>, vector<16xf32>
            %swap3A = arith.index_cast %mul3A_288 : i32 to index
            %swap3A_297 = tpu.vector_load %arg22[%swap3A] {strides = array<i32>} : memref<2064xf32, #tpu.memory_space<vmem>>, vector<16xf32>,
            tpu.vector_store %arg22[%swap3A], %select_n3A_296 {strides = array<i32>} : memref<2064xf32, #tpu.memory_space<vmem>>, vector<16xf32>,
            %while3A_298 = arith.constant 0 : i32
            scf.yield %while3A_298 : i32
          }
          %scan3A_284 = arith.constant 0 : i32
          scf.yield %scan3A_284 : i32
        }
        %scan3A_234 = arith.constant 64 : i32
        %cond3A_235 = arith.constant 0 : i32
        scf.yield %cond3A_235 : i32
      } else {
        %get3A = arith.constant 0 : index
        %get3A_191 = tpu.vector_load %arg21[%get3A] {strides = array<i32>} : memref<2064xi32, #tpu.memory_space<vmem>>, vector<16xi32>,
        %add3A_192 = vector.broadcast %mul3A_42 : i32 to vector<16xi32>
        %add3A_193 = arith.addi %get3A_191, %add3A_192 : vector<16xi32>
        %mul3A_194 = arith.constant 64 : i32
        %mul3A_195 = arith.muli %scan3A_169, %mul3A_194 : i32
        %add3A_196 = arith.constant 0 : i32
        %add3A_197 = arith.addi %mul3A_195, %add3A_196 : i32
        %swap3A = arith.index_cast %add3A_197 : i32 to index
        %swap3A_198 = tpu.vector_load %arg23[%swap3A] {strides = array<i32>} : memref<16384xi32, #tpu.memory_space<vmem>>, vector<16xi32>,
        tpu.vector_store %arg23[%swap3A], %add3A_193 {strides = array<i32>} : memref<16384xi32, #tpu.memory_space<vmem>>, vector<16xi32>,
        %get3A_199 = arith.constant 16 : index
        %get3A_200 = tpu.vector_load %arg21[%get3A_199] {strides = array<i32>} : memref<2064xi32, #tpu.memory_space<vmem>>, vector<16xi32>,
        %add3A_201 = vector.broadcast %mul3A_42 : i32 to vector<16xi32>
        %add3A_202 = arith.addi %get3A_200, %add3A_201 : vector<16xi32>
        %mul3A_203 = arith.constant 64 : i32
        %mul3A_204 = arith.muli %scan3A_169, %mul3A_203 : i32
        %add3A_205 = arith.constant 16 : i32
        %add3A_206 = arith.addi %mul3A_204, %add3A_205 : i32
        %swap3A_207 = arith.index_cast %add3A_206 : i32 to index
        %swap3A_208 = tpu.vector_load %arg23[%swap3A_207] {strides = array<i32>} : memref<16384xi32, #tpu.memory_space<vmem>>, vector<16xi32>,
        tpu.vector_store %arg23[%swap3A_207], %add3A_202 {strides = array<i32>} : memref<16384xi32, #tpu.memory_space<vmem>>, vector<16xi32>,
        %get3A_209 = arith.constant 32 : index
        %get3A_210 = tpu.vector_load %arg21[%get3A_209] {strides = array<i32>} : memref<2064xi32, #tpu.memory_space<vmem>>, vector<16xi32>,
        %add3A_211 = vector.broadcast %mul3A_42 : i32 to vector<16xi32>
        %add3A_212 = arith.addi %get3A_210, %add3A_211 : vector<16xi32>
        %mul3A_213 = arith.constant 64 : i32
        %mul3A_214 = arith.muli %scan3A_169, %mul3A_213 : i32
        %add3A_215 = arith.constant 32 : i32
        %add3A_216 = arith.addi %mul3A_214, %add3A_215 : i32
        %swap3A_217 = arith.index_cast %add3A_216 : i32 to index
        %swap3A_218 = tpu.vector_load %arg23[%swap3A_217] {strides = array<i32>} : memref<16384xi32, #tpu.memory_space<vmem>>, vector<16xi32>,
        tpu.vector_store %arg23[%swap3A_217], %add3A_212 {strides = array<i32>} : memref<16384xi32, #tpu.memory_space<vmem>>, vector<16xi32>,
        %get3A_219 = arith.constant 48 : index
        %get3A_220 = tpu.vector_load %arg21[%get3A_219] {strides = array<i32>} : memref<2064xi32, #tpu.memory_space<vmem>>, vector<16xi32>,
        %add3A_221 = vector.broadcast %mul3A_42 : i32 to vector<16xi32>
        %add3A_222 = arith.addi %get3A_220, %add3A_221 : vector<16xi32>
        %mul3A_223 = arith.constant 64 : i32
        %mul3A_224 = arith.muli %scan3A_169, %mul3A_223 : i32
        %add3A_225 = arith.constant 48 : i32
        %add3A_226 = arith.addi %mul3A_224, %add3A_225 : i32
        %swap3A_227 = arith.index_cast %add3A_226 : i32 to index
        %swap3A_228 = tpu.vector_load %arg23[%swap3A_227] {strides = array<i32>} : memref<16384xi32, #tpu.memory_space<vmem>>, vector<16xi32>,
        tpu.vector_store %arg23[%swap3A_227], %add3A_222 {strides = array<i32>} : memref<16384xi32, #tpu.memory_space<vmem>>, vector<16xi32>,
        %cond3A_229 = arith.constant 0 : i32
        scf.yield %cond3A_229 : i32
      }
      %scan3A_190 = arith.constant 0 : i32
      scf.yield %scan3A_190 : i32
    }
    %scan3A_51 = arith.constant 256 : i32
    %mul3A_52 = arith.constant 1024 : i32
    %mul3A_53 = arith.muli %select_n3A, %mul3A_52 : i32
    %add3A_54 = arith.addi %mul3A_53, %mul3A_38 : i32
    "tpu.region"() ({
      %run_scoped3A = tpu.sem_alloc : memref<!tpu.dma_semaphore, #tpu.memory_space<semaphore_mem>>
      %dma_start3A_169 = tpu.memref_slice %arg10[%add3A_54] : memref<8192xi32, #tpu.memory_space<hbm>> -> memref<256xi32, #tpu.memory_space<hbm>>
      %dma_start3A_170 = tpu.memref_slice %arg10[%add3A_54] : memref<8192xi32, #tpu.memory_space<hbm>> -> memref<256xi32, #tpu.memory_space<hbm>>
      tpu.enqueue_dma source(%arg24 : memref<256xi32, #tpu.memory_space<vmem>>) target(%dma_start3A_170 : memref<256xi32, #tpu.memory_space<hbm>>) target_semaphore(%run_scoped3A : memref<!tpu.dma_semaphore, #tpu.memory_space<semaphore_mem>>)
      %dma_wait3A_171 = tpu.memref_slice %arg10[%add3A_54] : memref<8192xi32, #tpu.memory_space<hbm>> -> memref<256xi32, #tpu.memory_space<hbm>>
      %dma_wait3A_172 = tpu.memref_slice %arg10[%add3A_54] : memref<8192xi32, #tpu.memory_space<hbm>> -> memref<256xi32, #tpu.memory_space<hbm>>
      tpu.wait_dma2 semaphore(%run_scoped3A : memref<!tpu.dma_semaphore, #tpu.memory_space<semaphore_mem>>) src(%arg24 : memref<256xi32, #tpu.memory_space<vmem>>) dst(%dma_wait3A_172 : memref<256xi32, #tpu.memory_space<hbm>>)
      tpu.yield
    }) : () -> ()
    %mul3A_55 = arith.constant 1024 : i32
    %mul3A_56 = arith.muli %select_n3A, %mul3A_55 : i32
    %iota3A_57 = tpu.iota {dimensions = array<i32: 0>} : vector<16xi32>
    %broadcast_in_dim3A_58 = arith.constant 0x7F800000 : f32
    %broadcast_in_dim3A_59 = vector.broadcast %broadcast_in_dim3A_58 : f32 to vector<16xf32>
    %scan3A_60 = arith.constant 1073741824 : i32
    %scan3A_61 = arith.constant 0 : i32
    %scan3A_62 = arith.constant 0 : i32
    %scan3A_63 = arith.constant 64 : i32
    %scan3A_64 = arith.addi %scan3A_62, %scan3A_63 : i32
    %scan3A_65 = arith.constant 1 : i32
    %scan3A_66 = scf.for %scan3A_169 = %scan3A_62 to %scan3A_64 step %scan3A_65 iter_args(%scan3A_170 = %scan3A_61) -> (i32)  : i32 {
      %broadcast_in_dim3A_171 = vector.broadcast %scan3A_169 : i32 to vector<16xi32>
      %gather3A = tpu.vector_load_idx %arg19[%broadcast_in_dim3A_171] : memref<64xf32, #tpu.memory_space<vmem>>[vector<16xi32>], vector<16xf32>,
      %gather3A_172 = tpu.vector_load_idx %arg20[%broadcast_in_dim3A_171] : memref<64xf32, #tpu.memory_space<vmem>>[vector<16xi32>], vector<16xf32>,
      %scan3A_173 = arith.constant 0 : i32
      %scan3A_174 = arith.constant 0 : i32
      %scan3A_175 = arith.constant 64 : i32
      %scan3A_176 = arith.addi %scan3A_174, %scan3A_175 : i32
      %scan3A_177 = arith.constant 1 : i32
      %scan3A_178 = scf.for %scan3A_191 = %scan3A_174 to %scan3A_176 step %scan3A_177 iter_args(%scan3A_192 = %scan3A_173) -> (i32)  : i32 {
        %mul3A_193 = arith.constant 16 : i32
        %mul3A_194 = arith.muli %scan3A_191, %mul3A_193 : i32
        %get3A = arith.index_cast %mul3A_194 : i32 to index
        %get3A_195 = tpu.vector_load %arg15[%get3A] {strides = array<i32>} : memref<1024xf32, #tpu.memory_space<vmem>>, vector<16xf32>,
        %sub3A_196 = arith.subf %get3A_195, %gather3A : vector<16xf32>
        %get3A_197 = arith.index_cast %mul3A_194 : i32 to index
        %get3A_198 = tpu.vector_load %arg16[%get3A_197] {strides = array<i32>} : memref<1024xf32, #tpu.memory_space<vmem>>, vector<16xf32>,
        %sub3A_199 = arith.subf %get3A_198, %gather3A_172 : vector<16xf32>
        %mul3A_200 = arith.mulf %sub3A_196, %sub3A_196 : vector<16xf32>
        %mul3A_201 = arith.mulf %sub3A_199, %sub3A_199 : vector<16xf32>
        %add3A_202 = arith.addf %mul3A_200, %mul3A_201 : vector<16xf32>
        %le3A = arith.constant 1.600000e-01 : f32
        %le3A_203 = vector.broadcast %le3A : f32 to vector<16xf32>
        %le3A_204 = arith.cmpf ole, %add3A_202, %le3A_203 : vector<16xf32>
        %add3A_205 = vector.broadcast %mul3A_194 : i32 to vector<16xi32>
        %add3A_206 = arith.addi %iota3A_57, %add3A_205 : vector<16xi32>
        %swap3A = arith.index_cast %scan3A_192 : i32 to index
        %swap3A_207 = tpu.vector_load %arg21[%swap3A] masked %le3A_204 {strides = array<i32>} : memref<2064xi32, #tpu.memory_space<vmem>>, vector<16xi32>, vector<16xi1>
        tpu.vector_store %arg21[%swap3A], %add3A_206 masked %le3A_204 {strides = array<i32>} : memref<2064xi32, #tpu.memory_space<vmem>>, vector<16xi32>, vector<16xi1>
        %convert_element_type3A_208 = arith.extui %le3A_204 : vector<16xi1> to vector<16xi32>
        %reduce_sum3A = arith.constant true
        %reduce_sum3A_209 = vector.broadcast %reduce_sum3A : i1 to vector<16xi1>
        %reduce_sum3A_210 = tpu.scan <sum>, %convert_element_type3A_208 masked %reduce_sum3A_209 : vector<16xi32>, vector<16xi1> -> vector<16xi32>
        %reduce_sum3A_211 = vector.extract %reduce_sum3A_210[15] : i32 from vector<16xi32>
        %add3A_212 = arith.addi %scan3A_192, %reduce_sum3A_211 : i32
        scf.yield %add3A_212 : i32
      }
      %scan3A_179 = arith.constant 64 : i32
      %min3A = arith.constant 64 : i32
      %min3A_180 = arith.minsi %scan3A_178, %min3A : i32
      %broadcast_in_dim3A_181 = vector.broadcast %scan3A_169 : i32 to vector<16xi32>
      %broadcast_in_dim3A_182 = vector.broadcast %min3A_180 : i32 to vector<16xi32>
      %eq3A_183 = arith.constant 0 : i32
      %eq3A_184 = vector.broadcast %eq3A_183 : i32 to vector<16xi32>
      %eq3A_185 = arith.cmpi eq, %iota3A_57, %eq3A_184 : vector<16xi32>
      tpu.vector_store_idx %arg26[%broadcast_in_dim3A_181], %broadcast_in_dim3A_182 masked %eq3A_185 : memref<64xi32, #tpu.memory_space<vmem>>[vector<16xi32>], vector<16xi32>, vector<16xi1>
      %gt3A = arith.constant 64 : i32
      %gt3A_186 = arith.cmpi sgt, %scan3A_178, %gt3A : i32
      %convert_element_type3A = arith.extui %gt3A_186 : i1 to i32
      %cond3A = arith.constant 0 : i32
      %cond3A_187 = arith.constant 0 : i32
      %cond3A_188 = arith.cmpi ne, %convert_element_type3A, %cond3A_187 : i32
      %cond3A_189 = scf.if %cond3A_188 -> (i32) {
        %add3A_191 = arith.constant 15 : i32
        %add3A_192 = arith.addi %scan3A_178, %add3A_191 : i32
        %jit3A_193 = arith.constant 16 : i32
        %div3A_194 = arith.divsi %add3A_192, %jit3A_193 : i32
        %sign3A_195 = arith.constant 0 : i32
        %sign3A_196 = arith.cmpi sgt, %add3A_192, %sign3A_195 : i32
        %sign3A_197 = arith.extui %sign3A_196 : i1 to i32
        %sign3A_198 = arith.constant 0 : i32
        %sign3A_199 = arith.cmpi slt, %add3A_192, %sign3A_198 : i32
        %sign3A_200 = arith.extui %sign3A_199 : i1 to i32
        %sign3A_201 = arith.subi %sign3A_197, %sign3A_200 : i32
        %sign3A_202 = arith.constant 0 : i32
        %sign3A_203 = arith.cmpi sgt, %jit3A_193, %sign3A_202 : i32
        %sign3A_204 = arith.extui %sign3A_203 : i1 to i32
        %sign3A_205 = arith.constant 0 : i32
        %sign3A_206 = arith.cmpi slt, %jit3A_193, %sign3A_205 : i32
        %sign3A_207 = arith.extui %sign3A_206 : i1 to i32
        %sign3A_208 = arith.subi %sign3A_204, %sign3A_207 : i32
        %ne3A_209 = arith.cmpi ne, %sign3A_201, %sign3A_208 : i32
        %rem3A_210 = arith.remsi %add3A_192, %jit3A_193 : i32
        %ne3A_211 = arith.constant 0 : i32
        %ne3A_212 = arith.cmpi ne, %rem3A_210, %ne3A_211 : i32
        %and3A_213 = arith.andi %ne3A_209, %ne3A_212 : i1
        %sub3A_214 = arith.constant 1 : i32
        %sub3A_215 = arith.subi %div3A_194, %sub3A_214 : i32
        %select_n3A_216 = arith.select %and3A_213, %sub3A_215, %div3A_194 : i32
        %while3A = arith.constant 0 : i32
        %while3A_217 = arith.constant 0 : i32
        %while3A_218 = arith.subi %select_n3A_216, %while3A : i32
        %while3A_219 = arith.addi %while3A, %while3A_218 : i32
        %while3A_220 = arith.constant 1 : i32
        %while3A_221 = arith.divsi %while3A_218, %while3A_220 : i32
        %while3A_222 = arith.muli %while3A_221, %while3A_220 : i32
        %while3A_223 = arith.addi %while3A, %while3A_222 : i32
        %while3A_224 = arith.constant 1 : i32
        %while3A_225 = scf.for %while3A_236 = %while3A to %while3A_223 step %while3A_224 iter_args(%while3A_237 = %while3A_217) -> (i32)  : i32 {
          %mul3A_238 = arith.constant 16 : i32
          %mul3A_239 = arith.muli %while3A_236, %mul3A_238 : i32
          %get3A = arith.index_cast %mul3A_239 : i32 to index
          %get3A_240 = tpu.vector_load %arg21[%get3A] {strides = array<i32>} : memref<2064xi32, #tpu.memory_space<vmem>>, vector<16xi32>,
          %gather3A_241 = tpu.vector_load_idx %arg15[%get3A_240] : memref<1024xf32, #tpu.memory_space<vmem>>[vector<16xi32>], vector<16xf32>,
          %gather3A_242 = tpu.vector_load_idx %arg16[%get3A_240] : memref<1024xf32, #tpu.memory_space<vmem>>[vector<16xi32>], vector<16xf32>,
          %sub3A_243 = arith.subf %gather3A_241, %gather3A : vector<16xf32>
          %sub3A_244 = arith.subf %gather3A_242, %gather3A_172 : vector<16xf32>
          %mul3A_245 = arith.mulf %sub3A_243, %sub3A_243 : vector<16xf32>
          %mul3A_246 = arith.mulf %sub3A_244, %sub3A_244 : vector<16xf32>
          %add3A_247 = arith.addf %mul3A_245, %mul3A_246 : vector<16xf32>
          %add3A_248 = vector.broadcast %mul3A_239 : i32 to vector<16xi32>
          %add3A_249 = arith.addi %iota3A_57, %add3A_248 : vector<16xi32>
          %lt3A_250 = vector.broadcast %scan3A_178 : i32 to vector<16xi32>
          %lt3A_251 = arith.cmpi slt, %add3A_249, %lt3A_250 : vector<16xi32>
          %jit3A_252 = arith.constant 0x7F800000 : f32
          %broadcast_in_dim3A_253 = vector.broadcast %jit3A_252 : f32 to vector<16xf32>
          %select_n3A_254 = arith.select %lt3A_251, %add3A_247, %broadcast_in_dim3A_253 : vector<16xi1>, vector<16xf32>
          %swap3A = arith.index_cast %mul3A_239 : i32 to index
          %swap3A_255 = tpu.vector_load %arg22[%swap3A] {strides = array<i32>} : memref<2064xf32, #tpu.memory_space<vmem>>, vector<16xf32>,
          tpu.vector_store %arg22[%swap3A], %select_n3A_254 {strides = array<i32>} : memref<2064xf32, #tpu.memory_space<vmem>>, vector<16xf32>,
          %while3A_256 = arith.constant 0 : i32
          scf.yield %while3A_256 : i32
        }
        %while3A_226 = arith.constant 1 : i32
        %while3A_227 = scf.for %while3A_236 = %while3A_223 to %while3A_219 step %while3A_226 iter_args(%while3A_237 = %while3A_225) -> (i32)  : i32 {
          %mul3A_238 = arith.constant 16 : i32
          %mul3A_239 = arith.muli %while3A_236, %mul3A_238 : i32
          %get3A = arith.index_cast %mul3A_239 : i32 to index
          %get3A_240 = tpu.vector_load %arg21[%get3A] {strides = array<i32>} : memref<2064xi32, #tpu.memory_space<vmem>>, vector<16xi32>,
          %gather3A_241 = tpu.vector_load_idx %arg15[%get3A_240] : memref<1024xf32, #tpu.memory_space<vmem>>[vector<16xi32>], vector<16xf32>,
          %gather3A_242 = tpu.vector_load_idx %arg16[%get3A_240] : memref<1024xf32, #tpu.memory_space<vmem>>[vector<16xi32>], vector<16xf32>,
          %sub3A_243 = arith.subf %gather3A_241, %gather3A : vector<16xf32>
          %sub3A_244 = arith.subf %gather3A_242, %gather3A_172 : vector<16xf32>
          %mul3A_245 = arith.mulf %sub3A_243, %sub3A_243 : vector<16xf32>
          %mul3A_246 = arith.mulf %sub3A_244, %sub3A_244 : vector<16xf32>
          %add3A_247 = arith.addf %mul3A_245, %mul3A_246 : vector<16xf32>
          %add3A_248 = vector.broadcast %mul3A_239 : i32 to vector<16xi32>
          %add3A_249 = arith.addi %iota3A_57, %add3A_248 : vector<16xi32>
          %lt3A_250 = vector.broadcast %scan3A_178 : i32 to vector<16xi32>
          %lt3A_251 = arith.cmpi slt, %add3A_249, %lt3A_250 : vector<16xi32>
          %jit3A_252 = arith.constant 0x7F800000 : f32
          %broadcast_in_dim3A_253 = vector.broadcast %jit3A_252 : f32 to vector<16xf32>
          %select_n3A_254 = arith.select %lt3A_251, %add3A_247, %broadcast_in_dim3A_253 : vector<16xi1>, vector<16xf32>
          %swap3A = arith.index_cast %mul3A_239 : i32 to index
          %swap3A_255 = tpu.vector_load %arg22[%swap3A] {strides = array<i32>} : memref<2064xf32, #tpu.memory_space<vmem>>, vector<16xf32>,
          tpu.vector_store %arg22[%swap3A], %select_n3A_254 {strides = array<i32>} : memref<2064xf32, #tpu.memory_space<vmem>>, vector<16xf32>,
          %while3A_256 = arith.constant 0 : i32
          scf.yield %while3A_256 : i32
        }
        %scan3A_228 = arith.constant 0 : i32
        %scan3A_229 = arith.constant 0 : i32
        %scan3A_230 = arith.constant 64 : i32
        %scan3A_231 = arith.addi %scan3A_229, %scan3A_230 : i32
        %scan3A_232 = arith.constant 1 : i32
        %scan3A_233 = scf.for %scan3A_236 = %scan3A_229 to %scan3A_231 step %scan3A_232 iter_args(%scan3A_237 = %scan3A_228) -> (i32)  : i32 {
          %while3A_238 = arith.constant 0 : i32
          %while3A_239 = arith.subi %select_n3A_216, %while3A_238 : i32
          %while3A_240 = arith.addi %while3A_238, %while3A_239 : i32
          %while3A_241 = arith.constant 1 : i32
          %while3A_242 = arith.divsi %while3A_239, %while3A_241 : i32
          %while3A_243 = arith.muli %while3A_242, %while3A_241 : i32
          %while3A_244 = arith.addi %while3A_238, %while3A_243 : i32
          %while3A_245 = arith.constant 1 : i32
          %while3A_246 = scf.for %while3A_285 = %while3A_238 to %while3A_244 step %while3A_245 iter_args(%while3A_286 = %broadcast_in_dim3A_59) -> (vector<16xf32>)  : i32 {
            %mul3A_287 = arith.constant 16 : i32
            %mul3A_288 = arith.muli %while3A_285, %mul3A_287 : i32
            %get3A = arith.index_cast %mul3A_288 : i32 to index
            %get3A_289 = tpu.vector_load %arg22[%get3A] {strides = array<i32>} : memref<2064xf32, #tpu.memory_space<vmem>>, vector<16xf32>,
            %min3A_290 = arith.minimumf %while3A_286, %get3A_289 : vector<16xf32>
            scf.yield %min3A_290 : vector<16xf32>
          }
          %while3A_247 = arith.constant 1 : i32
          %while3A_248 = scf.for %while3A_285 = %while3A_244 to %while3A_240 step %while3A_247 iter_args(%while3A_286 = %while3A_246) -> (vector<16xf32>)  : i32 {
            %mul3A_287 = arith.constant 16 : i32
            %mul3A_288 = arith.muli %while3A_285, %mul3A_287 : i32
            %get3A = arith.index_cast %mul3A_288 : i32 to index
            %get3A_289 = tpu.vector_load %arg22[%get3A] {strides = array<i32>} : memref<2064xf32, #tpu.memory_space<vmem>>, vector<16xf32>,
            %min3A_290 = arith.minimumf %while3A_286, %get3A_289 : vector<16xf32>
            scf.yield %min3A_290 : vector<16xf32>
          }
          %reduce_min3A = arith.constant true
          %reduce_min3A_249 = vector.broadcast %reduce_min3A : i1 to vector<16xi1>
          %reduce_min3A_250 = tpu.scan <min>, %while3A_248 masked %reduce_min3A_249 : vector<16xf32>, vector<16xi1> -> vector<16xf32>
          %reduce_min3A_251 = vector.extract %reduce_min3A_250[15] : f32 from vector<16xf32>
          %while3A_252 = arith.constant 0 : i32
          %while3A_253 = arith.subi %select_n3A_216, %while3A_252 : i32
          %while3A_254 = arith.addi %while3A_252, %while3A_253 : i32
          %while3A_255 = arith.constant 1 : i32
          %while3A_256 = arith.divsi %while3A_253, %while3A_255 : i32
          %while3A_257 = arith.muli %while3A_256, %while3A_255 : i32
          %while3A_258 = arith.addi %while3A_252, %while3A_257 : i32
          %while3A_259 = arith.constant 1 : i32
          %while3A_260 = scf.for %while3A_285 = %while3A_252 to %while3A_258 step %while3A_259 iter_args(%while3A_286 = %scan3A_60) -> (i32)  : i32 {
            %mul3A_287 = arith.constant 16 : i32
            %mul3A_288 = arith.muli %while3A_285, %mul3A_287 : i32
            %get3A = arith.index_cast %mul3A_288 : i32 to index
            %get3A_289 = tpu.vector_load %arg21[%get3A] {strides = array<i32>} : memref<2064xi32, #tpu.memory_space<vmem>>, vector<16xi32>,
            %get3A_290 = arith.index_cast %mul3A_288 : i32 to index
            %get3A_291 = tpu.vector_load %arg22[%get3A_290] {strides = array<i32>} : memref<2064xf32, #tpu.memory_space<vmem>>, vector<16xf32>,
            %eq3A_292 = vector.broadcast %reduce_min3A_251 : f32 to vector<16xf32>
            %eq3A_293 = arith.cmpf oeq, %get3A_291, %eq3A_292 : vector<16xf32>
            %broadcast_in_dim3A_294 = vector.broadcast %scan3A_60 : i32 to vector<16xi32>
            %select_n3A_295 = arith.select %eq3A_293, %get3A_289, %broadcast_in_dim3A_294 : vector<16xi1>, vector<16xi32>
            %reduce_min3A_296 = arith.constant true
            %reduce_min3A_297 = vector.broadcast %reduce_min3A_296 : i1 to vector<16xi1>
            %reduce_min3A_298 = arith.constant -2147483648 : i32
            %reduce_min3A_299 = vector.broadcast %reduce_min3A_298 : i32 to vector<16xi32>
            %reduce_min3A_300 = arith.xori %select_n3A_295, %reduce_min3A_299 : vector<16xi32>
            %reduce_min3A_301 = tpu.scan <min>, %reduce_min3A_300 masked %reduce_min3A_297 : vector<16xi32>, vector<16xi1> -> vector<16xi32>
            %reduce_min3A_302 = arith.xori %reduce_min3A_301, %reduce_min3A_299 : vector<16xi32>
            %reduce_min3A_303 = vector.extract %reduce_min3A_302[15] : i32 from vector<16xi32>
            %min3A_304 = arith.minsi %while3A_286, %reduce_min3A_303 : i32
            scf.yield %min3A_304 : i32
          }
          %while3A_261 = arith.constant 1 : i32
          %while3A_262 = scf.for %while3A_285 = %while3A_258 to %while3A_254 step %while3A_261 iter_args(%while3A_286 = %while3A_260) -> (i32)  : i32 {
            %mul3A_287 = arith.constant 16 : i32
            %mul3A_288 = arith.muli %while3A_285, %mul3A_287 : i32
            %get3A = arith.index_cast %mul3A_288 : i32 to index
            %get3A_289 = tpu.vector_load %arg21[%get3A] {strides = array<i32>} : memref<2064xi32, #tpu.memory_space<vmem>>, vector<16xi32>,
            %get3A_290 = arith.index_cast %mul3A_288 : i32 to index
            %get3A_291 = tpu.vector_load %arg22[%get3A_290] {strides = array<i32>} : memref<2064xf32, #tpu.memory_space<vmem>>, vector<16xf32>,
            %eq3A_292 = vector.broadcast %reduce_min3A_251 : f32 to vector<16xf32>
            %eq3A_293 = arith.cmpf oeq, %get3A_291, %eq3A_292 : vector<16xf32>
            %broadcast_in_dim3A_294 = vector.broadcast %scan3A_60 : i32 to vector<16xi32>
            %select_n3A_295 = arith.select %eq3A_293, %get3A_289, %broadcast_in_dim3A_294 : vector<16xi1>, vector<16xi32>
            %reduce_min3A_296 = arith.constant true
            %reduce_min3A_297 = vector.broadcast %reduce_min3A_296 : i1 to vector<16xi1>
            %reduce_min3A_298 = arith.constant -2147483648 : i32
            %reduce_min3A_299 = vector.broadcast %reduce_min3A_298 : i32 to vector<16xi32>
            %reduce_min3A_300 = arith.xori %select_n3A_295, %reduce_min3A_299 : vector<16xi32>
            %reduce_min3A_301 = tpu.scan <min>, %reduce_min3A_300 masked %reduce_min3A_297 : vector<16xi32>, vector<16xi1> -> vector<16xi32>
            %reduce_min3A_302 = arith.xori %reduce_min3A_301, %reduce_min3A_299 : vector<16xi32>
            %reduce_min3A_303 = vector.extract %reduce_min3A_302[15] : i32 from vector<16xi32>
            %min3A_304 = arith.minsi %while3A_286, %reduce_min3A_303 : i32
            scf.yield %min3A_304 : i32
          }
          %mul3A_263 = arith.constant 64 : i32
          %mul3A_264 = arith.muli %scan3A_169, %mul3A_263 : i32
          %add3A_265 = arith.addi %mul3A_264, %scan3A_236 : i32
          %broadcast_in_dim3A_266 = vector.broadcast %add3A_265 : i32 to vector<16xi32>
          %add3A_267 = arith.addi %while3A_262, %mul3A_56 : i32
          %broadcast_in_dim3A_268 = vector.broadcast %add3A_267 : i32 to vector<16xi32>
          %eq3A_269 = arith.constant 0 : i32
          %eq3A_270 = vector.broadcast %eq3A_269 : i32 to vector<16xi32>
          %eq3A_271 = arith.cmpi eq, %iota3A_57, %eq3A_270 : vector<16xi32>
          tpu.vector_store_idx %arg25[%broadcast_in_dim3A_266], %broadcast_in_dim3A_268 masked %eq3A_271 : memref<4096xi32, #tpu.memory_space<vmem>>[vector<16xi32>], vector<16xi32>, vector<16xi1>
          %while3A_272 = arith.constant 0 : i32
          %while3A_273 = arith.constant 0 : i32
          %while3A_274 = arith.subi %select_n3A_216, %while3A_272 : i32
          %while3A_275 = arith.addi %while3A_272, %while3A_274 : i32
          %while3A_276 = arith.constant 1 : i32
          %while3A_277 = arith.divsi %while3A_274, %while3A_276 : i32
          %while3A_278 = arith.muli %while3A_277, %while3A_276 : i32
          %while3A_279 = arith.addi %while3A_272, %while3A_278 : i32
          %while3A_280 = arith.constant 1 : i32
          %while3A_281 = scf.for %while3A_285 = %while3A_272 to %while3A_279 step %while3A_280 iter_args(%while3A_286 = %while3A_273) -> (i32)  : i32 {
            %mul3A_287 = arith.constant 16 : i32
            %mul3A_288 = arith.muli %while3A_285, %mul3A_287 : i32
            %get3A = arith.index_cast %mul3A_288 : i32 to index
            %get3A_289 = tpu.vector_load %arg21[%get3A] {strides = array<i32>} : memref<2064xi32, #tpu.memory_space<vmem>>, vector<16xi32>,
            %get3A_290 = arith.index_cast %mul3A_288 : i32 to index
            %get3A_291 = tpu.vector_load %arg22[%get3A_290] {strides = array<i32>} : memref<2064xf32, #tpu.memory_space<vmem>>, vector<16xf32>,
            %eq3A_292 = vector.broadcast %while3A_262 : i32 to vector<16xi32>
            %eq3A_293 = arith.cmpi eq, %get3A_289, %eq3A_292 : vector<16xi32>
            %jit3A_294 = arith.constant 0x7F800000 : f32
            %broadcast_in_dim3A_295 = vector.broadcast %jit3A_294 : f32 to vector<16xf32>
            %select_n3A_296 = arith.select %eq3A_293, %broadcast_in_dim3A_295, %get3A_291 : vector<16xi1>, vector<16xf32>
            %swap3A = arith.index_cast %mul3A_288 : i32 to index
            %swap3A_297 = tpu.vector_load %arg22[%swap3A] {strides = array<i32>} : memref<2064xf32, #tpu.memory_space<vmem>>, vector<16xf32>,
            tpu.vector_store %arg22[%swap3A], %select_n3A_296 {strides = array<i32>} : memref<2064xf32, #tpu.memory_space<vmem>>, vector<16xf32>,
            %while3A_298 = arith.constant 0 : i32
            scf.yield %while3A_298 : i32
          }
          %while3A_282 = arith.constant 1 : i32
          %while3A_283 = scf.for %while3A_285 = %while3A_279 to %while3A_275 step %while3A_282 iter_args(%while3A_286 = %while3A_281) -> (i32)  : i32 {
            %mul3A_287 = arith.constant 16 : i32
            %mul3A_288 = arith.muli %while3A_285, %mul3A_287 : i32
            %get3A = arith.index_cast %mul3A_288 : i32 to index
            %get3A_289 = tpu.vector_load %arg21[%get3A] {strides = array<i32>} : memref<2064xi32, #tpu.memory_space<vmem>>, vector<16xi32>,
            %get3A_290 = arith.index_cast %mul3A_288 : i32 to index
            %get3A_291 = tpu.vector_load %arg22[%get3A_290] {strides = array<i32>} : memref<2064xf32, #tpu.memory_space<vmem>>, vector<16xf32>,
            %eq3A_292 = vector.broadcast %while3A_262 : i32 to vector<16xi32>
            %eq3A_293 = arith.cmpi eq, %get3A_289, %eq3A_292 : vector<16xi32>
            %jit3A_294 = arith.constant 0x7F800000 : f32
            %broadcast_in_dim3A_295 = vector.broadcast %jit3A_294 : f32 to vector<16xf32>
            %select_n3A_296 = arith.select %eq3A_293, %broadcast_in_dim3A_295, %get3A_291 : vector<16xi1>, vector<16xf32>
            %swap3A = arith.index_cast %mul3A_288 : i32 to index
            %swap3A_297 = tpu.vector_load %arg22[%swap3A] {strides = array<i32>} : memref<2064xf32, #tpu.memory_space<vmem>>, vector<16xf32>,
            tpu.vector_store %arg22[%swap3A], %select_n3A_296 {strides = array<i32>} : memref<2064xf32, #tpu.memory_space<vmem>>, vector<16xf32>,
            %while3A_298 = arith.constant 0 : i32
            scf.yield %while3A_298 : i32
          }
          %scan3A_284 = arith.constant 0 : i32
          scf.yield %scan3A_284 : i32
        }
        %scan3A_234 = arith.constant 64 : i32
        %cond3A_235 = arith.constant 0 : i32
        scf.yield %cond3A_235 : i32
      } else {
        %get3A = arith.constant 0 : index
        %get3A_191 = tpu.vector_load %arg21[%get3A] {strides = array<i32>} : memref<2064xi32, #tpu.memory_space<vmem>>, vector<16xi32>,
        %add3A_192 = vector.broadcast %mul3A_56 : i32 to vector<16xi32>
        %add3A_193 = arith.addi %get3A_191, %add3A_192 : vector<16xi32>
        %mul3A_194 = arith.constant 64 : i32
        %mul3A_195 = arith.muli %scan3A_169, %mul3A_194 : i32
        %add3A_196 = arith.constant 0 : i32
        %add3A_197 = arith.addi %mul3A_195, %add3A_196 : i32
        %swap3A = arith.index_cast %add3A_197 : i32 to index
        %swap3A_198 = tpu.vector_load %arg25[%swap3A] {strides = array<i32>} : memref<4096xi32, #tpu.memory_space<vmem>>, vector<16xi32>,
        tpu.vector_store %arg25[%swap3A], %add3A_193 {strides = array<i32>} : memref<4096xi32, #tpu.memory_space<vmem>>, vector<16xi32>,
        %get3A_199 = arith.constant 16 : index
        %get3A_200 = tpu.vector_load %arg21[%get3A_199] {strides = array<i32>} : memref<2064xi32, #tpu.memory_space<vmem>>, vector<16xi32>,
        %add3A_201 = vector.broadcast %mul3A_56 : i32 to vector<16xi32>
        %add3A_202 = arith.addi %get3A_200, %add3A_201 : vector<16xi32>
        %mul3A_203 = arith.constant 64 : i32
        %mul3A_204 = arith.muli %scan3A_169, %mul3A_203 : i32
        %add3A_205 = arith.constant 16 : i32
        %add3A_206 = arith.addi %mul3A_204, %add3A_205 : i32
        %swap3A_207 = arith.index_cast %add3A_206 : i32 to index
        %swap3A_208 = tpu.vector_load %arg25[%swap3A_207] {strides = array<i32>} : memref<4096xi32, #tpu.memory_space<vmem>>, vector<16xi32>,
        tpu.vector_store %arg25[%swap3A_207], %add3A_202 {strides = array<i32>} : memref<4096xi32, #tpu.memory_space<vmem>>, vector<16xi32>,
        %get3A_209 = arith.constant 32 : index
        %get3A_210 = tpu.vector_load %arg21[%get3A_209] {strides = array<i32>} : memref<2064xi32, #tpu.memory_space<vmem>>, vector<16xi32>,
        %add3A_211 = vector.broadcast %mul3A_56 : i32 to vector<16xi32>
        %add3A_212 = arith.addi %get3A_210, %add3A_211 : vector<16xi32>
        %mul3A_213 = arith.constant 64 : i32
        %mul3A_214 = arith.muli %scan3A_169, %mul3A_213 : i32
        %add3A_215 = arith.constant 32 : i32
        %add3A_216 = arith.addi %mul3A_214, %add3A_215 : i32
        %swap3A_217 = arith.index_cast %add3A_216 : i32 to index
        %swap3A_218 = tpu.vector_load %arg25[%swap3A_217] {strides = array<i32>} : memref<4096xi32, #tpu.memory_space<vmem>>, vector<16xi32>,
        tpu.vector_store %arg25[%swap3A_217], %add3A_212 {strides = array<i32>} : memref<4096xi32, #tpu.memory_space<vmem>>, vector<16xi32>,
        %get3A_219 = arith.constant 48 : index
        %get3A_220 = tpu.vector_load %arg21[%get3A_219] {strides = array<i32>} : memref<2064xi32, #tpu.memory_space<vmem>>, vector<16xi32>,
        %add3A_221 = vector.broadcast %mul3A_56 : i32 to vector<16xi32>
        %add3A_222 = arith.addi %get3A_220, %add3A_221 : vector<16xi32>
        %mul3A_223 = arith.constant 64 : i32
        %mul3A_224 = arith.muli %scan3A_169, %mul3A_223 : i32
        %add3A_225 = arith.constant 48 : i32
        %add3A_226 = arith.addi %mul3A_224, %add3A_225 : i32
        %swap3A_227 = arith.index_cast %add3A_226 : i32 to index
        %swap3A_228 = tpu.vector_load %arg25[%swap3A_227] {strides = array<i32>} : memref<4096xi32, #tpu.memory_space<vmem>>, vector<16xi32>,
        tpu.vector_store %arg25[%swap3A_227], %add3A_222 {strides = array<i32>} : memref<4096xi32, #tpu.memory_space<vmem>>, vector<16xi32>,
        %cond3A_229 = arith.constant 0 : i32
        scf.yield %cond3A_229 : i32
      }
      %scan3A_190 = arith.constant 0 : i32
      scf.yield %scan3A_190 : i32
    }
    %scan3A_67 = arith.constant 64 : i32
    %mul3A_68 = arith.constant 256 : i32
    %mul3A_69 = arith.muli %select_n3A, %mul3A_68 : i32
    %add3A_70 = arith.addi %mul3A_69, %mul3A_40 : i32
    %mul3A_71 = arith.constant 64 : i32
    %mul3A_72 = arith.muli %add3A_70, %mul3A_71 : i32
    "tpu.region"() ({
      %run_scoped3A = tpu.sem_alloc : memref<!tpu.dma_semaphore, #tpu.memory_space<semaphore_mem>>
      %dma_start3A_169 = tpu.memref_slice %arg11[%mul3A_72] : memref<131072xi32, #tpu.memory_space<hbm>> -> memref<4096xi32, #tpu.memory_space<hbm>>
      %dma_start3A_170 = tpu.memref_slice %arg11[%mul3A_72] : memref<131072xi32, #tpu.memory_space<hbm>> -> memref<4096xi32, #tpu.memory_space<hbm>>
      tpu.enqueue_dma source(%arg25 : memref<4096xi32, #tpu.memory_space<vmem>>) target(%dma_start3A_170 : memref<4096xi32, #tpu.memory_space<hbm>>) target_semaphore(%run_scoped3A : memref<!tpu.dma_semaphore, #tpu.memory_space<semaphore_mem>>)
      %dma_wait3A_171 = tpu.memref_slice %arg11[%mul3A_72] : memref<131072xi32, #tpu.memory_space<hbm>> -> memref<4096xi32, #tpu.memory_space<hbm>>
      %dma_wait3A_172 = tpu.memref_slice %arg11[%mul3A_72] : memref<131072xi32, #tpu.memory_space<hbm>> -> memref<4096xi32, #tpu.memory_space<hbm>>
      tpu.wait_dma2 semaphore(%run_scoped3A : memref<!tpu.dma_semaphore, #tpu.memory_space<semaphore_mem>>) src(%arg25 : memref<4096xi32, #tpu.memory_space<vmem>>) dst(%dma_wait3A_172 : memref<4096xi32, #tpu.memory_space<hbm>>)
      tpu.yield
    }) : () -> ()
    "tpu.region"() ({
      %run_scoped3A = tpu.sem_alloc : memref<!tpu.dma_semaphore, #tpu.memory_space<semaphore_mem>>
      %dma_start3A_169 = tpu.memref_slice %arg12[%add3A_70] : memref<2048xi32, #tpu.memory_space<hbm>> -> memref<64xi32, #tpu.memory_space<hbm>>
      %dma_start3A_170 = tpu.memref_slice %arg12[%add3A_70] : memref<2048xi32, #tpu.memory_space<hbm>> -> memref<64xi32, #tpu.memory_space<hbm>>
      tpu.enqueue_dma source(%arg26 : memref<64xi32, #tpu.memory_space<vmem>>) target(%dma_start3A_170 : memref<64xi32, #tpu.memory_space<hbm>>) target_semaphore(%run_scoped3A : memref<!tpu.dma_semaphore, #tpu.memory_space<semaphore_mem>>)
      %dma_wait3A_171 = tpu.memref_slice %arg12[%add3A_70] : memref<2048xi32, #tpu.memory_space<hbm>> -> memref<64xi32, #tpu.memory_space<hbm>>
      %dma_wait3A_172 = tpu.memref_slice %arg12[%add3A_70] : memref<2048xi32, #tpu.memory_space<hbm>> -> memref<64xi32, #tpu.memory_space<hbm>>
      tpu.wait_dma2 semaphore(%run_scoped3A : memref<!tpu.dma_semaphore, #tpu.memory_space<semaphore_mem>>) src(%arg26 : memref<64xi32, #tpu.memory_space<vmem>>) dst(%dma_wait3A_172 : memref<64xi32, #tpu.memory_space<hbm>>)
      tpu.yield
    }) : () -> ()
    %mul3A_73 = arith.constant 64 : i32
    %mul3A_74 = arith.muli %add3A_54, %mul3A_73 : i32
    %dma_start3A = arith.constant 0 : i32
    %dma_start3A_75 = tpu.memref_slice %arg23[%dma_start3A] : memref<16384xi32, #tpu.memory_space<vmem>> -> memref<2048xi32, #tpu.memory_space<vmem>>
    %dma_start3A_76 = arith.constant 0 : i32
    %dma_start3A_77 = arith.constant 0 : i32
    %dma_start3A_78 = tpu.memref_slice %arg8[%dma_start3A_76, %dma_start3A_77] : memref<16384x16xf32, #tpu.memory_space<hbm>> -> memref<16384x16xf32, #tpu.memory_space<hbm>>
    tpu.enqueue_indirect_dma source(%dma_start3A_78 : memref<16384x16xf32, #tpu.memory_space<hbm>>) target(%arg27 : memref<2048x16xf32, #tpu.memory_space<vmem>>) offsets(%dma_start3A_75 : memref<2048xi32, #tpu.memory_space<vmem>>) semaphore(%arg29 : memref<!tpu.dma_semaphore, #tpu.memory_space<semaphore_mem>>)
    %dma_wait3A = arith.constant 0 : i32
    %dma_wait3A_79 = tpu.memref_slice %arg23[%dma_wait3A] : memref<16384xi32, #tpu.memory_space<vmem>> -> memref<2048xi32, #tpu.memory_space<vmem>>
    %dma_wait3A_80 = arith.constant 0 : i32
    %dma_wait3A_81 = arith.constant 0 : i32
    %dma_wait3A_82 = tpu.memref_slice %arg8[%dma_wait3A_80, %dma_wait3A_81] : memref<16384x16xf32, #tpu.memory_space<hbm>> -> memref<16384x16xf32, #tpu.memory_space<hbm>>
    tpu.wait_indirect_dma semaphore(%arg29 : memref<!tpu.dma_semaphore, #tpu.memory_space<semaphore_mem>>) src(%dma_wait3A_82 : memref<16384x16xf32, #tpu.memory_space<hbm>>) dst(%arg27 : memref<2048x16xf32, #tpu.memory_space<vmem>>)
    %dma_start3A_83 = arith.constant 2048 : i32
    %dma_start3A_84 = tpu.memref_slice %arg23[%dma_start3A_83] : memref<16384xi32, #tpu.memory_space<vmem>> -> memref<2048xi32, #tpu.memory_space<vmem>>
    %dma_start3A_85 = arith.constant 0 : i32
    %dma_start3A_86 = arith.constant 0 : i32
    %dma_start3A_87 = tpu.memref_slice %arg8[%dma_start3A_85, %dma_start3A_86] : memref<16384x16xf32, #tpu.memory_space<hbm>> -> memref<16384x16xf32, #tpu.memory_space<hbm>>
    tpu.enqueue_indirect_dma source(%dma_start3A_87 : memref<16384x16xf32, #tpu.memory_space<hbm>>) target(%arg28 : memref<2048x16xf32, #tpu.memory_space<vmem>>) offsets(%dma_start3A_84 : memref<2048xi32, #tpu.memory_space<vmem>>) semaphore(%arg30 : memref<!tpu.dma_semaphore, #tpu.memory_space<semaphore_mem>>)
    %add3A_88 = arith.constant 0 : i32
    %add3A_89 = arith.addi %mul3A_74, %add3A_88 : i32
    "tpu.region"() ({
      %run_scoped3A = tpu.sem_alloc : memref<!tpu.dma_semaphore, #tpu.memory_space<semaphore_mem>>
      %dma_start3A_169 = arith.constant 0 : i32
      %dma_start3A_170 = tpu.memref_slice %arg9[%add3A_89, %dma_start3A_169] : memref<524288x16xf32, #tpu.memory_space<hbm>> -> memref<2048x16xf32, #tpu.memory_space<hbm>>
      %dma_start3A_171 = arith.constant 0 : i32
      %dma_start3A_172 = tpu.memref_slice %arg9[%add3A_89, %dma_start3A_171] : memref<524288x16xf32, #tpu.memory_space<hbm>> -> memref<2048x16xf32, #tpu.memory_space<hbm>>
      tpu.enqueue_dma source(%arg27 : memref<2048x16xf32, #tpu.memory_space<vmem>>) target(%dma_start3A_172 : memref<2048x16xf32, #tpu.memory_space<hbm>>) target_semaphore(%run_scoped3A : memref<!tpu.dma_semaphore, #tpu.memory_space<semaphore_mem>>)
      %dma_wait3A_173 = arith.constant 0 : i32
      %dma_wait3A_174 = tpu.memref_slice %arg9[%add3A_89, %dma_wait3A_173] : memref<524288x16xf32, #tpu.memory_space<hbm>> -> memref<2048x16xf32, #tpu.memory_space<hbm>>
      %dma_wait3A_175 = arith.constant 0 : i32
      %dma_wait3A_176 = tpu.memref_slice %arg9[%add3A_89, %dma_wait3A_175] : memref<524288x16xf32, #tpu.memory_space<hbm>> -> memref<2048x16xf32, #tpu.memory_space<hbm>>
      tpu.wait_dma2 semaphore(%run_scoped3A : memref<!tpu.dma_semaphore, #tpu.memory_space<semaphore_mem>>) src(%arg27 : memref<2048x16xf32, #tpu.memory_space<vmem>>) dst(%dma_wait3A_176 : memref<2048x16xf32, #tpu.memory_space<hbm>>)
      tpu.yield
    }) : () -> ()
    %dma_wait3A_90 = arith.constant 2048 : i32
    %dma_wait3A_91 = tpu.memref_slice %arg23[%dma_wait3A_90] : memref<16384xi32, #tpu.memory_space<vmem>> -> memref<2048xi32, #tpu.memory_space<vmem>>
    %dma_wait3A_92 = arith.constant 0 : i32
    %dma_wait3A_93 = arith.constant 0 : i32
    %dma_wait3A_94 = tpu.memref_slice %arg8[%dma_wait3A_92, %dma_wait3A_93] : memref<16384x16xf32, #tpu.memory_space<hbm>> -> memref<16384x16xf32, #tpu.memory_space<hbm>>
    tpu.wait_indirect_dma semaphore(%arg30 : memref<!tpu.dma_semaphore, #tpu.memory_space<semaphore_mem>>) src(%dma_wait3A_94 : memref<16384x16xf32, #tpu.memory_space<hbm>>) dst(%arg28 : memref<2048x16xf32, #tpu.memory_space<vmem>>)
    %dma_start3A_95 = arith.constant 4096 : i32
    %dma_start3A_96 = tpu.memref_slice %arg23[%dma_start3A_95] : memref<16384xi32, #tpu.memory_space<vmem>> -> memref<2048xi32, #tpu.memory_space<vmem>>
    %dma_start3A_97 = arith.constant 0 : i32
    %dma_start3A_98 = arith.constant 0 : i32
    %dma_start3A_99 = tpu.memref_slice %arg8[%dma_start3A_97, %dma_start3A_98] : memref<16384x16xf32, #tpu.memory_space<hbm>> -> memref<16384x16xf32, #tpu.memory_space<hbm>>
    tpu.enqueue_indirect_dma source(%dma_start3A_99 : memref<16384x16xf32, #tpu.memory_space<hbm>>) target(%arg27 : memref<2048x16xf32, #tpu.memory_space<vmem>>) offsets(%dma_start3A_96 : memref<2048xi32, #tpu.memory_space<vmem>>) semaphore(%arg29 : memref<!tpu.dma_semaphore, #tpu.memory_space<semaphore_mem>>)
    %add3A_100 = arith.constant 2048 : i32
    %add3A_101 = arith.addi %mul3A_74, %add3A_100 : i32
    "tpu.region"() ({
      %run_scoped3A = tpu.sem_alloc : memref<!tpu.dma_semaphore, #tpu.memory_space<semaphore_mem>>
      %dma_start3A_169 = arith.constant 0 : i32
      %dma_start3A_170 = tpu.memref_slice %arg9[%add3A_101, %dma_start3A_169] : memref<524288x16xf32, #tpu.memory_space<hbm>> -> memref<2048x16xf32, #tpu.memory_space<hbm>>
      %dma_start3A_171 = arith.constant 0 : i32
      %dma_start3A_172 = tpu.memref_slice %arg9[%add3A_101, %dma_start3A_171] : memref<524288x16xf32, #tpu.memory_space<hbm>> -> memref<2048x16xf32, #tpu.memory_space<hbm>>
      tpu.enqueue_dma source(%arg28 : memref<2048x16xf32, #tpu.memory_space<vmem>>) target(%dma_start3A_172 : memref<2048x16xf32, #tpu.memory_space<hbm>>) target_semaphore(%run_scoped3A : memref<!tpu.dma_semaphore, #tpu.memory_space<semaphore_mem>>)
      %dma_wait3A_173 = arith.constant 0 : i32
      %dma_wait3A_174 = tpu.memref_slice %arg9[%add3A_101, %dma_wait3A_173] : memref<524288x16xf32, #tpu.memory_space<hbm>> -> memref<2048x16xf32, #tpu.memory_space<hbm>>
      %dma_wait3A_175 = arith.constant 0 : i32
      %dma_wait3A_176 = tpu.memref_slice %arg9[%add3A_101, %dma_wait3A_175] : memref<524288x16xf32, #tpu.memory_space<hbm>> -> memref<2048x16xf32, #tpu.memory_space<hbm>>
      tpu.wait_dma2 semaphore(%run_scoped3A : memref<!tpu.dma_semaphore, #tpu.memory_space<semaphore_mem>>) src(%arg28 : memref<2048x16xf32, #tpu.memory_space<vmem>>) dst(%dma_wait3A_176 : memref<2048x16xf32, #tpu.memory_space<hbm>>)
      tpu.yield
    }) : () -> ()
    %dma_wait3A_102 = arith.constant 4096 : i32
    %dma_wait3A_103 = tpu.memref_slice %arg23[%dma_wait3A_102] : memref<16384xi32, #tpu.memory_space<vmem>> -> memref<2048xi32, #tpu.memory_space<vmem>>
    %dma_wait3A_104 = arith.constant 0 : i32
    %dma_wait3A_105 = arith.constant 0 : i32
    %dma_wait3A_106 = tpu.memref_slice %arg8[%dma_wait3A_104, %dma_wait3A_105] : memref<16384x16xf32, #tpu.memory_space<hbm>> -> memref<16384x16xf32, #tpu.memory_space<hbm>>
    tpu.wait_indirect_dma semaphore(%arg29 : memref<!tpu.dma_semaphore, #tpu.memory_space<semaphore_mem>>) src(%dma_wait3A_106 : memref<16384x16xf32, #tpu.memory_space<hbm>>) dst(%arg27 : memref<2048x16xf32, #tpu.memory_space<vmem>>)
    %dma_start3A_107 = arith.constant 6144 : i32
    %dma_start3A_108 = tpu.memref_slice %arg23[%dma_start3A_107] : memref<16384xi32, #tpu.memory_space<vmem>> -> memref<2048xi32, #tpu.memory_space<vmem>>
    %dma_start3A_109 = arith.constant 0 : i32
    %dma_start3A_110 = arith.constant 0 : i32
    %dma_start3A_111 = tpu.memref_slice %arg8[%dma_start3A_109, %dma_start3A_110] : memref<16384x16xf32, #tpu.memory_space<hbm>> -> memref<16384x16xf32, #tpu.memory_space<hbm>>
    tpu.enqueue_indirect_dma source(%dma_start3A_111 : memref<16384x16xf32, #tpu.memory_space<hbm>>) target(%arg28 : memref<2048x16xf32, #tpu.memory_space<vmem>>) offsets(%dma_start3A_108 : memref<2048xi32, #tpu.memory_space<vmem>>) semaphore(%arg30 : memref<!tpu.dma_semaphore, #tpu.memory_space<semaphore_mem>>)
    %add3A_112 = arith.constant 4096 : i32
    %add3A_113 = arith.addi %mul3A_74, %add3A_112 : i32
    "tpu.region"() ({
      %run_scoped3A = tpu.sem_alloc : memref<!tpu.dma_semaphore, #tpu.memory_space<semaphore_mem>>
      %dma_start3A_169 = arith.constant 0 : i32
      %dma_start3A_170 = tpu.memref_slice %arg9[%add3A_113, %dma_start3A_169] : memref<524288x16xf32, #tpu.memory_space<hbm>> -> memref<2048x16xf32, #tpu.memory_space<hbm>>
      %dma_start3A_171 = arith.constant 0 : i32
      %dma_start3A_172 = tpu.memref_slice %arg9[%add3A_113, %dma_start3A_171] : memref<524288x16xf32, #tpu.memory_space<hbm>> -> memref<2048x16xf32, #tpu.memory_space<hbm>>
      tpu.enqueue_dma source(%arg27 : memref<2048x16xf32, #tpu.memory_space<vmem>>) target(%dma_start3A_172 : memref<2048x16xf32, #tpu.memory_space<hbm>>) target_semaphore(%run_scoped3A : memref<!tpu.dma_semaphore, #tpu.memory_space<semaphore_mem>>)
      %dma_wait3A_173 = arith.constant 0 : i32
      %dma_wait3A_174 = tpu.memref_slice %arg9[%add3A_113, %dma_wait3A_173] : memref<524288x16xf32, #tpu.memory_space<hbm>> -> memref<2048x16xf32, #tpu.memory_space<hbm>>
      %dma_wait3A_175 = arith.constant 0 : i32
      %dma_wait3A_176 = tpu.memref_slice %arg9[%add3A_113, %dma_wait3A_175] : memref<524288x16xf32, #tpu.memory_space<hbm>> -> memref<2048x16xf32, #tpu.memory_space<hbm>>
      tpu.wait_dma2 semaphore(%run_scoped3A : memref<!tpu.dma_semaphore, #tpu.memory_space<semaphore_mem>>) src(%arg27 : memref<2048x16xf32, #tpu.memory_space<vmem>>) dst(%dma_wait3A_176 : memref<2048x16xf32, #tpu.memory_space<hbm>>)
      tpu.yield
    }) : () -> ()
    %dma_wait3A_114 = arith.constant 6144 : i32
    %dma_wait3A_115 = tpu.memref_slice %arg23[%dma_wait3A_114] : memref<16384xi32, #tpu.memory_space<vmem>> -> memref<2048xi32, #tpu.memory_space<vmem>>
    %dma_wait3A_116 = arith.constant 0 : i32
    %dma_wait3A_117 = arith.constant 0 : i32
    %dma_wait3A_118 = tpu.memref_slice %arg8[%dma_wait3A_116, %dma_wait3A_117] : memref<16384x16xf32, #tpu.memory_space<hbm>> -> memref<16384x16xf32, #tpu.memory_space<hbm>>
    tpu.wait_indirect_dma semaphore(%arg30 : memref<!tpu.dma_semaphore, #tpu.memory_space<semaphore_mem>>) src(%dma_wait3A_118 : memref<16384x16xf32, #tpu.memory_space<hbm>>) dst(%arg28 : memref<2048x16xf32, #tpu.memory_space<vmem>>)
    %dma_start3A_119 = arith.constant 8192 : i32
    %dma_start3A_120 = tpu.memref_slice %arg23[%dma_start3A_119] : memref<16384xi32, #tpu.memory_space<vmem>> -> memref<2048xi32, #tpu.memory_space<vmem>>
    %dma_start3A_121 = arith.constant 0 : i32
    %dma_start3A_122 = arith.constant 0 : i32
    %dma_start3A_123 = tpu.memref_slice %arg8[%dma_start3A_121, %dma_start3A_122] : memref<16384x16xf32, #tpu.memory_space<hbm>> -> memref<16384x16xf32, #tpu.memory_space<hbm>>
    tpu.enqueue_indirect_dma source(%dma_start3A_123 : memref<16384x16xf32, #tpu.memory_space<hbm>>) target(%arg27 : memref<2048x16xf32, #tpu.memory_space<vmem>>) offsets(%dma_start3A_120 : memref<2048xi32, #tpu.memory_space<vmem>>) semaphore(%arg29 : memref<!tpu.dma_semaphore, #tpu.memory_space<semaphore_mem>>)
    %add3A_124 = arith.constant 6144 : i32
    %add3A_125 = arith.addi %mul3A_74, %add3A_124 : i32
    "tpu.region"() ({
      %run_scoped3A = tpu.sem_alloc : memref<!tpu.dma_semaphore, #tpu.memory_space<semaphore_mem>>
      %dma_start3A_169 = arith.constant 0 : i32
      %dma_start3A_170 = tpu.memref_slice %arg9[%add3A_125, %dma_start3A_169] : memref<524288x16xf32, #tpu.memory_space<hbm>> -> memref<2048x16xf32, #tpu.memory_space<hbm>>
      %dma_start3A_171 = arith.constant 0 : i32
      %dma_start3A_172 = tpu.memref_slice %arg9[%add3A_125, %dma_start3A_171] : memref<524288x16xf32, #tpu.memory_space<hbm>> -> memref<2048x16xf32, #tpu.memory_space<hbm>>
      tpu.enqueue_dma source(%arg28 : memref<2048x16xf32, #tpu.memory_space<vmem>>) target(%dma_start3A_172 : memref<2048x16xf32, #tpu.memory_space<hbm>>) target_semaphore(%run_scoped3A : memref<!tpu.dma_semaphore, #tpu.memory_space<semaphore_mem>>)
      %dma_wait3A_173 = arith.constant 0 : i32
      %dma_wait3A_174 = tpu.memref_slice %arg9[%add3A_125, %dma_wait3A_173] : memref<524288x16xf32, #tpu.memory_space<hbm>> -> memref<2048x16xf32, #tpu.memory_space<hbm>>
      %dma_wait3A_175 = arith.constant 0 : i32
      %dma_wait3A_176 = tpu.memref_slice %arg9[%add3A_125, %dma_wait3A_175] : memref<524288x16xf32, #tpu.memory_space<hbm>> -> memref<2048x16xf32, #tpu.memory_space<hbm>>
      tpu.wait_dma2 semaphore(%run_scoped3A : memref<!tpu.dma_semaphore, #tpu.memory_space<semaphore_mem>>) src(%arg28 : memref<2048x16xf32, #tpu.memory_space<vmem>>) dst(%dma_wait3A_176 : memref<2048x16xf32, #tpu.memory_space<hbm>>)
      tpu.yield
    }) : () -> ()
    %dma_wait3A_126 = arith.constant 8192 : i32
    %dma_wait3A_127 = tpu.memref_slice %arg23[%dma_wait3A_126] : memref<16384xi32, #tpu.memory_space<vmem>> -> memref<2048xi32, #tpu.memory_space<vmem>>
    %dma_wait3A_128 = arith.constant 0 : i32
    %dma_wait3A_129 = arith.constant 0 : i32
    %dma_wait3A_130 = tpu.memref_slice %arg8[%dma_wait3A_128, %dma_wait3A_129] : memref<16384x16xf32, #tpu.memory_space<hbm>> -> memref<16384x16xf32, #tpu.memory_space<hbm>>
    tpu.wait_indirect_dma semaphore(%arg29 : memref<!tpu.dma_semaphore, #tpu.memory_space<semaphore_mem>>) src(%dma_wait3A_130 : memref<16384x16xf32, #tpu.memory_space<hbm>>) dst(%arg27 : memref<2048x16xf32, #tpu.memory_space<vmem>>)
    %dma_start3A_131 = arith.constant 10240 : i32
    %dma_start3A_132 = tpu.memref_slice %arg23[%dma_start3A_131] : memref<16384xi32, #tpu.memory_space<vmem>> -> memref<2048xi32, #tpu.memory_space<vmem>>
    %dma_start3A_133 = arith.constant 0 : i32
    %dma_start3A_134 = arith.constant 0 : i32
    %dma_start3A_135 = tpu.memref_slice %arg8[%dma_start3A_133, %dma_start3A_134] : memref<16384x16xf32, #tpu.memory_space<hbm>> -> memref<16384x16xf32, #tpu.memory_space<hbm>>
    tpu.enqueue_indirect_dma source(%dma_start3A_135 : memref<16384x16xf32, #tpu.memory_space<hbm>>) target(%arg28 : memref<2048x16xf32, #tpu.memory_space<vmem>>) offsets(%dma_start3A_132 : memref<2048xi32, #tpu.memory_space<vmem>>) semaphore(%arg30 : memref<!tpu.dma_semaphore, #tpu.memory_space<semaphore_mem>>)
    %add3A_136 = arith.constant 8192 : i32
    %add3A_137 = arith.addi %mul3A_74, %add3A_136 : i32
    "tpu.region"() ({
      %run_scoped3A = tpu.sem_alloc : memref<!tpu.dma_semaphore, #tpu.memory_space<semaphore_mem>>
      %dma_start3A_169 = arith.constant 0 : i32
      %dma_start3A_170 = tpu.memref_slice %arg9[%add3A_137, %dma_start3A_169] : memref<524288x16xf32, #tpu.memory_space<hbm>> -> memref<2048x16xf32, #tpu.memory_space<hbm>>
      %dma_start3A_171 = arith.constant 0 : i32
      %dma_start3A_172 = tpu.memref_slice %arg9[%add3A_137, %dma_start3A_171] : memref<524288x16xf32, #tpu.memory_space<hbm>> -> memref<2048x16xf32, #tpu.memory_space<hbm>>
      tpu.enqueue_dma source(%arg27 : memref<2048x16xf32, #tpu.memory_space<vmem>>) target(%dma_start3A_172 : memref<2048x16xf32, #tpu.memory_space<hbm>>) target_semaphore(%run_scoped3A : memref<!tpu.dma_semaphore, #tpu.memory_space<semaphore_mem>>)
      %dma_wait3A_173 = arith.constant 0 : i32
      %dma_wait3A_174 = tpu.memref_slice %arg9[%add3A_137, %dma_wait3A_173] : memref<524288x16xf32, #tpu.memory_space<hbm>> -> memref<2048x16xf32, #tpu.memory_space<hbm>>
      %dma_wait3A_175 = arith.constant 0 : i32
      %dma_wait3A_176 = tpu.memref_slice %arg9[%add3A_137, %dma_wait3A_175] : memref<524288x16xf32, #tpu.memory_space<hbm>> -> memref<2048x16xf32, #tpu.memory_space<hbm>>
      tpu.wait_dma2 semaphore(%run_scoped3A : memref<!tpu.dma_semaphore, #tpu.memory_space<semaphore_mem>>) src(%arg27 : memref<2048x16xf32, #tpu.memory_space<vmem>>) dst(%dma_wait3A_176 : memref<2048x16xf32, #tpu.memory_space<hbm>>)
      tpu.yield
    }) : () -> ()
    %dma_wait3A_138 = arith.constant 10240 : i32
    %dma_wait3A_139 = tpu.memref_slice %arg23[%dma_wait3A_138] : memref<16384xi32, #tpu.memory_space<vmem>> -> memref<2048xi32, #tpu.memory_space<vmem>>
    %dma_wait3A_140 = arith.constant 0 : i32
    %dma_wait3A_141 = arith.constant 0 : i32
    %dma_wait3A_142 = tpu.memref_slice %arg8[%dma_wait3A_140, %dma_wait3A_141] : memref<16384x16xf32, #tpu.memory_space<hbm>> -> memref<16384x16xf32, #tpu.memory_space<hbm>>
    tpu.wait_indirect_dma semaphore(%arg30 : memref<!tpu.dma_semaphore, #tpu.memory_space<semaphore_mem>>) src(%dma_wait3A_142 : memref<16384x16xf32, #tpu.memory_space<hbm>>) dst(%arg28 : memref<2048x16xf32, #tpu.memory_space<vmem>>)
    %dma_start3A_143 = arith.constant 12288 : i32
    %dma_start3A_144 = tpu.memref_slice %arg23[%dma_start3A_143] : memref<16384xi32, #tpu.memory_space<vmem>> -> memref<2048xi32, #tpu.memory_space<vmem>>
    %dma_start3A_145 = arith.constant 0 : i32
    %dma_start3A_146 = arith.constant 0 : i32
    %dma_start3A_147 = tpu.memref_slice %arg8[%dma_start3A_145, %dma_start3A_146] : memref<16384x16xf32, #tpu.memory_space<hbm>> -> memref<16384x16xf32, #tpu.memory_space<hbm>>
    tpu.enqueue_indirect_dma source(%dma_start3A_147 : memref<16384x16xf32, #tpu.memory_space<hbm>>) target(%arg27 : memref<2048x16xf32, #tpu.memory_space<vmem>>) offsets(%dma_start3A_144 : memref<2048xi32, #tpu.memory_space<vmem>>) semaphore(%arg29 : memref<!tpu.dma_semaphore, #tpu.memory_space<semaphore_mem>>)
    %add3A_148 = arith.constant 10240 : i32
    %add3A_149 = arith.addi %mul3A_74, %add3A_148 : i32
    "tpu.region"() ({
      %run_scoped3A = tpu.sem_alloc : memref<!tpu.dma_semaphore, #tpu.memory_space<semaphore_mem>>
      %dma_start3A_169 = arith.constant 0 : i32
      %dma_start3A_170 = tpu.memref_slice %arg9[%add3A_149, %dma_start3A_169] : memref<524288x16xf32, #tpu.memory_space<hbm>> -> memref<2048x16xf32, #tpu.memory_space<hbm>>
      %dma_start3A_171 = arith.constant 0 : i32
      %dma_start3A_172 = tpu.memref_slice %arg9[%add3A_149, %dma_start3A_171] : memref<524288x16xf32, #tpu.memory_space<hbm>> -> memref<2048x16xf32, #tpu.memory_space<hbm>>
      tpu.enqueue_dma source(%arg28 : memref<2048x16xf32, #tpu.memory_space<vmem>>) target(%dma_start3A_172 : memref<2048x16xf32, #tpu.memory_space<hbm>>) target_semaphore(%run_scoped3A : memref<!tpu.dma_semaphore, #tpu.memory_space<semaphore_mem>>)
      %dma_wait3A_173 = arith.constant 0 : i32
      %dma_wait3A_174 = tpu.memref_slice %arg9[%add3A_149, %dma_wait3A_173] : memref<524288x16xf32, #tpu.memory_space<hbm>> -> memref<2048x16xf32, #tpu.memory_space<hbm>>
      %dma_wait3A_175 = arith.constant 0 : i32
      %dma_wait3A_176 = tpu.memref_slice %arg9[%add3A_149, %dma_wait3A_175] : memref<524288x16xf32, #tpu.memory_space<hbm>> -> memref<2048x16xf32, #tpu.memory_space<hbm>>
      tpu.wait_dma2 semaphore(%run_scoped3A : memref<!tpu.dma_semaphore, #tpu.memory_space<semaphore_mem>>) src(%arg28 : memref<2048x16xf32, #tpu.memory_space<vmem>>) dst(%dma_wait3A_176 : memref<2048x16xf32, #tpu.memory_space<hbm>>)
      tpu.yield
    }) : () -> ()
    %dma_wait3A_150 = arith.constant 12288 : i32
    %dma_wait3A_151 = tpu.memref_slice %arg23[%dma_wait3A_150] : memref<16384xi32, #tpu.memory_space<vmem>> -> memref<2048xi32, #tpu.memory_space<vmem>>
    %dma_wait3A_152 = arith.constant 0 : i32
    %dma_wait3A_153 = arith.constant 0 : i32
    %dma_wait3A_154 = tpu.memref_slice %arg8[%dma_wait3A_152, %dma_wait3A_153] : memref<16384x16xf32, #tpu.memory_space<hbm>> -> memref<16384x16xf32, #tpu.memory_space<hbm>>
    tpu.wait_indirect_dma semaphore(%arg29 : memref<!tpu.dma_semaphore, #tpu.memory_space<semaphore_mem>>) src(%dma_wait3A_154 : memref<16384x16xf32, #tpu.memory_space<hbm>>) dst(%arg27 : memref<2048x16xf32, #tpu.memory_space<vmem>>)
    %dma_start3A_155 = arith.constant 14336 : i32
    %dma_start3A_156 = tpu.memref_slice %arg23[%dma_start3A_155] : memref<16384xi32, #tpu.memory_space<vmem>> -> memref<2048xi32, #tpu.memory_space<vmem>>
    %dma_start3A_157 = arith.constant 0 : i32
    %dma_start3A_158 = arith.constant 0 : i32
    %dma_start3A_159 = tpu.memref_slice %arg8[%dma_start3A_157, %dma_start3A_158] : memref<16384x16xf32, #tpu.memory_space<hbm>> -> memref<16384x16xf32, #tpu.memory_space<hbm>>
    tpu.enqueue_indirect_dma source(%dma_start3A_159 : memref<16384x16xf32, #tpu.memory_space<hbm>>) target(%arg28 : memref<2048x16xf32, #tpu.memory_space<vmem>>) offsets(%dma_start3A_156 : memref<2048xi32, #tpu.memory_space<vmem>>) semaphore(%arg30 : memref<!tpu.dma_semaphore, #tpu.memory_space<semaphore_mem>>)
    %add3A_160 = arith.constant 12288 : i32
    %add3A_161 = arith.addi %mul3A_74, %add3A_160 : i32
    "tpu.region"() ({
      %run_scoped3A = tpu.sem_alloc : memref<!tpu.dma_semaphore, #tpu.memory_space<semaphore_mem>>
      %dma_start3A_169 = arith.constant 0 : i32
      %dma_start3A_170 = tpu.memref_slice %arg9[%add3A_161, %dma_start3A_169] : memref<524288x16xf32, #tpu.memory_space<hbm>> -> memref<2048x16xf32, #tpu.memory_space<hbm>>
      %dma_start3A_171 = arith.constant 0 : i32
      %dma_start3A_172 = tpu.memref_slice %arg9[%add3A_161, %dma_start3A_171] : memref<524288x16xf32, #tpu.memory_space<hbm>> -> memref<2048x16xf32, #tpu.memory_space<hbm>>
      tpu.enqueue_dma source(%arg27 : memref<2048x16xf32, #tpu.memory_space<vmem>>) target(%dma_start3A_172 : memref<2048x16xf32, #tpu.memory_space<hbm>>) target_semaphore(%run_scoped3A : memref<!tpu.dma_semaphore, #tpu.memory_space<semaphore_mem>>)
      %dma_wait3A_173 = arith.constant 0 : i32
      %dma_wait3A_174 = tpu.memref_slice %arg9[%add3A_161, %dma_wait3A_173] : memref<524288x16xf32, #tpu.memory_space<hbm>> -> memref<2048x16xf32, #tpu.memory_space<hbm>>
      %dma_wait3A_175 = arith.constant 0 : i32
      %dma_wait3A_176 = tpu.memref_slice %arg9[%add3A_161, %dma_wait3A_175] : memref<524288x16xf32, #tpu.memory_space<hbm>> -> memref<2048x16xf32, #tpu.memory_space<hbm>>
      tpu.wait_dma2 semaphore(%run_scoped3A : memref<!tpu.dma_semaphore, #tpu.memory_space<semaphore_mem>>) src(%arg27 : memref<2048x16xf32, #tpu.memory_space<vmem>>) dst(%dma_wait3A_176 : memref<2048x16xf32, #tpu.memory_space<hbm>>)
      tpu.yield
    }) : () -> ()
    %dma_wait3A_162 = arith.constant 14336 : i32
    %dma_wait3A_163 = tpu.memref_slice %arg23[%dma_wait3A_162] : memref<16384xi32, #tpu.memory_space<vmem>> -> memref<2048xi32, #tpu.memory_space<vmem>>
    %dma_wait3A_164 = arith.constant 0 : i32
    %dma_wait3A_165 = arith.constant 0 : i32
    %dma_wait3A_166 = tpu.memref_slice %arg8[%dma_wait3A_164, %dma_wait3A_165] : memref<16384x16xf32, #tpu.memory_space<hbm>> -> memref<16384x16xf32, #tpu.memory_space<hbm>>
    tpu.wait_indirect_dma semaphore(%arg30 : memref<!tpu.dma_semaphore, #tpu.memory_space<semaphore_mem>>) src(%dma_wait3A_166 : memref<16384x16xf32, #tpu.memory_space<hbm>>) dst(%arg28 : memref<2048x16xf32, #tpu.memory_space<vmem>>)
    %add3A_167 = arith.constant 14336 : i32
    %add3A_168 = arith.addi %mul3A_74, %add3A_167 : i32
    "tpu.region"() ({
      %run_scoped3A = tpu.sem_alloc : memref<!tpu.dma_semaphore, #tpu.memory_space<semaphore_mem>>
      %dma_start3A_169 = arith.constant 0 : i32
      %dma_start3A_170 = tpu.memref_slice %arg9[%add3A_168, %dma_start3A_169] : memref<524288x16xf32, #tpu.memory_space<hbm>> -> memref<2048x16xf32, #tpu.memory_space<hbm>>
      %dma_start3A_171 = arith.constant 0 : i32
      %dma_start3A_172 = tpu.memref_slice %arg9[%add3A_168, %dma_start3A_171] : memref<524288x16xf32, #tpu.memory_space<hbm>> -> memref<2048x16xf32, #tpu.memory_space<hbm>>
      tpu.enqueue_dma source(%arg28 : memref<2048x16xf32, #tpu.memory_space<vmem>>) target(%dma_start3A_172 : memref<2048x16xf32, #tpu.memory_space<hbm>>) target_semaphore(%run_scoped3A : memref<!tpu.dma_semaphore, #tpu.memory_space<semaphore_mem>>)
      %dma_wait3A_173 = arith.constant 0 : i32
      %dma_wait3A_174 = tpu.memref_slice %arg9[%add3A_168, %dma_wait3A_173] : memref<524288x16xf32, #tpu.memory_space<hbm>> -> memref<2048x16xf32, #tpu.memory_space<hbm>>
      %dma_wait3A_175 = arith.constant 0 : i32
      %dma_wait3A_176 = tpu.memref_slice %arg9[%add3A_168, %dma_wait3A_175] : memref<524288x16xf32, #tpu.memory_space<hbm>> -> memref<2048x16xf32, #tpu.memory_space<hbm>>
      tpu.wait_dma2 semaphore(%run_scoped3A : memref<!tpu.dma_semaphore, #tpu.memory_space<semaphore_mem>>) src(%arg28 : memref<2048x16xf32, #tpu.memory_space<vmem>>) dst(%dma_wait3A_176 : memref<2048x16xf32, #tpu.memory_space<hbm>>)
      tpu.yield
    }) : () -> ()
    return
  }
}

module attributes {stable_mosaic.version = 14 : i64} {
  func.func @_fps_body(%arg0: memref<8x2048xf32, #tpu.memory_space<vmem>>, %arg1: memref<8x2048xf32, #tpu.memory_space<vmem>>, %arg2: memref<8x1024xf32, #tpu.memory_space<vmem>>, %arg3: memref<8x1024xf32, #tpu.memory_space<vmem>>, %arg4: memref<8x256xf32, #tpu.memory_space<vmem>>, %arg5: memref<8x256xf32, #tpu.memory_space<vmem>>) attributes {dimension_semantics = [], scalar_prefetch = 0 : i64, scratch_operands = 0 : i64, tpu.core_type = #tpu.core_type<tc>} {
    %get3A = arith.constant 0 : index
    %get3A_0 = arith.constant 0 : index
    %get3A_1 = vector.load %arg0[%get3A, %get3A_0] : memref<8x2048xf32, #tpu.memory_space<vmem>>, vector<8x2048xf32>
    %get3A_2 = arith.constant 0 : index
    %get3A_3 = arith.constant 0 : index
    %get3A_4 = vector.load %arg1[%get3A_2, %get3A_3] : memref<8x2048xf32, #tpu.memory_space<vmem>>, vector<8x2048xf32>
    %iota3A = tpu.iota {dimensions = array<i32: 1>} : vector<8x2048xi32>
    %iota3A_5 = tpu.iota {dimensions = array<i32: 1>} : vector<8x1024xi32>
    %broadcast_in_dim3A = arith.constant 0x7F800000 : f32
    %broadcast_in_dim3A_6 = vector.broadcast %broadcast_in_dim3A : f32 to vector<8x2048xf32>
    %slice3A = vector.extract_strided_slice %get3A_1 {offsets = [0, 0], sizes = [8, 1], strides = [1, 1]} : vector<8x2048xf32> to vector<8x1xf32>
    %broadcast_in_dim3A_7 = vector.shape_cast %slice3A : vector<8x1xf32> to vector<8x1xf32>
    %broadcast_in_dim3A_8 = vector.broadcast %broadcast_in_dim3A_7 : vector<8x1xf32> to vector<8x1024xf32>
    %slice3A_9 = vector.extract_strided_slice %get3A_4 {offsets = [0, 0], sizes = [8, 1], strides = [1, 1]} : vector<8x2048xf32> to vector<8x1xf32>
    %broadcast_in_dim3A_10 = vector.shape_cast %slice3A_9 : vector<8x1xf32> to vector<8x1xf32>
    %broadcast_in_dim3A_11 = vector.broadcast %broadcast_in_dim3A_10 : vector<8x1xf32> to vector<8x1024xf32>
    %slice3A_12 = vector.extract_strided_slice %get3A_1 {offsets = [0, 0], sizes = [8, 1], strides = [1, 1]} : vector<8x2048xf32> to vector<8x1xf32>
    %slice3A_13 = vector.extract_strided_slice %get3A_4 {offsets = [0, 0], sizes = [8, 1], strides = [1, 1]} : vector<8x2048xf32> to vector<8x1xf32>
    %scan3A = arith.constant 1 : i32
    %scan3A_14 = arith.constant 1023 : i32
    %scan3A_15 = arith.addi %scan3A, %scan3A_14 : i32
    %scan3A_16 = arith.constant 1 : i32
    %scan3A_17:5 = scf.for %scan3A_48 = %scan3A to %scan3A_15 step %scan3A_16 iter_args(%scan3A_49 = %broadcast_in_dim3A_6, %scan3A_50 = %broadcast_in_dim3A_8, %scan3A_51 = %broadcast_in_dim3A_11, %scan3A_52 = %slice3A_12, %scan3A_53 = %slice3A_13) -> (vector<8x2048xf32>, vector<8x1024xf32>, vector<8x1024xf32>, vector<8x1xf32>, vector<8x1xf32>)  : i32 {
      %sub3A = vector.broadcast %scan3A_52 : vector<8x1xf32> to vector<8x2048xf32>
      %sub3A_54 = arith.subf %get3A_1, %sub3A : vector<8x2048xf32>
      %integer_pow3A = arith.mulf %sub3A_54, %sub3A_54 : vector<8x2048xf32>
      %sub3A_55 = vector.broadcast %scan3A_53 : vector<8x1xf32> to vector<8x2048xf32>
      %sub3A_56 = arith.subf %get3A_4, %sub3A_55 : vector<8x2048xf32>
      %integer_pow3A_57 = arith.mulf %sub3A_56, %sub3A_56 : vector<8x2048xf32>
      %add3A = arith.addf %integer_pow3A, %integer_pow3A_57 : vector<8x2048xf32>
      %min3A = arith.minimumf %scan3A_49, %add3A : vector<8x2048xf32>
      %reduce_max3A = arith.constant dense<0xFF800000> : vector<8xf32>
      %reduce_max3A_58 = vector.multi_reduction <maximumf>, %min3A, %reduce_max3A [1] : vector<8x2048xf32> to vector<8xf32>
      %broadcast_in_dim3A_59 = vector.shape_cast %reduce_max3A_58 : vector<8xf32> to vector<8x1xf32>
      %eq3A = vector.broadcast %broadcast_in_dim3A_59 : vector<8x1xf32> to vector<8x2048xf32>
      %eq3A_60 = arith.cmpf oeq, %min3A, %eq3A : vector<8x2048xf32>
      %jit3A = arith.constant 2048 : i32
      %broadcast_in_dim3A_61 = vector.broadcast %jit3A : i32 to vector<8x2048xi32>
      %select_n3A = arith.select %eq3A_60, %iota3A, %broadcast_in_dim3A_61 : vector<8x2048xi1>, vector<8x2048xi32>
      %reduce_min3A = arith.constant dense<2147483647> : vector<8xi32>
      %reduce_min3A_62 = vector.multi_reduction <minsi>, %select_n3A, %reduce_min3A [1] : vector<8x2048xi32> to vector<8xi32>
      %broadcast_in_dim3A_63 = vector.shape_cast %reduce_min3A_62 : vector<8xi32> to vector<8x1xi32>
      %eq3A_64 = vector.broadcast %broadcast_in_dim3A_63 : vector<8x1xi32> to vector<8x2048xi32>
      %eq3A_65 = arith.cmpi eq, %iota3A, %eq3A_64 : vector<8x2048xi32>
      %jit3A_66 = arith.constant 0xFF800000 : f32
      %broadcast_in_dim3A_67 = vector.broadcast %jit3A_66 : f32 to vector<8x2048xf32>
      %select_n3A_68 = arith.select %eq3A_65, %get3A_1, %broadcast_in_dim3A_67 : vector<8x2048xi1>, vector<8x2048xf32>
      %reduce_max3A_69 = arith.constant dense<0xFF800000> : vector<8xf32>
      %reduce_max3A_70 = vector.multi_reduction <maximumf>, %select_n3A_68, %reduce_max3A_69 [1] : vector<8x2048xf32> to vector<8xf32>
      %broadcast_in_dim3A_71 = vector.shape_cast %reduce_max3A_70 : vector<8xf32> to vector<8x1xf32>
      %jit3A_72 = arith.constant 0xFF800000 : f32
      %broadcast_in_dim3A_73 = vector.broadcast %jit3A_72 : f32 to vector<8x2048xf32>
      %select_n3A_74 = arith.select %eq3A_65, %get3A_4, %broadcast_in_dim3A_73 : vector<8x2048xi1>, vector<8x2048xf32>
      %reduce_max3A_75 = arith.constant dense<0xFF800000> : vector<8xf32>
      %reduce_max3A_76 = vector.multi_reduction <maximumf>, %select_n3A_74, %reduce_max3A_75 [1] : vector<8x2048xf32> to vector<8xf32>
      %broadcast_in_dim3A_77 = vector.shape_cast %reduce_max3A_76 : vector<8xf32> to vector<8x1xf32>
      %eq3A_78 = vector.broadcast %scan3A_48 : i32 to vector<8x1024xi32>
      %eq3A_79 = arith.cmpi eq, %iota3A_5, %eq3A_78 : vector<8x1024xi32>
      %broadcast_in_dim3A_80 = vector.shape_cast %broadcast_in_dim3A_71 : vector<8x1xf32> to vector<8x1xf32>
      %broadcast_in_dim3A_81 = vector.broadcast %broadcast_in_dim3A_80 : vector<8x1xf32> to vector<8x1024xf32>
      %select_n3A_82 = arith.select %eq3A_79, %broadcast_in_dim3A_81, %scan3A_50 : vector<8x1024xi1>, vector<8x1024xf32>
      %eq3A_83 = vector.broadcast %scan3A_48 : i32 to vector<8x1024xi32>
      %eq3A_84 = arith.cmpi eq, %iota3A_5, %eq3A_83 : vector<8x1024xi32>
      %broadcast_in_dim3A_85 = vector.shape_cast %broadcast_in_dim3A_77 : vector<8x1xf32> to vector<8x1xf32>
      %broadcast_in_dim3A_86 = vector.broadcast %broadcast_in_dim3A_85 : vector<8x1xf32> to vector<8x1024xf32>
      %select_n3A_87 = arith.select %eq3A_84, %broadcast_in_dim3A_86, %scan3A_51 : vector<8x1024xi1>, vector<8x1024xf32>
      scf.yield %min3A, %select_n3A_82, %select_n3A_87, %broadcast_in_dim3A_71, %broadcast_in_dim3A_77 : vector<8x2048xf32>, vector<8x1024xf32>, vector<8x1024xf32>, vector<8x1xf32>, vector<8x1xf32>
    }
    %scan3A_18 = arith.constant 1023 : i32
    %iota3A_19 = tpu.iota {dimensions = array<i32: 1>} : vector<8x1024xi32>
    %iota3A_20 = tpu.iota {dimensions = array<i32: 1>} : vector<8x256xi32>
    %broadcast_in_dim3A_21 = arith.constant 0x7F800000 : f32
    %broadcast_in_dim3A_22 = vector.broadcast %broadcast_in_dim3A_21 : f32 to vector<8x1024xf32>
    %slice3A_23 = vector.extract_strided_slice %scan3A_17#1 {offsets = [0, 0], sizes = [8, 1], strides = [1, 1]} : vector<8x1024xf32> to vector<8x1xf32>
    %broadcast_in_dim3A_24 = vector.shape_cast %slice3A_23 : vector<8x1xf32> to vector<8x1xf32>
    %broadcast_in_dim3A_25 = vector.broadcast %broadcast_in_dim3A_24 : vector<8x1xf32> to vector<8x256xf32>
    %slice3A_26 = vector.extract_strided_slice %scan3A_17#2 {offsets = [0, 0], sizes = [8, 1], strides = [1, 1]} : vector<8x1024xf32> to vector<8x1xf32>
    %broadcast_in_dim3A_27 = vector.shape_cast %slice3A_26 : vector<8x1xf32> to vector<8x1xf32>
    %broadcast_in_dim3A_28 = vector.broadcast %broadcast_in_dim3A_27 : vector<8x1xf32> to vector<8x256xf32>
    %slice3A_29 = vector.extract_strided_slice %scan3A_17#1 {offsets = [0, 0], sizes = [8, 1], strides = [1, 1]} : vector<8x1024xf32> to vector<8x1xf32>
    %slice3A_30 = vector.extract_strided_slice %scan3A_17#2 {offsets = [0, 0], sizes = [8, 1], strides = [1, 1]} : vector<8x1024xf32> to vector<8x1xf32>
    %scan3A_31 = arith.constant 1 : i32
    %scan3A_32 = arith.constant 255 : i32
    %scan3A_33 = arith.addi %scan3A_31, %scan3A_32 : i32
    %scan3A_34 = arith.constant 1 : i32
    %scan3A_35:5 = scf.for %scan3A_48 = %scan3A_31 to %scan3A_33 step %scan3A_34 iter_args(%scan3A_49 = %broadcast_in_dim3A_22, %scan3A_50 = %broadcast_in_dim3A_25, %scan3A_51 = %broadcast_in_dim3A_28, %scan3A_52 = %slice3A_29, %scan3A_53 = %slice3A_30) -> (vector<8x1024xf32>, vector<8x256xf32>, vector<8x256xf32>, vector<8x1xf32>, vector<8x1xf32>)  : i32 {
      %sub3A = vector.broadcast %scan3A_52 : vector<8x1xf32> to vector<8x1024xf32>
      %sub3A_54 = arith.subf %scan3A_17#1, %sub3A : vector<8x1024xf32>
      %integer_pow3A = arith.mulf %sub3A_54, %sub3A_54 : vector<8x1024xf32>
      %sub3A_55 = vector.broadcast %scan3A_53 : vector<8x1xf32> to vector<8x1024xf32>
      %sub3A_56 = arith.subf %scan3A_17#2, %sub3A_55 : vector<8x1024xf32>
      %integer_pow3A_57 = arith.mulf %sub3A_56, %sub3A_56 : vector<8x1024xf32>
      %add3A = arith.addf %integer_pow3A, %integer_pow3A_57 : vector<8x1024xf32>
      %min3A = arith.minimumf %scan3A_49, %add3A : vector<8x1024xf32>
      %reduce_max3A = arith.constant dense<0xFF800000> : vector<8xf32>
      %reduce_max3A_58 = vector.multi_reduction <maximumf>, %min3A, %reduce_max3A [1] : vector<8x1024xf32> to vector<8xf32>
      %broadcast_in_dim3A_59 = vector.shape_cast %reduce_max3A_58 : vector<8xf32> to vector<8x1xf32>
      %eq3A = vector.broadcast %broadcast_in_dim3A_59 : vector<8x1xf32> to vector<8x1024xf32>
      %eq3A_60 = arith.cmpf oeq, %min3A, %eq3A : vector<8x1024xf32>
      %jit3A = arith.constant 1024 : i32
      %broadcast_in_dim3A_61 = vector.broadcast %jit3A : i32 to vector<8x1024xi32>
      %select_n3A = arith.select %eq3A_60, %iota3A_19, %broadcast_in_dim3A_61 : vector<8x1024xi1>, vector<8x1024xi32>
      %reduce_min3A = arith.constant dense<2147483647> : vector<8xi32>
      %reduce_min3A_62 = vector.multi_reduction <minsi>, %select_n3A, %reduce_min3A [1] : vector<8x1024xi32> to vector<8xi32>
      %broadcast_in_dim3A_63 = vector.shape_cast %reduce_min3A_62 : vector<8xi32> to vector<8x1xi32>
      %eq3A_64 = vector.broadcast %broadcast_in_dim3A_63 : vector<8x1xi32> to vector<8x1024xi32>
      %eq3A_65 = arith.cmpi eq, %iota3A_19, %eq3A_64 : vector<8x1024xi32>
      %jit3A_66 = arith.constant 0xFF800000 : f32
      %broadcast_in_dim3A_67 = vector.broadcast %jit3A_66 : f32 to vector<8x1024xf32>
      %select_n3A_68 = arith.select %eq3A_65, %scan3A_17#1, %broadcast_in_dim3A_67 : vector<8x1024xi1>, vector<8x1024xf32>
      %reduce_max3A_69 = arith.constant dense<0xFF800000> : vector<8xf32>
      %reduce_max3A_70 = vector.multi_reduction <maximumf>, %select_n3A_68, %reduce_max3A_69 [1] : vector<8x1024xf32> to vector<8xf32>
      %broadcast_in_dim3A_71 = vector.shape_cast %reduce_max3A_70 : vector<8xf32> to vector<8x1xf32>
      %jit3A_72 = arith.constant 0xFF800000 : f32
      %broadcast_in_dim3A_73 = vector.broadcast %jit3A_72 : f32 to vector<8x1024xf32>
      %select_n3A_74 = arith.select %eq3A_65, %scan3A_17#2, %broadcast_in_dim3A_73 : vector<8x1024xi1>, vector<8x1024xf32>
      %reduce_max3A_75 = arith.constant dense<0xFF800000> : vector<8xf32>
      %reduce_max3A_76 = vector.multi_reduction <maximumf>, %select_n3A_74, %reduce_max3A_75 [1] : vector<8x1024xf32> to vector<8xf32>
      %broadcast_in_dim3A_77 = vector.shape_cast %reduce_max3A_76 : vector<8xf32> to vector<8x1xf32>
      %eq3A_78 = vector.broadcast %scan3A_48 : i32 to vector<8x256xi32>
      %eq3A_79 = arith.cmpi eq, %iota3A_20, %eq3A_78 : vector<8x256xi32>
      %broadcast_in_dim3A_80 = vector.shape_cast %broadcast_in_dim3A_71 : vector<8x1xf32> to vector<8x1xf32>
      %broadcast_in_dim3A_81 = vector.broadcast %broadcast_in_dim3A_80 : vector<8x1xf32> to vector<8x256xf32>
      %select_n3A_82 = arith.select %eq3A_79, %broadcast_in_dim3A_81, %scan3A_50 : vector<8x256xi1>, vector<8x256xf32>
      %eq3A_83 = vector.broadcast %scan3A_48 : i32 to vector<8x256xi32>
      %eq3A_84 = arith.cmpi eq, %iota3A_20, %eq3A_83 : vector<8x256xi32>
      %broadcast_in_dim3A_85 = vector.shape_cast %broadcast_in_dim3A_77 : vector<8x1xf32> to vector<8x1xf32>
      %broadcast_in_dim3A_86 = vector.broadcast %broadcast_in_dim3A_85 : vector<8x1xf32> to vector<8x256xf32>
      %select_n3A_87 = arith.select %eq3A_84, %broadcast_in_dim3A_86, %scan3A_51 : vector<8x256xi1>, vector<8x256xf32>
      scf.yield %min3A, %select_n3A_82, %select_n3A_87, %broadcast_in_dim3A_71, %broadcast_in_dim3A_77 : vector<8x1024xf32>, vector<8x256xf32>, vector<8x256xf32>, vector<8x1xf32>, vector<8x1xf32>
    }
    %scan3A_36 = arith.constant 255 : i32
    %swap3A = arith.constant 0 : index
    %swap3A_37 = arith.constant 0 : index
    %swap3A_38 = vector.load %arg2[%swap3A, %swap3A_37] : memref<8x1024xf32, #tpu.memory_space<vmem>>, vector<8x1024xf32>
    tpu.vector_store %arg2[%swap3A, %swap3A_37], %scan3A_17#1 {strides = array<i32>} : memref<8x1024xf32, #tpu.memory_space<vmem>>, vector<8x1024xf32>,
    %swap3A_39 = arith.constant 0 : index
    %swap3A_40 = arith.constant 0 : index
    %swap3A_41 = vector.load %arg3[%swap3A_39, %swap3A_40] : memref<8x1024xf32, #tpu.memory_space<vmem>>, vector<8x1024xf32>
    tpu.vector_store %arg3[%swap3A_39, %swap3A_40], %scan3A_17#2 {strides = array<i32>} : memref<8x1024xf32, #tpu.memory_space<vmem>>, vector<8x1024xf32>,
    %swap3A_42 = arith.constant 0 : index
    %swap3A_43 = arith.constant 0 : index
    %swap3A_44 = vector.load %arg4[%swap3A_42, %swap3A_43] : memref<8x256xf32, #tpu.memory_space<vmem>>, vector<8x256xf32>
    tpu.vector_store %arg4[%swap3A_42, %swap3A_43], %scan3A_35#1 {strides = array<i32>} : memref<8x256xf32, #tpu.memory_space<vmem>>, vector<8x256xf32>,
    %swap3A_45 = arith.constant 0 : index
    %swap3A_46 = arith.constant 0 : index
    %swap3A_47 = vector.load %arg5[%swap3A_45, %swap3A_46] : memref<8x256xf32, #tpu.memory_space<vmem>>, vector<8x256xf32>
    tpu.vector_store %arg5[%swap3A_45, %swap3A_46], %scan3A_35#2 {strides = array<i32>} : memref<8x256xf32, #tpu.memory_space<vmem>>, vector<8x256xf32>,
    return
  }
}

module attributes {stable_mosaic.version = 14 : i64} {
  func.func @_sa1_body(%arg0: i32, %arg1: memref<16384x16xf32, #tpu.memory_space<vmem>>, %arg2: memref<1x1x256xf32, #tpu.memory_space<vmem>>, %arg3: memref<1x1x256xf32, #tpu.memory_space<vmem>>, %arg4: memref<1x1x256xi32, #tpu.memory_space<vmem>>, %arg5: memref<16x32xf32, #tpu.memory_space<vmem>>, %arg6: memref<1x32xf32, #tpu.memory_space<vmem>>, %arg7: memref<1x32xf32, #tpu.memory_space<vmem>>, %arg8: memref<1x32xf32, #tpu.memory_space<vmem>>, %arg9: memref<1x32xf32, #tpu.memory_space<vmem>>, %arg10: memref<1x32xf32, #tpu.memory_space<vmem>>, %arg11: memref<32x64xf32, #tpu.memory_space<vmem>>, %arg12: memref<1x64xf32, #tpu.memory_space<vmem>>, %arg13: memref<256x80xf32, #tpu.memory_space<vmem>>) attributes {dimension_semantics = [#tpu.dimension_semantics<arbitrary>], iteration_bounds = array<i64: 32>, scalar_prefetch = 0 : i64, scratch_operands = 0 : i64, tpu.core_type = #tpu.core_type<tc>, window_params = [{transform_indices = @transform_0, window_bounds = array<i64: 16384, 16>}, {transform_indices = @transform_1, window_bounds = array<i64: 1, 1, 256>}, {transform_indices = @transform_2, window_bounds = array<i64: 1, 1, 256>}, {transform_indices = @transform_3, window_bounds = array<i64: 1, 1, 256>}, {pipeline_mode = #tpu.pipeline_mode<synchronous>, transform_indices = @transform_4, window_bounds = array<i64: 16, 32>}, {pipeline_mode = #tpu.pipeline_mode<synchronous>, transform_indices = @transform_5, window_bounds = array<i64: 1, 32>}, {pipeline_mode = #tpu.pipeline_mode<synchronous>, transform_indices = @transform_6, window_bounds = array<i64: 1, 32>}, {pipeline_mode = #tpu.pipeline_mode<synchronous>, transform_indices = @transform_7, window_bounds = array<i64: 1, 32>}, {pipeline_mode = #tpu.pipeline_mode<synchronous>, transform_indices = @transform_8, window_bounds = array<i64: 1, 32>}, {pipeline_mode = #tpu.pipeline_mode<synchronous>, transform_indices = @transform_9, window_bounds = array<i64: 1, 32>}, {pipeline_mode = #tpu.pipeline_mode<synchronous>, transform_indices = @transform_10, window_bounds = array<i64: 32, 64>}, {pipeline_mode = #tpu.pipeline_mode<synchronous>, transform_indices = @transform_11, window_bounds = array<i64: 1, 64>}, {transform_indices = @transform_12, window_bounds = array<i64: 256, 80>}]} {
    %get3A = arith.constant 0 : index
    %get3A_0 = arith.constant 0 : index
    %get3A_1 = vector.load %arg1[%get3A, %get3A_0] : memref<16384x16xf32, #tpu.memory_space<vmem>>, vector<16384x16xf32>
    %get3A_2 = arith.constant 0 : index
    %get3A_3 = arith.constant 0 : index
    %get3A_4 = vector.load %arg5[%get3A_2, %get3A_3] : memref<16x32xf32, #tpu.memory_space<vmem>>, vector<16x32xf32>
    %dot_general3A = arith.constant dense<0.000000e+00> : vector<16384x32xf32>
    %dot_general3A_5 = tpu.matmul %get3A_1, %get3A_4, %dot_general3A {dimension_numbers = #tpu.dot_dimension_numbers<[1], [0], [0], [1], [0, 0, 1, 1], [], []>, transpose_lhs_hint = false} : vector<16384x16xf32>, vector<16x32xf32>, vector<16384x32xf32> -> vector<16384x32xf32>
    %get3A_6 = arith.constant 0 : index
    %get3A_7 = arith.constant 0 : index
    %get3A_8 = arith.constant 0 : index
    %get3A_9 = vector.load %arg2[%get3A_6, %get3A_7, %get3A_8] : memref<1x1x256xf32, #tpu.memory_space<vmem>>, vector<1x1x256xf32>
    %get3A_10 = vector.shape_cast %get3A_9 : vector<1x1x256xf32> to vector<256xf32>
    %get3A_11 = arith.constant 0 : index
    %get3A_12 = arith.constant 0 : index
    %get3A_13 = arith.constant 0 : index
    %get3A_14 = vector.load %arg3[%get3A_11, %get3A_12, %get3A_13] : memref<1x1x256xf32, #tpu.memory_space<vmem>>, vector<1x1x256xf32>
    %get3A_15 = vector.shape_cast %get3A_14 : vector<1x1x256xf32> to vector<256xf32>
    %get3A_16 = arith.constant 0 : index
    %get3A_17 = arith.constant 0 : index
    %get3A_18 = vector.load %arg8[%get3A_16, %get3A_17] : memref<1x32xf32, #tpu.memory_space<vmem>>, vector<1x32xf32>
    %broadcast_in_dim3A = vector.shape_cast %get3A_10 : vector<256xf32> to vector<256x1xf32>
    %get3A_19 = arith.constant 0 : index
    %get3A_20 = arith.constant 0 : index
    %get3A_21 = vector.load %arg6[%get3A_19, %get3A_20] : memref<1x32xf32, #tpu.memory_space<vmem>>, vector<1x32xf32>
    %mul3A = vector.broadcast %broadcast_in_dim3A : vector<256x1xf32> to vector<256x32xf32>
    %mul3A_22 = vector.broadcast %get3A_21 : vector<1x32xf32> to vector<256x32xf32>
    %mul3A_23 = arith.mulf %mul3A, %mul3A_22 : vector<256x32xf32>
    %sub3A = vector.broadcast %get3A_18 : vector<1x32xf32> to vector<256x32xf32>
    %sub3A_24 = arith.subf %sub3A, %mul3A_23 : vector<256x32xf32>
    %broadcast_in_dim3A_25 = vector.shape_cast %get3A_15 : vector<256xf32> to vector<256x1xf32>
    %get3A_26 = arith.constant 0 : index
    %get3A_27 = arith.constant 0 : index
    %get3A_28 = vector.load %arg7[%get3A_26, %get3A_27] : memref<1x32xf32, #tpu.memory_space<vmem>>, vector<1x32xf32>
    %mul3A_29 = vector.broadcast %broadcast_in_dim3A_25 : vector<256x1xf32> to vector<256x32xf32>
    %mul3A_30 = vector.broadcast %get3A_28 : vector<1x32xf32> to vector<256x32xf32>
    %mul3A_31 = arith.mulf %mul3A_29, %mul3A_30 : vector<256x32xf32>
    %sub3A_32 = arith.subf %sub3A_24, %mul3A_31 : vector<256x32xf32>
    %reshape3A = vector.shape_cast %dot_general3A_5 : vector<16384x32xf32> to vector<256x64x32xf32>
    %broadcast_in_dim3A_33 = vector.shape_cast %sub3A_32 : vector<256x32xf32> to vector<256x1x32xf32>
    %add3A = vector.broadcast %broadcast_in_dim3A_33 : vector<256x1x32xf32> to vector<256x64x32xf32>
    %add3A_34 = arith.addf %reshape3A, %add3A : vector<256x64x32xf32>
    %get3A_35 = arith.constant 0 : index
    %get3A_36 = arith.constant 0 : index
    %get3A_37 = vector.load %arg9[%get3A_35, %get3A_36] : memref<1x32xf32, #tpu.memory_space<vmem>>, vector<1x32xf32>
    %broadcast_in_dim3A_38 = vector.shape_cast %get3A_37 : vector<1x32xf32> to vector<1x1x32xf32>
    %mul3A_39 = vector.broadcast %broadcast_in_dim3A_38 : vector<1x1x32xf32> to vector<256x64x32xf32>
    %mul3A_40 = arith.mulf %add3A_34, %mul3A_39 : vector<256x64x32xf32>
    %get3A_41 = arith.constant 0 : index
    %get3A_42 = arith.constant 0 : index
    %get3A_43 = vector.load %arg10[%get3A_41, %get3A_42] : memref<1x32xf32, #tpu.memory_space<vmem>>, vector<1x32xf32>
    %broadcast_in_dim3A_44 = vector.shape_cast %get3A_43 : vector<1x32xf32> to vector<1x1x32xf32>
    %add3A_45 = vector.broadcast %broadcast_in_dim3A_44 : vector<1x1x32xf32> to vector<256x64x32xf32>
    %add3A_46 = arith.addf %mul3A_40, %add3A_45 : vector<256x64x32xf32>
    %max3A = arith.constant 0.000000e+00 : f32
    %max3A_47 = vector.broadcast %max3A : f32 to vector<256x64x32xf32>
    %max3A_48 = arith.maximumf %add3A_46, %max3A_47 : vector<256x64x32xf32>
    %reshape3A_49 = vector.shape_cast %max3A_48 : vector<256x64x32xf32> to vector<16384x32xf32>
    %get3A_50 = arith.constant 0 : index
    %get3A_51 = arith.constant 0 : index
    %get3A_52 = vector.load %arg11[%get3A_50, %get3A_51] : memref<32x64xf32, #tpu.memory_space<vmem>>, vector<32x64xf32>
    %dot_general3A_53 = arith.constant dense<0.000000e+00> : vector<16384x64xf32>
    %dot_general3A_54 = tpu.matmul %reshape3A_49, %get3A_52, %dot_general3A_53 {dimension_numbers = #tpu.dot_dimension_numbers<[1], [0], [0], [1], [0, 0, 1, 1], [], []>, transpose_lhs_hint = false} : vector<16384x32xf32>, vector<32x64xf32>, vector<16384x64xf32> -> vector<16384x64xf32>
    %get3A_55 = arith.constant 0 : index
    %get3A_56 = arith.constant 0 : index
    %get3A_57 = vector.load %arg12[%get3A_55, %get3A_56] : memref<1x64xf32, #tpu.memory_space<vmem>>, vector<1x64xf32>
    %add3A_58 = vector.broadcast %get3A_57 : vector<1x64xf32> to vector<16384x64xf32>
    %add3A_59 = arith.addf %dot_general3A_54, %add3A_58 : vector<16384x64xf32>
    %reshape3A_60 = vector.shape_cast %add3A_59 : vector<16384x64xf32> to vector<256x64x64xf32>
    %iota3A = tpu.iota {dimensions = array<i32: 1>} : vector<256x64x1xi32>
    %get3A_61 = arith.constant 0 : index
    %get3A_62 = arith.constant 0 : index
    %get3A_63 = arith.constant 0 : index
    %get3A_64 = vector.load %arg4[%get3A_61, %get3A_62, %get3A_63] : memref<1x1x256xi32, #tpu.memory_space<vmem>>, vector<1x1x256xi32>
    %get3A_65 = vector.shape_cast %get3A_64 : vector<1x1x256xi32> to vector<256xi32>
    %broadcast_in_dim3A_66 = vector.shape_cast %get3A_65 : vector<256xi32> to vector<256x1x1xi32>
    %lt3A = vector.broadcast %broadcast_in_dim3A_66 : vector<256x1x1xi32> to vector<256x64x1xi32>
    %lt3A_67 = arith.cmpi slt, %iota3A, %lt3A : vector<256x64x1xi32>
    %jit3A = arith.constant -1.000000e+30 : f32
    %broadcast_in_dim3A_68 = vector.shape_cast %lt3A_67 : vector<256x64x1xi1> to vector<256x64x1xi1>
    %broadcast_in_dim3A_69 = vector.broadcast %broadcast_in_dim3A_68 : vector<256x64x1xi1> to vector<256x64x64xi1>
    %broadcast_in_dim3A_70 = vector.broadcast %jit3A : f32 to vector<256x64x64xf32>
    %select_n3A = arith.select %broadcast_in_dim3A_69, %reshape3A_60, %broadcast_in_dim3A_70 : vector<256x64x64xi1>, vector<256x64x64xf32>
    %reduce_max3A = arith.constant dense<0xFF800000> : vector<256x64xf32>
    %reduce_max3A_71 = vector.multi_reduction <maximumf>, %select_n3A, %reduce_max3A [1] : vector<256x64x64xf32> to vector<256x64xf32>
    %le3A = arith.constant -1.000000e+20 : f32
    %le3A_72 = vector.broadcast %le3A : f32 to vector<256x64xf32>
    %le3A_73 = arith.cmpf ole, %reduce_max3A_71, %le3A_72 : vector<256x64xf32>
    %jit3A_74 = arith.constant 0.000000e+00 : f32
    %broadcast_in_dim3A_75 = vector.broadcast %jit3A_74 : f32 to vector<256x64xf32>
    %select_n3A_76 = arith.select %le3A_73, %broadcast_in_dim3A_75, %reduce_max3A_71 : vector<256x64xi1>, vector<256x64xf32>
    %broadcast_in_dim3A_77 = vector.shape_cast %get3A_10 : vector<256xf32> to vector<256x1xf32>
    %broadcast_in_dim3A_78 = vector.shape_cast %get3A_15 : vector<256xf32> to vector<256x1xf32>
    %broadcast_in_dim3A_79 = arith.constant 0.000000e+00 : f32
    %broadcast_in_dim3A_80 = vector.broadcast %broadcast_in_dim3A_79 : f32 to vector<256x14xf32>
    %concatenate3A = tpu.concatenate %select_n3A_76, %broadcast_in_dim3A_77, %broadcast_in_dim3A_78, %broadcast_in_dim3A_80 in 1 : vector<256x64xf32>, vector<256x1xf32>, vector<256x1xf32>, vector<256x14xf32> -> vector<256x80xf32>
    %swap3A = arith.constant 0 : index
    %swap3A_81 = arith.constant 0 : index
    %swap3A_82 = vector.load %arg13[%swap3A, %swap3A_81] : memref<256x80xf32, #tpu.memory_space<vmem>>, vector<256x80xf32>
    tpu.vector_store %arg13[%swap3A, %swap3A_81], %concatenate3A {strides = array<i32>} : memref<256x80xf32, #tpu.memory_space<vmem>>, vector<256x80xf32>,
    return
  }
  func.func @transform_0(%arg0: i32) -> (i32, i32) {
    %c0_i32 = arith.constant 0 : i32
    %c0_i32_0 = arith.constant 0 : i32
    return %arg0, %c0_i32 : i32, i32
  }
  func.func @transform_1(%arg0: i32) -> (i32, i32, i32) {
    %c0_i32 = arith.constant 0 : i32
    %c0_i32_0 = arith.constant 0 : i32
    %c0_i32_1 = arith.constant 0 : i32
    return %arg0, %c0_i32, %c0_i32_0 : i32, i32, i32
  }
  func.func @transform_2(%arg0: i32) -> (i32, i32, i32) {
    %c0_i32 = arith.constant 0 : i32
    %c0_i32_0 = arith.constant 0 : i32
    %c0_i32_1 = arith.constant 0 : i32
    return %arg0, %c0_i32, %c0_i32_0 : i32, i32, i32
  }
  func.func @transform_3(%arg0: i32) -> (i32, i32, i32) {
    %c0_i32 = arith.constant 0 : i32
    %c0_i32_0 = arith.constant 0 : i32
    %c0_i32_1 = arith.constant 0 : i32
    return %arg0, %c0_i32, %c0_i32_0 : i32, i32, i32
  }
  func.func @transform_4(%arg0: i32) -> (i32, i32) {
    %c0_i32 = arith.constant 0 : i32
    %c0_i32_0 = arith.constant 0 : i32
    %c0_i32_1 = arith.constant 0 : i32
    return %c0_i32, %c0_i32_0 : i32, i32
  }
  func.func @transform_5(%arg0: i32) -> (i32, i32) {
    %c0_i32 = arith.constant 0 : i32
    %c0_i32_0 = arith.constant 0 : i32
    %c0_i32_1 = arith.constant 0 : i32
    return %c0_i32, %c0_i32_0 : i32, i32
  }
  func.func @transform_6(%arg0: i32) -> (i32, i32) {
    %c0_i32 = arith.constant 0 : i32
    %c0_i32_0 = arith.constant 0 : i32
    %c0_i32_1 = arith.constant 0 : i32
    return %c0_i32, %c0_i32_0 : i32, i32
  }
  func.func @transform_7(%arg0: i32) -> (i32, i32) {
    %c0_i32 = arith.constant 0 : i32
    %c0_i32_0 = arith.constant 0 : i32
    %c0_i32_1 = arith.constant 0 : i32
    return %c0_i32, %c0_i32_0 : i32, i32
  }
  func.func @transform_8(%arg0: i32) -> (i32, i32) {
    %c0_i32 = arith.constant 0 : i32
    %c0_i32_0 = arith.constant 0 : i32
    %c0_i32_1 = arith.constant 0 : i32
    return %c0_i32, %c0_i32_0 : i32, i32
  }
  func.func @transform_9(%arg0: i32) -> (i32, i32) {
    %c0_i32 = arith.constant 0 : i32
    %c0_i32_0 = arith.constant 0 : i32
    %c0_i32_1 = arith.constant 0 : i32
    return %c0_i32, %c0_i32_0 : i32, i32
  }
  func.func @transform_10(%arg0: i32) -> (i32, i32) {
    %c0_i32 = arith.constant 0 : i32
    %c0_i32_0 = arith.constant 0 : i32
    %c0_i32_1 = arith.constant 0 : i32
    return %c0_i32, %c0_i32_0 : i32, i32
  }
  func.func @transform_11(%arg0: i32) -> (i32, i32) {
    %c0_i32 = arith.constant 0 : i32
    %c0_i32_0 = arith.constant 0 : i32
    %c0_i32_1 = arith.constant 0 : i32
    return %c0_i32, %c0_i32_0 : i32, i32
  }
  func.func @transform_12(%arg0: i32) -> (i32, i32) {
    %c0_i32 = arith.constant 0 : i32
    %c0_i32_0 = arith.constant 0 : i32
    return %arg0, %c0_i32 : i32, i32
  }
}

module attributes {stable_mosaic.version = 14 : i64} {
  func.func @_sa2_body(%arg0: i32, %arg1: memref<16384x80xf32, #tpu.memory_space<vmem>>, %arg2: memref<1x1x256xf32, #tpu.memory_space<vmem>>, %arg3: memref<1x1x256xf32, #tpu.memory_space<vmem>>, %arg4: memref<1x1x256xi32, #tpu.memory_space<vmem>>, %arg5: memref<80x64xf32, #tpu.memory_space<vmem>>, %arg6: memref<1x64xf32, #tpu.memory_space<vmem>>, %arg7: memref<1x64xf32, #tpu.memory_space<vmem>>, %arg8: memref<1x64xf32, #tpu.memory_space<vmem>>, %arg9: memref<1x64xf32, #tpu.memory_space<vmem>>, %arg10: memref<1x64xf32, #tpu.memory_space<vmem>>, %arg11: memref<64x128xf32, #tpu.memory_space<vmem>>, %arg12: memref<1x128xf32, #tpu.memory_space<vmem>>, %arg13: memref<130x128xf32, #tpu.memory_space<vmem>>, %arg14: memref<1x128xf32, #tpu.memory_space<vmem>>, %arg15: memref<1x128xf32, #tpu.memory_space<vmem>>, %arg16: memref<1x128xf32, #tpu.memory_space<vmem>>, %arg17: memref<128x256xf32, #tpu.memory_space<vmem>>, %arg18: memref<1x256xf32, #tpu.memory_space<vmem>>, %arg19: memref<256x256xf32, #tpu.memory_space<vmem>>, %arg20: memref<1x256xf32, #tpu.memory_space<vmem>>, %arg21: memref<256x1024xf32, #tpu.memory_space<vmem>>, %arg22: memref<1x1024xf32, #tpu.memory_space<vmem>>, %arg23: memref<1x1x1024xf32, #tpu.memory_space<vmem>>) attributes {dimension_semantics = [#tpu.dimension_semantics<arbitrary>], iteration_bounds = array<i64: 8>, scalar_prefetch = 0 : i64, scratch_operands = 0 : i64, tpu.core_type = #tpu.core_type<tc>, window_params = [{transform_indices = @transform_0, window_bounds = array<i64: 16384, 80>}, {transform_indices = @transform_1, window_bounds = array<i64: 1, 1, 256>}, {transform_indices = @transform_2, window_bounds = array<i64: 1, 1, 256>}, {transform_indices = @transform_3, window_bounds = array<i64: 1, 1, 256>}, {pipeline_mode = #tpu.pipeline_mode<synchronous>, transform_indices = @transform_4, window_bounds = array<i64: 80, 64>}, {pipeline_mode = #tpu.pipeline_mode<synchronous>, transform_indices = @transform_5, window_bounds = array<i64: 1, 64>}, {pipeline_mode = #tpu.pipeline_mode<synchronous>, transform_indices = @transform_6, window_bounds = array<i64: 1, 64>}, {pipeline_mode = #tpu.pipeline_mode<synchronous>, transform_indices = @transform_7, window_bounds = array<i64: 1, 64>}, {pipeline_mode = #tpu.pipeline_mode<synchronous>, transform_indices = @transform_8, window_bounds = array<i64: 1, 64>}, {pipeline_mode = #tpu.pipeline_mode<synchronous>, transform_indices = @transform_9, window_bounds = array<i64: 1, 64>}, {pipeline_mode = #tpu.pipeline_mode<synchronous>, transform_indices = @transform_10, window_bounds = array<i64: 64, 128>}, {pipeline_mode = #tpu.pipeline_mode<synchronous>, transform_indices = @transform_11, window_bounds = array<i64: 1, 128>}, {pipeline_mode = #tpu.pipeline_mode<synchronous>, transform_indices = @transform_12, window_bounds = array<i64: 130, 128>}, {pipeline_mode = #tpu.pipeline_mode<synchronous>, transform_indices = @transform_13, window_bounds = array<i64: 1, 128>}, {pipeline_mode = #tpu.pipeline_mode<synchronous>, transform_indices = @transform_14, window_bounds = array<i64: 1, 128>}, {pipeline_mode = #tpu.pipeline_mode<synchronous>, transform_indices = @transform_15, window_bounds = array<i64: 1, 128>}, {pipeline_mode = #tpu.pipeline_mode<synchronous>, transform_indices = @transform_16, window_bounds = array<i64: 128, 256>}, {pipeline_mode = #tpu.pipeline_mode<synchronous>, transform_indices = @transform_17, window_bounds = array<i64: 1, 256>}, {pipeline_mode = #tpu.pipeline_mode<synchronous>, transform_indices = @transform_18, window_bounds = array<i64: 256, 256>}, {pipeline_mode = #tpu.pipeline_mode<synchronous>, transform_indices = @transform_19, window_bounds = array<i64: 1, 256>}, {pipeline_mode = #tpu.pipeline_mode<synchronous>, transform_indices = @transform_20, window_bounds = array<i64: 256, 1024>}, {pipeline_mode = #tpu.pipeline_mode<synchronous>, transform_indices = @transform_21, window_bounds = array<i64: 1, 1024>}, {transform_indices = @transform_22, window_bounds = array<i64: 1, 1, 1024>}]} {
    %get3A = arith.constant 0 : index
    %get3A_0 = arith.constant 0 : index
    %get3A_1 = vector.load %arg1[%get3A, %get3A_0] : memref<16384x80xf32, #tpu.memory_space<vmem>>, vector<16384x80xf32>
    %get3A_2 = arith.constant 0 : index
    %get3A_3 = arith.constant 0 : index
    %get3A_4 = vector.load %arg5[%get3A_2, %get3A_3] : memref<80x64xf32, #tpu.memory_space<vmem>>, vector<80x64xf32>
    %dot_general3A = arith.constant dense<0.000000e+00> : vector<16384x64xf32>
    %dot_general3A_5 = tpu.matmul %get3A_1, %get3A_4, %dot_general3A {dimension_numbers = #tpu.dot_dimension_numbers<[1], [0], [0], [1], [0, 0, 1, 1], [], []>, transpose_lhs_hint = false} : vector<16384x80xf32>, vector<80x64xf32>, vector<16384x64xf32> -> vector<16384x64xf32>
    %get3A_6 = arith.constant 0 : index
    %get3A_7 = arith.constant 0 : index
    %get3A_8 = arith.constant 0 : index
    %get3A_9 = vector.load %arg2[%get3A_6, %get3A_7, %get3A_8] : memref<1x1x256xf32, #tpu.memory_space<vmem>>, vector<1x1x256xf32>
    %get3A_10 = vector.shape_cast %get3A_9 : vector<1x1x256xf32> to vector<256xf32>
    %get3A_11 = arith.constant 0 : index
    %get3A_12 = arith.constant 0 : index
    %get3A_13 = arith.constant 0 : index
    %get3A_14 = vector.load %arg3[%get3A_11, %get3A_12, %get3A_13] : memref<1x1x256xf32, #tpu.memory_space<vmem>>, vector<1x1x256xf32>
    %get3A_15 = vector.shape_cast %get3A_14 : vector<1x1x256xf32> to vector<256xf32>
    %get3A_16 = arith.constant 0 : index
    %get3A_17 = arith.constant 0 : index
    %get3A_18 = vector.load %arg8[%get3A_16, %get3A_17] : memref<1x64xf32, #tpu.memory_space<vmem>>, vector<1x64xf32>
    %broadcast_in_dim3A = vector.shape_cast %get3A_10 : vector<256xf32> to vector<256x1xf32>
    %get3A_19 = arith.constant 0 : index
    %get3A_20 = arith.constant 0 : index
    %get3A_21 = vector.load %arg6[%get3A_19, %get3A_20] : memref<1x64xf32, #tpu.memory_space<vmem>>, vector<1x64xf32>
    %mul3A = vector.broadcast %broadcast_in_dim3A : vector<256x1xf32> to vector<256x64xf32>
    %mul3A_22 = vector.broadcast %get3A_21 : vector<1x64xf32> to vector<256x64xf32>
    %mul3A_23 = arith.mulf %mul3A, %mul3A_22 : vector<256x64xf32>
    %sub3A = vector.broadcast %get3A_18 : vector<1x64xf32> to vector<256x64xf32>
    %sub3A_24 = arith.subf %sub3A, %mul3A_23 : vector<256x64xf32>
    %broadcast_in_dim3A_25 = vector.shape_cast %get3A_15 : vector<256xf32> to vector<256x1xf32>
    %get3A_26 = arith.constant 0 : index
    %get3A_27 = arith.constant 0 : index
    %get3A_28 = vector.load %arg7[%get3A_26, %get3A_27] : memref<1x64xf32, #tpu.memory_space<vmem>>, vector<1x64xf32>
    %mul3A_29 = vector.broadcast %broadcast_in_dim3A_25 : vector<256x1xf32> to vector<256x64xf32>
    %mul3A_30 = vector.broadcast %get3A_28 : vector<1x64xf32> to vector<256x64xf32>
    %mul3A_31 = arith.mulf %mul3A_29, %mul3A_30 : vector<256x64xf32>
    %sub3A_32 = arith.subf %sub3A_24, %mul3A_31 : vector<256x64xf32>
    %reshape3A = vector.shape_cast %dot_general3A_5 : vector<16384x64xf32> to vector<256x64x64xf32>
    %broadcast_in_dim3A_33 = vector.shape_cast %sub3A_32 : vector<256x64xf32> to vector<256x1x64xf32>
    %add3A = vector.broadcast %broadcast_in_dim3A_33 : vector<256x1x64xf32> to vector<256x64x64xf32>
    %add3A_34 = arith.addf %reshape3A, %add3A : vector<256x64x64xf32>
    %get3A_35 = arith.constant 0 : index
    %get3A_36 = arith.constant 0 : index
    %get3A_37 = vector.load %arg9[%get3A_35, %get3A_36] : memref<1x64xf32, #tpu.memory_space<vmem>>, vector<1x64xf32>
    %broadcast_in_dim3A_38 = vector.shape_cast %get3A_37 : vector<1x64xf32> to vector<1x1x64xf32>
    %mul3A_39 = vector.broadcast %broadcast_in_dim3A_38 : vector<1x1x64xf32> to vector<256x64x64xf32>
    %mul3A_40 = arith.mulf %add3A_34, %mul3A_39 : vector<256x64x64xf32>
    %get3A_41 = arith.constant 0 : index
    %get3A_42 = arith.constant 0 : index
    %get3A_43 = vector.load %arg10[%get3A_41, %get3A_42] : memref<1x64xf32, #tpu.memory_space<vmem>>, vector<1x64xf32>
    %broadcast_in_dim3A_44 = vector.shape_cast %get3A_43 : vector<1x64xf32> to vector<1x1x64xf32>
    %add3A_45 = vector.broadcast %broadcast_in_dim3A_44 : vector<1x1x64xf32> to vector<256x64x64xf32>
    %add3A_46 = arith.addf %mul3A_40, %add3A_45 : vector<256x64x64xf32>
    %max3A = arith.constant 0.000000e+00 : f32
    %max3A_47 = vector.broadcast %max3A : f32 to vector<256x64x64xf32>
    %max3A_48 = arith.maximumf %add3A_46, %max3A_47 : vector<256x64x64xf32>
    %reshape3A_49 = vector.shape_cast %max3A_48 : vector<256x64x64xf32> to vector<16384x64xf32>
    %get3A_50 = arith.constant 0 : index
    %get3A_51 = arith.constant 0 : index
    %get3A_52 = vector.load %arg11[%get3A_50, %get3A_51] : memref<64x128xf32, #tpu.memory_space<vmem>>, vector<64x128xf32>
    %dot_general3A_53 = arith.constant dense<0.000000e+00> : vector<16384x128xf32>
    %dot_general3A_54 = tpu.matmul %reshape3A_49, %get3A_52, %dot_general3A_53 {dimension_numbers = #tpu.dot_dimension_numbers<[1], [0], [0], [1], [0, 0, 1, 1], [], []>, transpose_lhs_hint = false} : vector<16384x64xf32>, vector<64x128xf32>, vector<16384x128xf32> -> vector<16384x128xf32>
    %get3A_55 = arith.constant 0 : index
    %get3A_56 = arith.constant 0 : index
    %get3A_57 = vector.load %arg12[%get3A_55, %get3A_56] : memref<1x128xf32, #tpu.memory_space<vmem>>, vector<1x128xf32>
    %add3A_58 = vector.broadcast %get3A_57 : vector<1x128xf32> to vector<16384x128xf32>
    %add3A_59 = arith.addf %dot_general3A_54, %add3A_58 : vector<16384x128xf32>
    %reshape3A_60 = vector.shape_cast %add3A_59 : vector<16384x128xf32> to vector<256x64x128xf32>
    %iota3A = tpu.iota {dimensions = array<i32: 1>} : vector<256x64x1xi32>
    %get3A_61 = arith.constant 0 : index
    %get3A_62 = arith.constant 0 : index
    %get3A_63 = arith.constant 0 : index
    %get3A_64 = vector.load %arg4[%get3A_61, %get3A_62, %get3A_63] : memref<1x1x256xi32, #tpu.memory_space<vmem>>, vector<1x1x256xi32>
    %get3A_65 = vector.shape_cast %get3A_64 : vector<1x1x256xi32> to vector<256xi32>
    %broadcast_in_dim3A_66 = vector.shape_cast %get3A_65 : vector<256xi32> to vector<256x1x1xi32>
    %lt3A = vector.broadcast %broadcast_in_dim3A_66 : vector<256x1x1xi32> to vector<256x64x1xi32>
    %lt3A_67 = arith.cmpi slt, %iota3A, %lt3A : vector<256x64x1xi32>
    %jit3A = arith.constant -1.000000e+30 : f32
    %broadcast_in_dim3A_68 = vector.shape_cast %lt3A_67 : vector<256x64x1xi1> to vector<256x64x1xi1>
    %broadcast_in_dim3A_69 = vector.broadcast %broadcast_in_dim3A_68 : vector<256x64x1xi1> to vector<256x64x128xi1>
    %broadcast_in_dim3A_70 = vector.broadcast %jit3A : f32 to vector<256x64x128xf32>
    %select_n3A = arith.select %broadcast_in_dim3A_69, %reshape3A_60, %broadcast_in_dim3A_70 : vector<256x64x128xi1>, vector<256x64x128xf32>
    %reduce_max3A = arith.constant dense<0xFF800000> : vector<256x128xf32>
    %reduce_max3A_71 = vector.multi_reduction <maximumf>, %select_n3A, %reduce_max3A [1] : vector<256x64x128xf32> to vector<256x128xf32>
    %le3A = arith.constant -1.000000e+20 : f32
    %le3A_72 = vector.broadcast %le3A : f32 to vector<256x128xf32>
    %le3A_73 = arith.cmpf ole, %reduce_max3A_71, %le3A_72 : vector<256x128xf32>
    %jit3A_74 = arith.constant 0.000000e+00 : f32
    %broadcast_in_dim3A_75 = vector.broadcast %jit3A_74 : f32 to vector<256x128xf32>
    %select_n3A_76 = arith.select %le3A_73, %broadcast_in_dim3A_75, %reduce_max3A_71 : vector<256x128xi1>, vector<256x128xf32>
    %broadcast_in_dim3A_77 = vector.shape_cast %get3A_10 : vector<256xf32> to vector<256x1xf32>
    %broadcast_in_dim3A_78 = vector.shape_cast %get3A_15 : vector<256xf32> to vector<256x1xf32>
    %concatenate3A = tpu.concatenate %select_n3A_76, %broadcast_in_dim3A_77, %broadcast_in_dim3A_78 in 1 : vector<256x128xf32>, vector<256x1xf32>, vector<256x1xf32> -> vector<256x130xf32>
    %get3A_79 = arith.constant 0 : index
    %get3A_80 = arith.constant 0 : index
    %get3A_81 = vector.load %arg13[%get3A_79, %get3A_80] : memref<130x128xf32, #tpu.memory_space<vmem>>, vector<130x128xf32>
    %dot_general3A_82 = arith.constant dense<0.000000e+00> : vector<256x128xf32>
    %dot_general3A_83 = tpu.matmul %concatenate3A, %get3A_81, %dot_general3A_82 {dimension_numbers = #tpu.dot_dimension_numbers<[1], [0], [0], [1], [0, 0, 1, 1], [], []>, transpose_lhs_hint = false} : vector<256x130xf32>, vector<130x128xf32>, vector<256x128xf32> -> vector<256x128xf32>
    %get3A_84 = arith.constant 0 : index
    %get3A_85 = arith.constant 0 : index
    %get3A_86 = vector.load %arg14[%get3A_84, %get3A_85] : memref<1x128xf32, #tpu.memory_space<vmem>>, vector<1x128xf32>
    %add3A_87 = vector.broadcast %get3A_86 : vector<1x128xf32> to vector<256x128xf32>
    %add3A_88 = arith.addf %dot_general3A_83, %add3A_87 : vector<256x128xf32>
    %get3A_89 = arith.constant 0 : index
    %get3A_90 = arith.constant 0 : index
    %get3A_91 = vector.load %arg15[%get3A_89, %get3A_90] : memref<1x128xf32, #tpu.memory_space<vmem>>, vector<1x128xf32>
    %mul3A_92 = vector.broadcast %get3A_91 : vector<1x128xf32> to vector<256x128xf32>
    %mul3A_93 = arith.mulf %add3A_88, %mul3A_92 : vector<256x128xf32>
    %get3A_94 = arith.constant 0 : index
    %get3A_95 = arith.constant 0 : index
    %get3A_96 = vector.load %arg16[%get3A_94, %get3A_95] : memref<1x128xf32, #tpu.memory_space<vmem>>, vector<1x128xf32>
    %add3A_97 = vector.broadcast %get3A_96 : vector<1x128xf32> to vector<256x128xf32>
    %add3A_98 = arith.addf %mul3A_93, %add3A_97 : vector<256x128xf32>
    %max3A_99 = arith.constant 0.000000e+00 : f32
    %max3A_100 = vector.broadcast %max3A_99 : f32 to vector<256x128xf32>
    %max3A_101 = arith.maximumf %add3A_98, %max3A_100 : vector<256x128xf32>
    %get3A_102 = arith.constant 0 : index
    %get3A_103 = arith.constant 0 : index
    %get3A_104 = vector.load %arg17[%get3A_102, %get3A_103] : memref<128x256xf32, #tpu.memory_space<vmem>>, vector<128x256xf32>
    %dot_general3A_105 = arith.constant dense<0.000000e+00> : vector<256x256xf32>
    %dot_general3A_106 = tpu.matmul %max3A_101, %get3A_104, %dot_general3A_105 {dimension_numbers = #tpu.dot_dimension_numbers<[1], [0], [0], [1], [0, 0, 1, 1], [], []>, transpose_lhs_hint = false} : vector<256x128xf32>, vector<128x256xf32>, vector<256x256xf32> -> vector<256x256xf32>
    %get3A_107 = arith.constant 0 : index
    %get3A_108 = arith.constant 0 : index
    %get3A_109 = vector.load %arg18[%get3A_107, %get3A_108] : memref<1x256xf32, #tpu.memory_space<vmem>>, vector<1x256xf32>
    %add3A_110 = vector.broadcast %get3A_109 : vector<1x256xf32> to vector<256x256xf32>
    %add3A_111 = arith.addf %dot_general3A_106, %add3A_110 : vector<256x256xf32>
    %reduce_max3A_112 = arith.constant dense<0xFF800000> : vector<256xf32>
    %reduce_max3A_113 = vector.multi_reduction <maximumf>, %add3A_111, %reduce_max3A_112 [0] : vector<256x256xf32> to vector<256xf32>
    %broadcast_in_dim3A_114 = vector.shape_cast %reduce_max3A_113 : vector<256xf32> to vector<1x256xf32>
    %get3A_115 = arith.constant 0 : index
    %get3A_116 = arith.constant 0 : index
    %get3A_117 = vector.load %arg19[%get3A_115, %get3A_116] : memref<256x256xf32, #tpu.memory_space<vmem>>, vector<256x256xf32>
    %dot_general3A_118 = arith.constant dense<0.000000e+00> : vector<1x256xf32>
    %dot_general3A_119 = tpu.matmul %broadcast_in_dim3A_114, %get3A_117, %dot_general3A_118 {dimension_numbers = #tpu.dot_dimension_numbers<[1], [0], [0], [1], [0, 0, 1, 1], [], []>, transpose_lhs_hint = false} : vector<1x256xf32>, vector<256x256xf32>, vector<1x256xf32> -> vector<1x256xf32>
    %get3A_120 = arith.constant 0 : index
    %get3A_121 = arith.constant 0 : index
    %get3A_122 = vector.load %arg20[%get3A_120, %get3A_121] : memref<1x256xf32, #tpu.memory_space<vmem>>, vector<1x256xf32>
    %add3A_123 = arith.addf %dot_general3A_119, %get3A_122 : vector<1x256xf32>
    %max3A_124 = arith.constant 0.000000e+00 : f32
    %max3A_125 = vector.broadcast %max3A_124 : f32 to vector<1x256xf32>
    %max3A_126 = arith.maximumf %add3A_123, %max3A_125 : vector<1x256xf32>
    %get3A_127 = arith.constant 0 : index
    %get3A_128 = arith.constant 0 : index
    %get3A_129 = vector.load %arg21[%get3A_127, %get3A_128] : memref<256x1024xf32, #tpu.memory_space<vmem>>, vector<256x1024xf32>
    %dot_general3A_130 = arith.constant dense<0.000000e+00> : vector<1x1024xf32>
    %dot_general3A_131 = tpu.matmul %max3A_126, %get3A_129, %dot_general3A_130 {dimension_numbers = #tpu.dot_dimension_numbers<[1], [0], [0], [1], [0, 0, 1, 1], [], []>, transpose_lhs_hint = false} : vector<1x256xf32>, vector<256x1024xf32>, vector<1x1024xf32> -> vector<1x1024xf32>
    %get3A_132 = arith.constant 0 : index
    %get3A_133 = arith.constant 0 : index
    %get3A_134 = vector.load %arg22[%get3A_132, %get3A_133] : memref<1x1024xf32, #tpu.memory_space<vmem>>, vector<1x1024xf32>
    %add3A_135 = arith.addf %dot_general3A_131, %get3A_134 : vector<1x1024xf32>
    %reshape3A_136 = vector.shape_cast %add3A_135 : vector<1x1024xf32> to vector<1x1x1024xf32>
    %swap3A = arith.constant 0 : index
    %swap3A_137 = arith.constant 0 : index
    %swap3A_138 = arith.constant 0 : index
    %swap3A_139 = vector.load %arg23[%swap3A, %swap3A_137, %swap3A_138] : memref<1x1x1024xf32, #tpu.memory_space<vmem>>, vector<1x1x1024xf32>
    tpu.vector_store %arg23[%swap3A, %swap3A_137, %swap3A_138], %reshape3A_136 {strides = array<i32>} : memref<1x1x1024xf32, #tpu.memory_space<vmem>>, vector<1x1x1024xf32>,
    return
  }
  func.func @transform_0(%arg0: i32) -> (i32, i32) {
    %c0_i32 = arith.constant 0 : i32
    %c0_i32_0 = arith.constant 0 : i32
    return %arg0, %c0_i32 : i32, i32
  }
  func.func @transform_1(%arg0: i32) -> (i32, i32, i32) {
    %c0_i32 = arith.constant 0 : i32
    %c0_i32_0 = arith.constant 0 : i32
    %c0_i32_1 = arith.constant 0 : i32
    return %arg0, %c0_i32, %c0_i32_0 : i32, i32, i32
  }
  func.func @transform_2(%arg0: i32) -> (i32, i32, i32) {
    %c0_i32 = arith.constant 0 : i32
    %c0_i32_0 = arith.constant 0 : i32
    %c0_i32_1 = arith.constant 0 : i32
    return %arg0, %c0_i32, %c0_i32_0 : i32, i32, i32
  }
  func.func @transform_3(%arg0: i32) -> (i32, i32, i32) {
    %c0_i32 = arith.constant 0 : i32
    %c0_i32_0 = arith.constant 0 : i32
    %c0_i32_1 = arith.constant 0 : i32
    return %arg0, %c0_i32, %c0_i32_0 : i32, i32, i32
  }
  func.func @transform_4(%arg0: i32) -> (i32, i32) {
    %c0_i32 = arith.constant 0 : i32
    %c0_i32_0 = arith.constant 0 : i32
    %c0_i32_1 = arith.constant 0 : i32
    return %c0_i32, %c0_i32_0 : i32, i32
  }
  func.func @transform_5(%arg0: i32) -> (i32, i32) {
    %c0_i32 = arith.constant 0 : i32
    %c0_i32_0 = arith.constant 0 : i32
    %c0_i32_1 = arith.constant 0 : i32
    return %c0_i32, %c0_i32_0 : i32, i32
  }
  func.func @transform_6(%arg0: i32) -> (i32, i32) {
    %c0_i32 = arith.constant 0 : i32
    %c0_i32_0 = arith.constant 0 : i32
    %c0_i32_1 = arith.constant 0 : i32
    return %c0_i32, %c0_i32_0 : i32, i32
  }
  func.func @transform_7(%arg0: i32) -> (i32, i32) {
    %c0_i32 = arith.constant 0 : i32
    %c0_i32_0 = arith.constant 0 : i32
    %c0_i32_1 = arith.constant 0 : i32
    return %c0_i32, %c0_i32_0 : i32, i32
  }
  func.func @transform_8(%arg0: i32) -> (i32, i32) {
    %c0_i32 = arith.constant 0 : i32
    %c0_i32_0 = arith.constant 0 : i32
    %c0_i32_1 = arith.constant 0 : i32
    return %c0_i32, %c0_i32_0 : i32, i32
  }
  func.func @transform_9(%arg0: i32) -> (i32, i32) {
    %c0_i32 = arith.constant 0 : i32
    %c0_i32_0 = arith.constant 0 : i32
    %c0_i32_1 = arith.constant 0 : i32
    return %c0_i32, %c0_i32_0 : i32, i32
  }
  func.func @transform_10(%arg0: i32) -> (i32, i32) {
    %c0_i32 = arith.constant 0 : i32
    %c0_i32_0 = arith.constant 0 : i32
    %c0_i32_1 = arith.constant 0 : i32
    return %c0_i32, %c0_i32_0 : i32, i32
  }
  func.func @transform_11(%arg0: i32) -> (i32, i32) {
    %c0_i32 = arith.constant 0 : i32
    %c0_i32_0 = arith.constant 0 : i32
    %c0_i32_1 = arith.constant 0 : i32
    return %c0_i32, %c0_i32_0 : i32, i32
  }
  func.func @transform_12(%arg0: i32) -> (i32, i32) {
    %c0_i32 = arith.constant 0 : i32
    %c0_i32_0 = arith.constant 0 : i32
    %c0_i32_1 = arith.constant 0 : i32
    return %c0_i32, %c0_i32_0 : i32, i32
  }
  func.func @transform_13(%arg0: i32) -> (i32, i32) {
    %c0_i32 = arith.constant 0 : i32
    %c0_i32_0 = arith.constant 0 : i32
    %c0_i32_1 = arith.constant 0 : i32
    return %c0_i32, %c0_i32_0 : i32, i32
  }
  func.func @transform_14(%arg0: i32) -> (i32, i32) {
    %c0_i32 = arith.constant 0 : i32
    %c0_i32_0 = arith.constant 0 : i32
    %c0_i32_1 = arith.constant 0 : i32
    return %c0_i32, %c0_i32_0 : i32, i32
  }
  func.func @transform_15(%arg0: i32) -> (i32, i32) {
    %c0_i32 = arith.constant 0 : i32
    %c0_i32_0 = arith.constant 0 : i32
    %c0_i32_1 = arith.constant 0 : i32
    return %c0_i32, %c0_i32_0 : i32, i32
  }
  func.func @transform_16(%arg0: i32) -> (i32, i32) {
    %c0_i32 = arith.constant 0 : i32
    %c0_i32_0 = arith.constant 0 : i32
    %c0_i32_1 = arith.constant 0 : i32
    return %c0_i32, %c0_i32_0 : i32, i32
  }
  func.func @transform_17(%arg0: i32) -> (i32, i32) {
    %c0_i32 = arith.constant 0 : i32
    %c0_i32_0 = arith.constant 0 : i32
    %c0_i32_1 = arith.constant 0 : i32
    return %c0_i32, %c0_i32_0 : i32, i32
  }
  func.func @transform_18(%arg0: i32) -> (i32, i32) {
    %c0_i32 = arith.constant 0 : i32
    %c0_i32_0 = arith.constant 0 : i32
    %c0_i32_1 = arith.constant 0 : i32
    return %c0_i32, %c0_i32_0 : i32, i32
  }
  func.func @transform_19(%arg0: i32) -> (i32, i32) {
    %c0_i32 = arith.constant 0 : i32
    %c0_i32_0 = arith.constant 0 : i32
    %c0_i32_1 = arith.constant 0 : i32
    return %c0_i32, %c0_i32_0 : i32, i32
  }
  func.func @transform_20(%arg0: i32) -> (i32, i32) {
    %c0_i32 = arith.constant 0 : i32
    %c0_i32_0 = arith.constant 0 : i32
    %c0_i32_1 = arith.constant 0 : i32
    return %c0_i32, %c0_i32_0 : i32, i32
  }
  func.func @transform_21(%arg0: i32) -> (i32, i32) {
    %c0_i32 = arith.constant 0 : i32
    %c0_i32_0 = arith.constant 0 : i32
    %c0_i32_1 = arith.constant 0 : i32
    return %c0_i32, %c0_i32_0 : i32, i32
  }
  func.func @transform_22(%arg0: i32) -> (i32, i32, i32) {
    %c0_i32 = arith.constant 0 : i32
    %c0_i32_0 = arith.constant 0 : i32
    %c0_i32_1 = arith.constant 0 : i32
    return %arg0, %c0_i32, %c0_i32_0 : i32, i32, i32
  }
}

</mosaic_0001>

<sc_bundles>
// kernel: kernel.10.cloned.1.call-start
scs
__scs_entry_jumppad:
0x0: {  	(pc) =	sbr.rel $0x88, $3  }
0x1: {  	(tag) =	ssettag $0x0;
	lr =	simm.s32 $0x1  }
0x2: {  	[smem:$0x3F89] =	sst lr;
	_ =	strace $0xD0000000  }
0x3: {  	_ = 	snop  }
0x4: {  	_ = 	snop  }
0x5: {  	_ = 	snop  }
0x6: {  	_ = 	snop  }
0x7: {  	_ = 	snop  }
__scs_overlays_trampoline_lowered:
0x8: {  	[smem:$0x3F98] =	sst s0  }
0x9: {  	[smem:$0x3F99] =	sst s1  }
0xa: {  	[smem:$0x3F9A] =	sst s2  }
0xb: {  	[smem:$0x3F9B] =	sst s3  }
0xc: {  	[smem:$0x3F9C] =	sst s4  }
0xd: {  	[smem:$0x3F9D] =	sst s5  }
0xe: {  	[smem:$0x3F9E] =	sst s6  }
0xf: {  	[smem:$0x3F9F] =	sst s7  }
0x10: {  	[smem:$0x3FA0] =	sst s8  }
0x11: {  	[smem:$0x3FA1] =	sst s9;
	s0 =	simm.s32 @!p0 $0x0  }
0x12: {  	s1 =	sld [smem:$0x3F87];
	s0 =	simm.s32 @p0 $0x1  }
0x13: {  	[smem:$0x3FA2] =	sst s0;
	s0 =	simm.s32 @!p1 $0x0  }
0x14: {  	s2 =	sld [smem:$0x3F86];
	s0 =	simm.s32 @p1 $0x1  }
0x15: {  	[smem:$0x3FA3] =	sst s0;
	s0 =	simm.s32 @!p2 $0x0  }
0x16: {  	s3 =	sld [smem:$0x3FDB];
	s0 =	simm.s32 @p2 $0x1  }
0x17: {  	s4 =	simm.s32 $0x1BF5;
	[smem:$0x3FA5] =	sst s0  }
0x18: {  	s0 =	sld [smem:$0x3F88];
	_ =	swait.ge [sflag:s4], $0x0  }
0x19: {  	s7 =	sld [smem:$0x3F89]  }
0x1a: {  	s8 =	sadd.s32 $0xFFFFE003, lr  }
0x1b: {  	s9 =	sadd.s32 $0xFFFFFEF7, lr;
	s5 =	simm.s32 $0xFFFFFFFF;
	p2 =	slt.u32 s8, $0xFFFFF086  }
0x1c: {  	p1 =	slt.u32 s9, $0xF7A;
	s5 =	simm.s32 @!p2 $0x0  }
0x1d: {  	s5 =	simm.s32 @p1 $0x1;
	p0 =	seq.s32 s7, s2  }
0x1e: {  	s7 =	smul.u32 @!p0 $0xF7A, s2;
	p2 =	seq.s32 @!p0 s5, $0x0  }
0x1f: {  	s9 =	smul.u32 $0xF7A, s1;
	s8 =	simm.s32 @!p0 $0x1BF5;
	p2 =	por !p2, p0  }
0x20: {  	[sflag:s8] =	ssyncset.s32 @!p0 $0xFFFFF086;
	s6 =	sadd.s32 @!p0 s3, s7;
	s7 =	simm.s32 @!p0 $0x108  }
0x21: {  	s3 =	sadd.s32 s3, s9;
	s6 =	sadd.s32 @!p0 $0x88, s6;
	s7 =	simm.s32 @p2 $0x1082  }
0x22: {  	[simem:s7], [sflag:s8] =	dma.local @!p0 [hbm:s6], $0xF7A  }
0x23: {  	s9 =	sor.u32 $0xD0000000, s2;
	s6 =	simm.s32 $0x108;
	_ =	swait.ge @!p0 [sflag:s8], $0x0  }
0x24: {  	s3 =	sadd.s32 $0x88, s3;
	s6 =	simm.s32 @!p1 $0x1082;
	[sflag:s4] =	ssyncset.s32 $0xFFFFF086  }
0x25: {  	[simem:s6], [sflag:s4] =	dma.local [hbm:s3], $0xF7A  }
0x26: {  	[smem:$0x3F89] =	sst s1;
	(tag) =	ssettag s2;
	_ =	strace s9  }
0x27: {  	s1 =	sld [smem:$0x3F99]  }
0x28: {  	s2 =	sld [smem:$0x3F9A]  }
0x29: {  	s4 =	sld [smem:$0x3F9C]  }
0x2a: {  	p0 =	seq.s32 s5, $0x0;
	s5 =	sld [smem:$0x3F9D]  }
0x2b: {  	s6 =	sld [smem:$0x3F9E]  }
0x2c: {  	s7 =	sld [smem:$0x3F9F]  }
0x2d: {  	s3 =	simm.s32 $0x108;
	s8 =	sld [smem:$0x3FA0]  }
0x2e: {  	s3 =	simm.s32 @!p0 $0x1082;
	s9 =	sld [smem:$0x3FA1]  }
0x2f: {  	lr =	sadd.s32 s0, s3;
	s0 =	sld [smem:$0x3F98]  }
0x30: {  	s3 =	sld [smem:$0x3F9B]  }
0x31: {  	[smem:$0x3FA4] =	sst s10  }
0x32: {  	s10 =	sld [smem:$0x3FA2];
	_ =	sdelay $0x3  }
0x33: {  	p0 =	seq.s32 s10, $0x1;
	s10 =	sld [smem:$0x3FA4];
	_ =	sdelay $0x3  }
0x34: {  	[smem:$0x3FA4] =	sst s10  }
0x35: {  	s10 =	sld [smem:$0x3FA3];
	_ =	sdelay $0x3  }
0x36: {  	p1 =	seq.s32 s10, $0x1;
	s10 =	sld [smem:$0x3FA4];
	_ =	sdelay $0x3  }
0x37: {  	[smem:$0x3FA4] =	sst s10  }
0x38: {  	s10 =	sld [smem:$0x3FA5]  }
0x39: {  	_ = 	snop;
	(pc) =	sbr.ind lr, $3  }
0x3a: {  	_ = 	snop  }
0x3b: {  	_ = 	snop  }
0x3c: {  	p2 =	seq.s32 s10, $0x1;
	s10 =	sld [smem:$0x3FA4]  }
0x3d: {  	_ =	shalt  }
0x3e: {  	_ =	shalt  }
0x3f: {  	_ =	shalt  }
0x40: {  	_ =	shalt  }
0x41: {  	_ =	shalt  }
0x42: {  	_ =	shalt  }
0x43: {  	_ =	shalt  }
0x44: {  	_ =	shalt  }
0x45: {  	_ =	shalt  }
0x46: {  	_ =	shalt  }
0x47: {  	_ =	shalt  }
0x48: {  	_ =	shalt  }
0x49: {  	_ =	shalt  }
0x4a: {  	_ =	shalt  }
0x4b: {  	_ =	shalt  }
0x4c: {  	_ =	shalt  }
0x4d: {  	_ =	shalt  }
0x4e: {  	_ =	shalt  }
0x4f: {  	_ =	shalt  }
0x50: {  	_ =	shalt  }
0x51: {  	_ =	shalt  }
0x52: {  	_ =	shalt  }
0x53: {  	_ =	shalt  }
0x54: {  	_ =	shalt  }
0x55: {  	_ =	shalt  }
0x56: {  	_ =	shalt  }
0x57: {  	_ =	shalt  }
0x58: {  	_ =	shalt  }
0x59: {  	_ =	shalt  }
0x5a: {  	_ =	shalt  }
0x5b: {  	_ =	shalt  }
0x5c: {  	_ =	shalt  }
0x5d: {  	_ =	shalt  }
0x5e: {  	_ =	shalt  }
0x5f: {  	_ =	shalt  }
0x60: {  	_ =	shalt  }
0x61: {  	_ =	shalt  }
0x62: {  	_ =	shalt  }
0x63: {  	_ =	shalt  }
0x64: {  	_ =	shalt  }
0x65: {  	_ =	shalt  }
0x66: {  	_ =	shalt  }
0x67: {  	_ =	shalt  }
0x68: {  	_ =	shalt  }
0x69: {  	_ =	shalt  }
0x6a: {  	_ =	shalt  }
0x6b: {  	_ =	shalt  }
0x6c: {  	_ =	shalt  }
0x6d: {  	_ =	shalt  }
0x6e: {  	_ =	shalt  }
0x6f: {  	_ =	shalt  }
0x70: {  	_ =	shalt  }
0x71: {  	_ =	shalt  }
0x72: {  	_ =	shalt  }
0x73: {  	_ =	shalt  }
0x74: {  	_ =	shalt  }
0x75: {  	_ =	shalt  }
0x76: {  	_ =	shalt  }
0x77: {  	_ =	shalt  }
0x78: {  	_ =	shalt  }
0x79: {  	_ =	shalt  }
0x7a: {  	_ =	shalt  }
0x7b: {  	_ =	shalt  }
0x7c: {  	_ =	shalt  }
0x7d: {  	_ =	shalt  }
0x7e: {  	_ =	shalt  }
0x7f: {  	_ =	shalt  }
0x80: {  	_ =	shalt  }
0x81: {  	_ =	shalt  }
0x82: {  	_ =	shalt  }
0x83: {  	_ =	shalt  }
0x84: {  	_ =	shalt  }
0x85: {  	_ =	shalt  }
0x86: {  	_ =	shalt  }
0x87: {  	_ =	shalt  }
.Lfunc_end0:
.L_simem_size_0:
called_computation.1_lowered:
.L_overlay_start_0:
0x88: {  	s2 =	sld [smem:$0x3FD9]  }
0x89: {  	s3 =	sld [smem:$0x3FFE];
	_ =	sdelay $0x1  }
0x8a: {  	s1 =	srdreg.scid  }
0x8b: {  	s0 =	sand.u32 $0x1, s1  }
0x8c: {  	s16 =	sshll.u32 s0, $0xA;
	s2 =	sadd.s32 s3, s2  }
0x8d: {  	s2 =	sadd.s32 s2, s16  }
0x8e: {  	[smem:$0x3FB0] =	sst s2  }
0x8f: {  	_ = 	snop  }
0x90: {  	(tm) =	ssettm $0x1  }
0x91: {  	s17 =	sld [smem:$0x3FFB];
	_ =	sdelay $0x3  }
0x92: {  	_ =	strace s17  }
0x93: {  	s2 =	sld [smem:$0x3FFC];
	_ =	sdelay $0x3  }
0x94: {  	_ =	strace s2  }
0x95: {  	s2 =	sld [smem:$0x3FFD];
	_ =	sdelay $0x3  }
0x96: {  	_ =	strace s2  }
0x97: {  	_ =	strace $0x8FFFFFFF  }
0x98: {  	s18 =	sld [smem:$0x3FDB];
	_ =	sdelay $0x1  }
0x99: {  	s19 =	simm.s32 $_scs_section_size  }
0x9a: {  	s4 =	simm.s32 $_size__tile_overlayer_lowered;
	s5 =	simm.s32 $_tile_overlayer_lowered  }
0x9b: {  	s22 =	simm.s32 $0x1BFF;
	s21 =	sshll.u32 s5, $0x1;
	s2 =	sadd.s32 s19, s18  }
0x9c: {  	s6 =	simm.s32 $0x0;
	s20 =	sshll.u32 s4, $0x1;
	s4 =	sadd.s32 s21, s2  }
0x9d: {  	[timem:s6], [sflag:s22] =	dma.local [hbm:s4], s20  }
0x9e: {  	_ =	swait.ge [sflag:s22], s20  }
0x9f: {  	s3 =	ssub.s32 $0x0, s20;
	[sflag:s22] =	ssyncset.done $0x0  }
0xa0: {  	[sflag:s22] =	ssyncadd.s32 s3;
	_ =	sdelay $0x1  }
0xa1: {  	s23 =	simm.s32 $0x1B8B  }
0xa2: {  	_ =	swait.ge [sflag:s23], $0x1  }
0xa3: {  	[sflag:s23] =	ssyncset.done $0x0  }
0xa4: {  	s25 =	simm.s32 $0x1B8E;
	s24 =	sld [smem:$0x3FFE];
	[sflag:s23] =	ssyncadd.s32 $0xFFFFFFFF  }
0xa5: {  	s26 =	simm.s32 $execute0_lowered;
	[smem:$0x3FD2] =	sst s25  }
0xa6: {  	s4 =	sshll.u32 s26, $0x1;
	_ =	strace $0x80000049;
	[dreg:$0x1] =	wrdreg $0xFFFFFFFF  }
0xa7: {  	s28 =	simm.s32 $_size_execute0_lowered;
	s2 =	sadd.s32 s2, s4;
	[dreg:$0x0] =	wrdreg $0x0  }
0xa8: {  	s4 =	sshll.u32 s28, $0x1;
	[dreg:$0x2] =	wrdreg s2  }
0xa9: {  	[dreg:$0x3] =	wrdreg s4  }
0xaa: {  	[dreg:$0x4] =	wrdreg $0xC0  }
0xab: {  	_ =	task [dreg:s6], $0x5FFFF  }
0xac: {  	[dreg:$0x1] =	wrdreg $0xFFFFFFFF  }
0xad: {  	[dreg:$0x0] =	wrdreg $0x60  }
0xae: {  	[dreg:$0x2] =	wrdreg s24  }
0xaf: {  	[dreg:$0x3] =	wrdreg $0x9  }
0xb0: {  	_ =	task.clear_ibuf [dreg:s6], $0x4FFFF;
	_ =	strace $0x90000049  }
0xb1: {  	s29 =	simm.s32 $0x9;
	_ =	strace $0x8000004B  }
0xb2: {  	_ =	swait.ge [sflag:s29], $0x1  }
0xb3: {  	[sflag:s29] =	ssyncadd.s32 $0xFFFFFFFF  }
0xb4: {  	_ =	strace $0x9000004B  }
0xb5: {  	_ =	sfence  }
0xb6: {  	s30 =	sld [smem:$0x0];
	_ =	sdelay $0x2  }
0xb7: {  	s31 =	sshll.u32 s1, $0xD;
	s1 =	sshrl.u32 s1, $0x2  }
0xb8: {  	s3 =	sand.u32 $0x4000, s31;
	s1 =	sadd.s32 s1, s30  }
0xb9: {  	s0 =	sor.u32 s3, s0;
	s1 =	sshll.u32 s1, $0x11  }
0xba: {  	s0 =	sor.u32 s1, s0  }
0xbb: {  	s0 =	sadd.s32 $0x8F2B, s0  }
0xbc: {  	[sflag:s0] =	ssyncadd.remote.s32 $0x1  }
0xbd: {  	_ =	sfence.sel $0xFFFF  }
0xbe: {  	[dreg:$0x0] =	wrdreg $0xFFFFFFFF;
	(pc) =	sbr.abs _section_cstart, $3  }
0xbf: {  	[dreg:$0x1] =	wrdreg $0xFFFFFFFF  }
0xc0: {  	_ =	task.clear_ibuf [dreg:s6], $0x2FFFF;
	_ =	strace $0x9FFFFFFF  }
0xc1: {  	(tm) =	ssettm $0x7FFFFFFF  }
tec
execute0_lowered:
.L_overlay_start_1:
0x0: {  	(tag) =	ssettag $0x1  }
0x1: {  	s1 =	srdreg.scid  }
0x2: {  	s0 =	stileid.u32;
	s24 =	sand.u32 $0x1, s1  }
0x3: {  	s30 =	sshll.u32 s0, $0xD;
	s2 =	sshll.u32 s24, $0xC  }
0x4: {  	s9 =	rddreg [dreg:$0x0];
	s14 =	sor.u32 s2, s30  }
0x5: {  	s1 =	rddreg [dreg:$0x1];
	s2 =	simm.s32 $0x0;
	s3 =	sshrl.u32 s14, $0x3  }
0x6: {  	[smem:$0x7FF] =	sst s2;
	s3 =	sadd.s32 s3, s9  }
0x7: {  	_ =	strace $0x8000004A;
	s4 =	sadd.s32 $0x10DE00, s3;
	s3 =	simm.s32 $0x3  }
0x8: {  	[tilespmem:s2], [sflag:$0x3] =	stream.linear.gather [hbm4b:s4+s2], $0x1000, $0x38;
	[tilespmem:$0x15000] =	vst v63  }
0x9: {  	_ =	swait.ge [sflag:s3], $0x1000  }
0xa: {  	s6 =	simm.s32 $0x200;
	s7 =	simm.s32 $0x1000;
	[sflag:s3] =	ssyncset.done $0x0  }
0xb: {  	s8 =	simm.s32 $0x1;
	s5 =	sadd.s32 $0x4200, s9;
	[sflag:s3] =	ssyncadd.s32 $0xFFFFF000  }
0xc: {  	[tilespmem:s7], [sflag:$0x1] =	stream.indirect.gather [hbm4b:s5+s6], $0x50, s2, s6, $0xb8;
	[tilespmem:$0x15000] =	vst v63  }
0xd: {  	_ =	swait.ge [sflag:s8], $0xA000  }
0xe: {  	s15 =	sadd.s32 $0x112000, s9;
	[sflag:s8] =	ssyncset.done $0x0  }
0xf: {  	s10 =	smul.u32 $0xA, s14;
	s9 =	simm.s32 $0xB000;
	[sflag:s8] =	ssyncadd.s32 $0xFFFF6000  }
0x10: {  	[tilespmem:s9], [sflag:$0x2] =	stream.indirect.gather [hbm4b:s5+s6], $0x50, s6, s6, $0xb8;
	[tilespmem:$0x15000] =	vst v63  }
0x11: {  	s10 =	sadd.s32 s15, s10  }
0x12: {  	[hbm4b:s10+s2] =	stream.linear.scatter [tilespmem:s7], [sflag:$0x3], $0xA000, $0x38;
	[tilespmem:$0x15000] =	vst v63  }
0x13: {  	_ =	swait.ge [sflag:s3], $0xA000  }
0x14: {  	[sflag:s3] =	ssyncset.done $0x0  }
0x15: {  	s11 =	simm.s32 $0x2;
	[sflag:s3] =	ssyncadd.s32 $0xFFFF6000  }
0x16: {  	_ =	swait.ge [sflag:s11], $0xA000  }
0x17: {  	[sflag:s11] =	ssyncset.done $0x0  }
0x18: {  	s12 =	simm.s32 $0x400;
	[sflag:s11] =	ssyncadd.s32 $0xFFFF6000  }
0x19: {  	[tilespmem:s7], [sflag:$0x1] =	stream.indirect.gather [hbm4b:s5+s6], $0x50, s12, s6, $0xb8;
	[tilespmem:$0x15000] =	vst v63  }
0x1a: {  	s13 =	sadd.s32 $0x1400, s10  }
0x1b: {  	[hbm4b:s13+s2] =	stream.linear.scatter [tilespmem:s9], [sflag:$0x3], $0xA000, $0x38;
	[tilespmem:$0x15000] =	vst v63  }
0x1c: {  	_ =	swait.ge [sflag:s3], $0xA000  }
0x1d: {  	[sflag:s3] =	ssyncset.done $0x0  }
0x1e: {  	s14 =	smul.u32 $0x50, s14;
	[sflag:s3] =	ssyncadd.s32 $0xFFFF6000  }
0x1f: {  	_ =	swait.ge [sflag:s8], $0xA000  }
0x20: {  	s14 =	sshrl.u32 s14, $0x3;
	[sflag:s8] =	ssyncset.done $0x0  }
0x21: {  	s25 =	sadd.s32 s15, s14;
	s14 =	simm.s32 $0x600;
	[sflag:s8] =	ssyncadd.s32 $0xFFFF6000  }
0x22: {  	[tilespmem:s9], [sflag:$0x2] =	stream.indirect.gather [hbm4b:s5+s6], $0x50, s14, s6, $0xb8;
	[tilespmem:$0x15000] =	vst v63  }
0x23: {  	s15 =	sadd.s32 $0x2800, s25  }
0x24: {  	[hbm4b:s15+s2] =	stream.linear.scatter [tilespmem:s7], [sflag:$0x3], $0xA000, $0x38;
	[tilespmem:$0x15000] =	vst v63  }
0x25: {  	_ =	swait.ge [sflag:s3], $0xA000  }
0x26: {  	[sflag:s3] =	ssyncset.done $0x0  }
0x27: {  	[sflag:s3] =	ssyncadd.s32 $0xFFFF6000  }
0x28: {  	_ =	swait.ge [sflag:s11], $0xA000  }
0x29: {  	[sflag:s11] =	ssyncset.done $0x0  }
0x2a: {  	s16 =	simm.s32 $0x800;
	[sflag:s11] =	ssyncadd.s32 $0xFFFF6000  }
0x2b: {  	[tilespmem:s7], [sflag:$0x1] =	stream.indirect.gather [hbm4b:s5+s6], $0x50, s16, s6, $0xb8;
	[tilespmem:$0x15000] =	vst v63  }
0x2c: {  	s17 =	sadd.s32 $0x3C00, s25  }
0x2d: {  	[hbm4b:s17+s2] =	stream.linear.scatter [tilespmem:s9], [sflag:$0x3], $0xA000, $0x38;
	[tilespmem:$0x15000] =	vst v63  }
0x2e: {  	_ =	swait.ge [sflag:s3], $0xA000  }
0x2f: {  	[sflag:s3] =	ssyncset.done $0x0  }
0x30: {  	[sflag:s3] =	ssyncadd.s32 $0xFFFF6000  }
0x31: {  	_ =	swait.ge [sflag:s8], $0xA000  }
0x32: {  	[sflag:s8] =	ssyncset.done $0x0  }
0x33: {  	s18 =	simm.s32 $0xA00;
	[sflag:s8] =	ssyncadd.s32 $0xFFFF6000  }
0x34: {  	[tilespmem:s9], [sflag:$0x2] =	stream.indirect.gather [hbm4b:s5+s6], $0x50, s18, s6, $0xb8;
	[tilespmem:$0x15000] =	vst v63  }
0x35: {  	s19 =	sadd.s32 $0x5000, s25  }
0x36: {  	[hbm4b:s19+s2] =	stream.linear.scatter [tilespmem:s7], [sflag:$0x3], $0xA000, $0x38;
	[tilespmem:$0x15000] =	vst v63  }
0x37: {  	_ =	swait.ge [sflag:s3], $0xA000  }
0x38: {  	[sflag:s3] =	ssyncset.done $0x0  }
0x39: {  	[sflag:s3] =	ssyncadd.s32 $0xFFFF6000  }
0x3a: {  	_ =	swait.ge [sflag:s11], $0xA000  }
0x3b: {  	[sflag:s11] =	ssyncset.done $0x0  }
0x3c: {  	s20 =	simm.s32 $0xC00;
	[sflag:s11] =	ssyncadd.s32 $0xFFFF6000  }
0x3d: {  	[tilespmem:s7], [sflag:$0x1] =	stream.indirect.gather [hbm4b:s5+s6], $0x50, s20, s6, $0xb8;
	[tilespmem:$0x15000] =	vst v63  }
0x3e: {  	s21 =	sadd.s32 $0x6400, s25  }
0x3f: {  	[hbm4b:s21+s2] =	stream.linear.scatter [tilespmem:s9], [sflag:$0x3], $0xA000, $0x38;
	[tilespmem:$0x15000] =	vst v63  }
0x40: {  	_ =	swait.ge [sflag:s3], $0xA000  }
0x41: {  	[sflag:s3] =	ssyncset.done $0x0  }
0x42: {  	[sflag:s3] =	ssyncadd.s32 $0xFFFF6000  }
0x43: {  	_ =	swait.ge [sflag:s8], $0xA000  }
0x44: {  	[sflag:s8] =	ssyncset.done $0x0  }
0x45: {  	s22 =	simm.s32 $0xE00;
	[sflag:s8] =	ssyncadd.s32 $0xFFFF6000  }
0x46: {  	[tilespmem:s9], [sflag:$0x2] =	stream.indirect.gather [hbm4b:s5+s6], $0x50, s22, s6, $0xb8;
	[tilespmem:$0x15000] =	vst v63  }
0x47: {  	s24 =	ssub.s32 $0x2, s24;
	s23 =	sadd.s32 $0x7800, s25  }
0x48: {  	[hbm4b:s23+s2] =	stream.linear.scatter [tilespmem:s7], [sflag:$0x3], $0xA000, $0x38;
	[tilespmem:$0x15000] =	vst v63  }
0x49: {  	s26 =	sshrl.u32 s24, $0x1;
	_ =	swait.ge [sflag:s3], $0xA000  }
0x4a: {  	s26 =	ssub.s32 s24, s26;
	[sflag:s3] =	ssyncset.done $0x0  }
0x4b: {  	s31 =	smax.u32 s26, $0x1;
	[sflag:s3] =	ssyncadd.s32 $0xFFFF6000  }
0x4c: {  	p0 =	sne.s32 s31, $0x1;
	_ =	swait.ge [sflag:s11], $0xA000  }
.Ltmp0:
0x4d: {  	[sflag:s11] =	ssyncset.done $0x0;
	(pc) =	sbr.rel @!p0 .LBB2_2-.Ltmp0, $4  }
0x4e: {  	s24 =	sadd.s32 $0x8C00, s25;
	[sflag:s11] =	ssyncadd.s32 $0xFFFF6000  }
0x4f: {  	[hbm4b:s24+s2] =	stream.linear.scatter [tilespmem:s9], [sflag:$0x3], $0xA000, $0x38;
	[tilespmem:$0x15000] =	vst v63  }
0x50: {  	_ =	swait.ge [sflag:s3], $0xA000  }
0x51: {  	s25 =	sadd.s32 $0xFFFFFFFF, s31;
	[sflag:s3] =	ssyncset.done $0x0  }
.LBB2_1:
0x52: {  	p0 =	sne.s32 s25, $0x1;
	s25 =	sadd.s32 $0xFFFFFFFF, s25;
	[sflag:s3] =	ssyncadd.s32 $0xFFFF6000  }
0x53: {  	[tilespmem:s2], [sflag:$0x3] =	stream.linear.gather [hbm4b:s4+s2], $0x1000, $0x38;
	[tilespmem:$0x15000] =	vst v63  }
0x54: {  	_ =	swait.ge [sflag:s3], $0x1000  }
0x55: {  	[sflag:s3] =	ssyncset.done $0x0  }
0x56: {  	[sflag:s3] =	ssyncadd.s32 $0xFFFFF000  }
0x57: {  	[tilespmem:s7], [sflag:$0x1] =	stream.indirect.gather [hbm4b:s5+s6], $0x50, s2, s6, $0xb8;
	[tilespmem:$0x15000] =	vst v63  }
0x58: {  	_ =	swait.ge [sflag:s8], $0xA000  }
0x59: {  	[sflag:s8] =	ssyncset.done $0x0  }
0x5a: {  	[sflag:s8] =	ssyncadd.s32 $0xFFFF6000  }
0x5b: {  	[tilespmem:s9], [sflag:$0x2] =	stream.indirect.gather [hbm4b:s5+s6], $0x50, s6, s6, $0xb8;
	[tilespmem:$0x15000] =	vst v63  }
0x5c: {  	_ = 	snop  }
0x5d: {  	[hbm4b:s10+s2] =	stream.linear.scatter [tilespmem:s7], [sflag:$0x3], $0xA000, $0x38;
	[tilespmem:$0x15000] =	vst v63  }
0x5e: {  	_ =	swait.ge [sflag:s3], $0xA000  }
0x5f: {  	[sflag:s3] =	ssyncset.done $0x0  }
0x60: {  	[sflag:s3] =	ssyncadd.s32 $0xFFFF6000  }
0x61: {  	_ =	swait.ge [sflag:s11], $0xA000  }
0x62: {  	[sflag:s11] =	ssyncset.done $0x0  }
0x63: {  	[sflag:s11] =	ssyncadd.s32 $0xFFFF6000  }
0x64: {  	[tilespmem:s7], [sflag:$0x1] =	stream.indirect.gather [hbm4b:s5+s6], $0x50, s12, s6, $0xb8;
	[tilespmem:$0x15000] =	vst v63  }
0x65: {  	_ = 	snop  }
0x66: {  	[hbm4b:s13+s2] =	stream.linear.scatter [tilespmem:s9], [sflag:$0x3], $0xA000, $0x38;
	[tilespmem:$0x15000] =	vst v63  }
0x67: {  	_ =	swait.ge [sflag:s3], $0xA000  }
0x68: {  	[sflag:s3] =	ssyncset.done $0x0  }
0x69: {  	[sflag:s3] =	ssyncadd.s32 $0xFFFF6000  }
0x6a: {  	_ =	swait.ge [sflag:s8], $0xA000  }
0x6b: {  	[sflag:s8] =	ssyncset.done $0x0  }
0x6c: {  	[sflag:s8] =	ssyncadd.s32 $0xFFFF6000  }
0x6d: {  	[tilespmem:s9], [sflag:$0x2] =	stream.indirect.gather [hbm4b:s5+s6], $0x50, s14, s6, $0xb8;
	[tilespmem:$0x15000] =	vst v63  }
0x6e: {  	_ = 	snop  }
0x6f: {  	[hbm4b:s15+s2] =	stream.linear.scatter [tilespmem:s7], [sflag:$0x3], $0xA000, $0x38;
	[tilespmem:$0x15000] =	vst v63  }
0x70: {  	_ =	swait.ge [sflag:s3], $0xA000  }
0x71: {  	[sflag:s3] =	ssyncset.done $0x0  }
0x72: {  	[sflag:s3] =	ssyncadd.s32 $0xFFFF6000  }
0x73: {  	_ =	swait.ge [sflag:s11], $0xA000  }
0x74: {  	[sflag:s11] =	ssyncset.done $0x0  }
0x75: {  	[sflag:s11] =	ssyncadd.s32 $0xFFFF6000  }
0x76: {  	[tilespmem:s7], [sflag:$0x1] =	stream.indirect.gather [hbm4b:s5+s6], $0x50, s16, s6, $0xb8;
	[tilespmem:$0x15000] =	vst v63  }
0x77: {  	_ = 	snop  }
0x78: {  	[hbm4b:s17+s2] =	stream.linear.scatter [tilespmem:s9], [sflag:$0x3], $0xA000, $0x38;
	[tilespmem:$0x15000] =	vst v63  }
0x79: {  	_ =	swait.ge [sflag:s3], $0xA000  }
0x7a: {  	[sflag:s3] =	ssyncset.done $0x0  }
0x7b: {  	[sflag:s3] =	ssyncadd.s32 $0xFFFF6000  }
0x7c: {  	_ =	swait.ge [sflag:s8], $0xA000  }
0x7d: {  	[sflag:s8] =	ssyncset.done $0x0  }
0x7e: {  	[sflag:s8] =	ssyncadd.s32 $0xFFFF6000  }
0x7f: {  	[tilespmem:s9], [sflag:$0x2] =	stream.indirect.gather [hbm4b:s5+s6], $0x50, s18, s6, $0xb8;
	[tilespmem:$0x15000] =	vst v63  }
0x80: {  	_ = 	snop  }
0x81: {  	[hbm4b:s19+s2] =	stream.linear.scatter [tilespmem:s7], [sflag:$0x3], $0xA000, $0x38;
	[tilespmem:$0x15000] =	vst v63  }
0x82: {  	_ =	swait.ge [sflag:s3], $0xA000  }
0x83: {  	[sflag:s3] =	ssyncset.done $0x0  }
0x84: {  	[sflag:s3] =	ssyncadd.s32 $0xFFFF6000  }
0x85: {  	_ =	swait.ge [sflag:s11], $0xA000  }
0x86: {  	[sflag:s11] =	ssyncset.done $0x0  }
0x87: {  	[sflag:s11] =	ssyncadd.s32 $0xFFFF6000  }
0x88: {  	[tilespmem:s7], [sflag:$0x1] =	stream.indirect.gather [hbm4b:s5+s6], $0x50, s20, s6, $0xb8;
	[tilespmem:$0x15000] =	vst v63  }
0x89: {  	_ = 	snop  }
0x8a: {  	[hbm4b:s21+s2] =	stream.linear.scatter [tilespmem:s9], [sflag:$0x3], $0xA000, $0x38;
	[tilespmem:$0x15000] =	vst v63  }
0x8b: {  	_ =	swait.ge [sflag:s3], $0xA000  }
0x8c: {  	[sflag:s3] =	ssyncset.done $0x0  }
0x8d: {  	[sflag:s3] =	ssyncadd.s32 $0xFFFF6000  }
0x8e: {  	_ =	swait.ge [sflag:s8], $0xA000  }
0x8f: {  	[sflag:s8] =	ssyncset.done $0x0  }
0x90: {  	[sflag:s8] =	ssyncadd.s32 $0xFFFF6000  }
0x91: {  	[tilespmem:s9], [sflag:$0x2] =	stream.indirect.gather [hbm4b:s5+s6], $0x50, s22, s6, $0xb8;
	[tilespmem:$0x15000] =	vst v63  }
0x92: {  	_ = 	snop  }
0x93: {  	[hbm4b:s23+s2] =	stream.linear.scatter [tilespmem:s7], [sflag:$0x3], $0xA000, $0x38;
	[tilespmem:$0x15000] =	vst v63  }
0x94: {  	_ =	swait.ge [sflag:s3], $0xA000  }
0x95: {  	[sflag:s3] =	ssyncset.done $0x0  }
0x96: {  	[sflag:s3] =	ssyncadd.s32 $0xFFFF6000  }
0x97: {  	_ =	swait.ge [sflag:s11], $0xA000  }
.Ltmp1:
0x98: {  	[sflag:s11] =	ssyncset.done $0x0;
	(pc) =	sbr.rel @p0 .LBB2_1-.Ltmp1, $4  }
0x99: {  	[sflag:s11] =	ssyncadd.s32 $0xFFFF6000  }
0x9a: {  	[hbm4b:s24+s2] =	stream.linear.scatter [tilespmem:s9], [sflag:$0x3], $0xA000, $0x38;
	[tilespmem:$0x15000] =	vst v63  }
0x9b: {  	_ =	swait.ge [sflag:s3], $0xA000  }
0x9c: {  	[sflag:s3] =	ssyncset.done $0x0  }
.LBB2_2:
0x9d: {  	[sflag:s3] =	ssyncadd.s32 $0xFFFF6000  }
0x9e: {  	_ =	sfence.sel $0x180000  }
0x9f: {  	[bflag:$0x0] =	sbarrier.arrive $0xFFFF  }
0xa0: {  	p0 =	sne.s32 s0, $0x0;
	_ =	strace $0x9000004A  }
0xa1: {  	s0 =	sadd.s32 @!p0 $0x100000, s1;
	[bflag:$0x2] =	sbarrier.arrive $0xFFFF  }
0xa2: {  	[sflag:s0] =	ssyncadd.tile.s32 @!p0 $0x1;
	_ =	shalt  }
.Lfunc_end2:
_tile_overlayer_lowered:
.L_overlay_start_2:
0xa3: {  	(tag) =	ssettag $0x2  }
0xa4: {  	s0 =	rddreg [dreg:$0x0];
	s2 =	stileid.u32  }
0xa5: {  	s1 =	rddreg [dreg:$0x1];
	p0 =	sne.s32 s2, $0x0  }
0xa6: {  	s3 =	rddreg [dreg:$0x2];
	[bflag:$0x3] =	sbarrier.arrive $0xFFFF;
	s2 =	simm.s32 @!p0 $0x1C03  }
0xa7: {  	[timem:s3], [sflag:s2] =	dma.local @!p0 [hbm:s0], s1  }
0xa8: {  	s0 =	simm.s32 @!p0 $0x3  }
0xa9: {  	_ =	swait.ge @!p0 [sflag:s0], s1  }
0xaa: {  	s1 =	ssub.s32 @!p0 $0x0, s1;
	[sflag:s0] =	ssyncset.done @!p0 $0x0  }
0xab: {  	[sflag:s0] =	ssyncadd.s32 @!p0 s1  }
0xac: {  	[bflag:$0x3] =	sbarrier.arrive $0xFFFF  }
0xad: {  	_ =	shalt  }

// kernel: kernel.7.cloned.1.call-start
scs
__scs_entry_jumppad:
0x0: {  	(pc) =	sbr.rel $0x88, $3  }
0x1: {  	(tag) =	ssettag $0x0;
	lr =	simm.s32 $0x1  }
0x2: {  	[smem:$0x3F89] =	sst lr;
	_ =	strace $0xD0000000  }
0x3: {  	_ = 	snop  }
0x4: {  	_ = 	snop  }
0x5: {  	_ = 	snop  }
0x6: {  	_ = 	snop  }
0x7: {  	_ = 	snop  }
__scs_overlays_trampoline_lowered:
0x8: {  	[smem:$0x3F98] =	sst s0  }
0x9: {  	[smem:$0x3F99] =	sst s1  }
0xa: {  	[smem:$0x3F9A] =	sst s2  }
0xb: {  	[smem:$0x3F9B] =	sst s3  }
0xc: {  	[smem:$0x3F9C] =	sst s4  }
0xd: {  	[smem:$0x3F9D] =	sst s5  }
0xe: {  	[smem:$0x3F9E] =	sst s6  }
0xf: {  	[smem:$0x3F9F] =	sst s7  }
0x10: {  	[smem:$0x3FA0] =	sst s8  }
0x11: {  	[smem:$0x3FA1] =	sst s9;
	s0 =	simm.s32 @!p0 $0x0  }
0x12: {  	s1 =	sld [smem:$0x3F87];
	s0 =	simm.s32 @p0 $0x1  }
0x13: {  	[smem:$0x3FA2] =	sst s0;
	s0 =	simm.s32 @!p1 $0x0  }
0x14: {  	s2 =	sld [smem:$0x3F86];
	s0 =	simm.s32 @p1 $0x1  }
0x15: {  	[smem:$0x3FA3] =	sst s0;
	s0 =	simm.s32 @!p2 $0x0  }
0x16: {  	s3 =	sld [smem:$0x3FDB];
	s0 =	simm.s32 @p2 $0x1  }
0x17: {  	s4 =	simm.s32 $0x1BF5;
	[smem:$0x3FA5] =	sst s0  }
0x18: {  	s0 =	sld [smem:$0x3F88];
	_ =	swait.ge [sflag:s4], $0x0  }
0x19: {  	s7 =	sld [smem:$0x3F89]  }
0x1a: {  	s8 =	sadd.s32 $0xFFFFE003, lr  }
0x1b: {  	s9 =	sadd.s32 $0xFFFFFEF7, lr;
	s5 =	simm.s32 $0xFFFFFFFF;
	p2 =	slt.u32 s8, $0xFFFFF086  }
0x1c: {  	p1 =	slt.u32 s9, $0xF7A;
	s5 =	simm.s32 @!p2 $0x0  }
0x1d: {  	s5 =	simm.s32 @p1 $0x1;
	p0 =	seq.s32 s7, s2  }
0x1e: {  	s7 =	smul.u32 @!p0 $0xF7A, s2;
	p2 =	seq.s32 @!p0 s5, $0x0  }
0x1f: {  	s9 =	smul.u32 $0xF7A, s1;
	s8 =	simm.s32 @!p0 $0x1BF5;
	p2 =	por !p2, p0  }
0x20: {  	[sflag:s8] =	ssyncset.s32 @!p0 $0xFFFFF086;
	s6 =	sadd.s32 @!p0 s3, s7;
	s7 =	simm.s32 @!p0 $0x108  }
0x21: {  	s3 =	sadd.s32 s3, s9;
	s6 =	sadd.s32 @!p0 $0x88, s6;
	s7 =	simm.s32 @p2 $0x1082  }
0x22: {  	[simem:s7], [sflag:s8] =	dma.local @!p0 [hbm:s6], $0xF7A  }
0x23: {  	s9 =	sor.u32 $0xD0000000, s2;
	s6 =	simm.s32 $0x108;
	_ =	swait.ge @!p0 [sflag:s8], $0x0  }
0x24: {  	s3 =	sadd.s32 $0x88, s3;
	s6 =	simm.s32 @!p1 $0x1082;
	[sflag:s4] =	ssyncset.s32 $0xFFFFF086  }
0x25: {  	[simem:s6], [sflag:s4] =	dma.local [hbm:s3], $0xF7A  }
0x26: {  	[smem:$0x3F89] =	sst s1;
	(tag) =	ssettag s2;
	_ =	strace s9  }
0x27: {  	s1 =	sld [smem:$0x3F99]  }
0x28: {  	s2 =	sld [smem:$0x3F9A]  }
0x29: {  	s4 =	sld [smem:$0x3F9C]  }
0x2a: {  	p0 =	seq.s32 s5, $0x0;
	s5 =	sld [smem:$0x3F9D]  }
0x2b: {  	s6 =	sld [smem:$0x3F9E]  }
0x2c: {  	s7 =	sld [smem:$0x3F9F]  }
0x2d: {  	s3 =	simm.s32 $0x108;
	s8 =	sld [smem:$0x3FA0]  }
0x2e: {  	s3 =	simm.s32 @!p0 $0x1082;
	s9 =	sld [smem:$0x3FA1]  }
0x2f: {  	lr =	sadd.s32 s0, s3;
	s0 =	sld [smem:$0x3F98]  }
0x30: {  	s3 =	sld [smem:$0x3F9B]  }
0x31: {  	[smem:$0x3FA4] =	sst s10  }
0x32: {  	s10 =	sld [smem:$0x3FA2];
	_ =	sdelay $0x3  }
0x33: {  	p0 =	seq.s32 s10, $0x1;
	s10 =	sld [smem:$0x3FA4];
	_ =	sdelay $0x3  }
0x34: {  	[smem:$0x3FA4] =	sst s10  }
0x35: {  	s10 =	sld [smem:$0x3FA3];
	_ =	sdelay $0x3  }
0x36: {  	p1 =	seq.s32 s10, $0x1;
	s10 =	sld [smem:$0x3FA4];
	_ =	sdelay $0x3  }
0x37: {  	[smem:$0x3FA4] =	sst s10  }
0x38: {  	s10 =	sld [smem:$0x3FA5]  }
0x39: {  	_ = 	snop;
	(pc) =	sbr.ind lr, $3  }
0x3a: {  	_ = 	snop  }
0x3b: {  	_ = 	snop  }
0x3c: {  	p2 =	seq.s32 s10, $0x1;
	s10 =	sld [smem:$0x3FA4]  }
0x3d: {  	_ =	shalt  }
0x3e: {  	_ =	shalt  }
0x3f: {  	_ =	shalt  }
0x40: {  	_ =	shalt  }
0x41: {  	_ =	shalt  }
0x42: {  	_ =	shalt  }
0x43: {  	_ =	shalt  }
0x44: {  	_ =	shalt  }
0x45: {  	_ =	shalt  }
0x46: {  	_ =	shalt  }
0x47: {  	_ =	shalt  }
0x48: {  	_ =	shalt  }
0x49: {  	_ =	shalt  }
0x4a: {  	_ =	shalt  }
0x4b: {  	_ =	shalt  }
0x4c: {  	_ =	shalt  }
0x4d: {  	_ =	shalt  }
0x4e: {  	_ =	shalt  }
0x4f: {  	_ =	shalt  }
0x50: {  	_ =	shalt  }
0x51: {  	_ =	shalt  }
0x52: {  	_ =	shalt  }
0x53: {  	_ =	shalt  }
0x54: {  	_ =	shalt  }
0x55: {  	_ =	shalt  }
0x56: {  	_ =	shalt  }
0x57: {  	_ =	shalt  }
0x58: {  	_ =	shalt  }
0x59: {  	_ =	shalt  }
0x5a: {  	_ =	shalt  }
0x5b: {  	_ =	shalt  }
0x5c: {  	_ =	shalt  }
0x5d: {  	_ =	shalt  }
0x5e: {  	_ =	shalt  }
0x5f: {  	_ =	shalt  }
0x60: {  	_ =	shalt  }
0x61: {  	_ =	shalt  }
0x62: {  	_ =	shalt  }
0x63: {  	_ =	shalt  }
0x64: {  	_ =	shalt  }
0x65: {  	_ =	shalt  }
0x66: {  	_ =	shalt  }
0x67: {  	_ =	shalt  }
0x68: {  	_ =	shalt  }
0x69: {  	_ =	shalt  }
0x6a: {  	_ =	shalt  }
0x6b: {  	_ =	shalt  }
0x6c: {  	_ =	shalt  }
0x6d: {  	_ =	shalt  }
0x6e: {  	_ =	shalt  }
0x6f: {  	_ =	shalt  }
0x70: {  	_ =	shalt  }
0x71: {  	_ =	shalt  }
0x72: {  	_ =	shalt  }
0x73: {  	_ =	shalt  }
0x74: {  	_ =	shalt  }
0x75: {  	_ =	shalt  }
0x76: {  	_ =	shalt  }
0x77: {  	_ =	shalt  }
0x78: {  	_ =	shalt  }
0x79: {  	_ =	shalt  }
0x7a: {  	_ =	shalt  }
0x7b: {  	_ =	shalt  }
0x7c: {  	_ =	shalt  }
0x7d: {  	_ =	shalt  }
0x7e: {  	_ =	shalt  }
0x7f: {  	_ =	shalt  }
0x80: {  	_ =	shalt  }
0x81: {  	_ =	shalt  }
0x82: {  	_ =	shalt  }
0x83: {  	_ =	shalt  }
0x84: {  	_ =	shalt  }
0x85: {  	_ =	shalt  }
0x86: {  	_ =	shalt  }
0x87: {  	_ =	shalt  }
.Lfunc_end0:
.L_simem_size_0:
called_computation_lowered:
.L_overlay_start_0:
0x88: {  	s2 =	sld [smem:$0x3FD9]  }
0x89: {  	s3 =	sld [smem:$0x3FFE];
	_ =	sdelay $0x1  }
0x8a: {  	s1 =	srdreg.scid  }
0x8b: {  	s0 =	sand.u32 $0x1, s1  }
0x8c: {  	s17 =	sshll.u32 s0, $0xA;
	s2 =	sadd.s32 s3, s2  }
0x8d: {  	s2 =	sadd.s32 s2, s17  }
0x8e: {  	[smem:$0x3FB0] =	sst s2  }
0x8f: {  	_ = 	snop  }
0x90: {  	s2 =	sld [smem:$0x3FD0];
	(tm) =	ssettm $0x1  }
0x91: {  	s18 =	sld [smem:$0x3FFB];
	_ =	sdelay $0x3  }
0x92: {  	_ =	strace s18  }
0x93: {  	s3 =	sld [smem:$0x3FFC];
	_ =	sdelay $0x3  }
0x94: {  	_ =	strace s3  }
0x95: {  	s3 =	sld [smem:$0x3FFD];
	_ =	sdelay $0x3  }
0x96: {  	_ =	strace s3  }
0x97: {  	_ =	strace $0x8FFFFFFF  }
0x98: {  	s19 =	sld [smem:$0x3FDB];
	_ =	sdelay $0x1  }
0x99: {  	s4 =	simm.s32 $_scs_section_size  }
0x9a: {  	s5 =	simm.s32 $_size__tile_overlayer_lowered;
	s6 =	simm.s32 $_tile_overlayer_lowered  }
0x9b: {  	s22 =	simm.s32 $0x1BFF;
	s21 =	sshll.u32 s6, $0x1;
	s3 =	sadd.s32 s4, s19  }
0x9c: {  	s7 =	simm.s32 $0x0;
	s20 =	sshll.u32 s5, $0x1;
	s5 =	sadd.s32 s21, s3  }
0x9d: {  	[timem:s7], [sflag:s22] =	dma.local [hbm:s5], s20  }
0x9e: {  	_ =	swait.ge [sflag:s22], s20  }
0x9f: {  	s4 =	ssub.s32 $0x0, s20;
	[sflag:s22] =	ssyncset.done $0x0  }
0xa0: {  	[sflag:s22] =	ssyncadd.s32 s4;
	_ =	sdelay $0x1  }
0xa1: {  	s23 =	simm.s32 $0x1B8B  }
0xa2: {  	_ =	swait.ge [sflag:s23], $0x1  }
0xa3: {  	[sflag:s23] =	ssyncset.done $0x0  }
0xa4: {  	s25 =	simm.s32 $0x1B8E;
	s24 =	sld [smem:$0x3FFE];
	[sflag:s23] =	ssyncadd.s32 $0xFFFFFFFF  }
0xa5: {  	s26 =	simm.s32 $execute0_lowered;
	[smem:$0x3FD2] =	sst s25  }
0xa6: {  	s5 =	sshll.u32 s26, $0x1;
	_ =	strace $0x80000046;
	[dreg:$0x1] =	wrdreg $0xFFFFFFFF  }
0xa7: {  	s28 =	simm.s32 $_size_execute0_lowered;
	s3 =	sadd.s32 s3, s5;
	[dreg:$0x0] =	wrdreg $0x0  }
0xa8: {  	s5 =	sshll.u32 s28, $0x1;
	[dreg:$0x2] =	wrdreg s3  }
0xa9: {  	[dreg:$0x3] =	wrdreg s5  }
0xaa: {  	[dreg:$0x4] =	wrdreg $0xC0  }
0xab: {  	_ =	task [dreg:s7], $0x5FFFF  }
0xac: {  	[dreg:$0x1] =	wrdreg $0xFFFFFFFF  }
0xad: {  	[dreg:$0x0] =	wrdreg $0x60  }
0xae: {  	[dreg:$0x2] =	wrdreg s24  }
0xaf: {  	[dreg:$0x3] =	wrdreg s2  }
0xb0: {  	[dreg:$0x4] =	wrdreg $0x9  }
0xb1: {  	_ =	task.clear_ibuf [dreg:s7], $0x5FFFF;
	_ =	strace $0x90000046  }
0xb2: {  	s29 =	simm.s32 $0x9;
	_ =	strace $0x80000048  }
0xb3: {  	_ =	swait.ge [sflag:s29], $0x1  }
0xb4: {  	[sflag:s29] =	ssyncadd.s32 $0xFFFFFFFF  }
0xb5: {  	_ =	strace $0x90000048  }
0xb6: {  	_ =	sfence  }
0xb7: {  	s30 =	sld [smem:$0x0];
	_ =	sdelay $0x2  }
0xb8: {  	s31 =	sshll.u32 s1, $0xD;
	s1 =	sshrl.u32 s1, $0x2  }
0xb9: {  	s3 =	sand.u32 $0x4000, s31;
	s1 =	sadd.s32 s1, s30  }
0xba: {  	s0 =	sor.u32 s3, s0;
	s1 =	sshll.u32 s1, $0x11  }
0xbb: {  	s0 =	sor.u32 s1, s0  }
0xbc: {  	s0 =	sadd.s32 $0x8F2B, s0  }
0xbd: {  	[sflag:s0] =	ssyncadd.remote.s32 $0x1  }
0xbe: {  	_ =	sfence.sel $0xFFFF  }
0xbf: {  	[dreg:$0x0] =	wrdreg $0xFFFFFFFF;
	(pc) =	sbr.abs _section_cstart, $3  }
0xc0: {  	[dreg:$0x1] =	wrdreg $0xFFFFFFFF  }
0xc1: {  	_ =	task.clear_ibuf [dreg:s7], $0x2FFFF;
	_ =	strace $0x9FFFFFFF  }
0xc2: {  	(tm) =	ssettm $0x7FFFFFFF  }
0xc3: {  	_ =	shalt  }
tec
execute0_lowered:
.L_overlay_start_1:
0x0: {  	(tag) =	ssettag $0x1  }
0x1: {  	s0 =	rddreg [dreg:$0x0]  }
0x2: {  	s1 =	rddreg [dreg:$0x1]  }
0x3: {  	s6 =	stileid.u32;
	s3 =	srdreg.scid;
	s2 =	simm.s32 $0x0  }
0x4: {  	s4 =	sshll.u32 s6, $0x1;
	s5 =	sand.u32 $0x1, s3;
	[smem:$0x7FF] =	sst s2  }
0x5: {  	s6 =	sshrl.u32 s6, $0x1;
	s11 =	sadd.s32 $0x4200, s0;
	s22 =	sand.u32 $0x2, s4  }
0x6: {  	s8 =	sshll.u32 s6, $0x8;
	s3 =	sshll.u32 s6, $0xA;
	_ =	strace $0x80000047  }
0x7: {  	s4 =	sadd.s32 $0x5A00, s0;
	s7 =	sor.u32 s5, s22;
	s9 =	sadd.s32 s8, s0  }
0x8: {  	s5 =	ssub.s32 $0x2, s5;
	s23 =	sshll.u32 s7, $0x8;
	s7 =	sshll.u32 s7, $0x6  }
0x9: {  	s14 =	sshrl.u32 s5, $0x1;
	s25 =	sadd.s32 $0x5200, s9;
	s9 =	sadd.s32 $0x4A00, s9  }
0xa: {  	s10 =	sor.u32 s3, s23;
	s7 =	sor.u32 s8, s7;
	s24 =	ssub.s32 s5, s14  }
0xb: {  	s5 =	sshll.u32 s6, $0xB;
	[dreg:$0x3] =	wrdreg s25;
	s6 =	sshll.u32 s6, $0x7  }
0xc: {  	[dreg:$0x4] =	wrdreg s9;
	s12 =	sshll.u32 s10, $0x7;
	s10 =	sshrl.u32 s10, $0x3  }
0xd: {  	s8 =	sshll.u32 s7, $0x3;
	s7 =	sshrl.u32 s7, $0x3;
	s26 =	sadd.s32 s1, s6  }
0xe: {  	s6 =	sadd.s32 s11, s6;
	s23 =	smax.u32 s24, $0x1;
	[dreg:$0x5] =	wrdreg s26  }
0xf: {  	s12 =	sadd.s32 s12, s0;
	s13 =	sadd.s32 s10, s0;
	[dreg:$0x6] =	wrdreg s6  }
0x10: {  	s8 =	sadd.s32 s8, s0;
	s1 =	sadd.s32 s1, s10;
	[dreg:$0x16] =	wrdreg s23  }
0x11: {  	s0 =	sadd.s32 s7, s0;
	s11 =	sadd.s32 s11, s10;
	[dreg:$0x7] =	wrdreg s1  }
0x12: {  	s6 =	sadd.s32 $0x4800, s0;
	[dreg:$0xa] =	wrdreg s11  }
0x13: {  	s28 =	simm.s32 $0x800;
	s9 =	sadd.s32 $0x4600, s0;
	[dreg:$0x8] =	wrdreg s6  }
0x14: {  	s29 =	simm.s32 $0x1000;
	s13 =	sadd.s32 $0x10DA00, s13;
	[dreg:$0x9] =	wrdreg s9  }
0x15: {  	s30 =	simm.s32 $0x1400;
	s14 =	sadd.s32 $0x10DE00, s8;
	[dreg:$0xb] =	wrdreg s13  }
0x16: {  	s31 =	simm.s32 $0x1800;
	s0 =	sadd.s32 $0x111E00, s0;
	[dreg:$0xc] =	wrdreg s14  }
0x17: {  	s25 =	sor.u32 $0x40000000, s3;
	s15 =	sadd.s32 $0xDA00, s12;
	[dreg:$0xd] =	wrdreg s0  }
0x18: {  	s24 =	sor.u32 $0x40000000, s5;
	s16 =	sadd.s32 $0xEA00, s12;
	[dreg:$0xe] =	wrdreg s15  }
0x19: {  	s26 =	simm.s32 $0x3;
	s17 =	sadd.s32 $0xFA00, s12;
	[dreg:$0xf] =	wrdreg s16  }
0x1a: {  	s7 =	simm.s32 $0x6AA0;
	s18 =	sadd.s32 $0x10A00, s12;
	[dreg:$0x10] =	wrdreg s17  }
0x1b: {  	s10 =	simm.s32 $0x7BA0;
	s19 =	sadd.s32 $0x11A00, s12;
	[dreg:$0x11] =	wrdreg s18  }
.Ltmp0:
0x1c: {  	s20 =	sadd.s32 $0x12A00, s12;
	[dreg:$0x12] =	wrdreg s19;
	(pc) =	sbr.rel .LBB2_1-.Ltmp0, $4  }
0x1d: {  	s21 =	sadd.s32 $0x13A00, s12;
	s22 =	sadd.s32 $0x14A00, s12;
	[dreg:$0x13] =	wrdreg s20  }
0x1e: {  	s1 =	simm.s32 $0x1A00;
	s11 =	simm.s32 $0x6BA0;
	[dreg:$0x14] =	wrdreg s21  }
0x1f: {  	v4 =	vimm.s32 $0x0;
	v5 =	vlaneseq.u32;
	v3 =	vmov s3;
	[dreg:$0x15] =	wrdreg s22;
	s0 =	simm.s32 $0x1900;
	s6 =	simm.s32 $0x1A40  }
0x20: {  	v1 =	vmov s25;
	v2 =	vmov s5;
	v0 =	vmov s24;
	s9 =	simm.s32 $0x2AA0;
	s14 =	simm.s32 $0x2;
	s15 =	simm.s32 $0x0  }
.LBB2_69:
0x21: {  	s8 =	rddreg [dreg:$0xc]  }
0x22: {  	[hbm4b:s8+s2] =	stream.linear.scatter [tilespmem:s11], [sflag:$0x3], $0x1000, $0x38;
	[tilespmem:$0x17BE0] =	vst v63  }
0x23: {  	_ =	swait.ge [sflag:s26], $0x1000  }
0x24: {  	[sflag:s26] =	ssyncset.done $0x0  }
0x25: {  	s18 =	rddreg [dreg:$0xd];
	[sflag:s26] =	ssyncadd.s32 $0xFFFFF000  }
0x26: {  	[hbm4b:s18+s2] =	stream.linear.scatter [tilespmem:s10], [sflag:$0x3], $0x40, $0x38;
	[tilespmem:$0x17BE0] =	vst v63  }
0x27: {  	_ =	swait.ge [sflag:s26], $0x40  }
0x28: {  	[sflag:s26] =	ssyncset.done $0x0  }
0x29: {  	s13 =	simm.s32 $0x7BE0;
	s12 =	simm.s32 $0x1;
	[sflag:s26] =	ssyncadd.s32 $0xFFFFFFC0  }
0x2a: {  	[tilespmem:s13], [sflag:$0x1] =	stream.indirect.gather [hbm4b:s4+s28], $0x10, s9, s28, $0xb8;
	[tilespmem:$0x17BE0] =	vst v63  }
0x2b: {  	_ =	swait.ge [sflag:s12], $0x8000  }
0x2c: {  	[sflag:s12] =	ssyncset.done $0x0  }
0x2d: {  	s19 =	simm.s32 $0x32A0;
	s16 =	simm.s32 $0xFBE0;
	[sflag:s12] =	ssyncadd.s32 $0xFFFF8000  }
0x2e: {  	[tilespmem:s16], [sflag:$0x2] =	stream.indirect.gather [hbm4b:s4+s28], $0x10, s19, s28, $0xb8;
	[tilespmem:$0x17BE0] =	vst v63  }
0x2f: {  	s20 =	rddreg [dreg:$0xe]  }
0x30: {  	[hbm4b:s20+s2] =	stream.linear.scatter [tilespmem:s13], [sflag:$0x3], $0x8000, $0x38;
	[tilespmem:$0x17BE0] =	vst v63  }
0x31: {  	_ =	swait.ge [sflag:s26], $0x8000  }
0x32: {  	[sflag:s26] =	ssyncset.done $0x0  }
0x33: {  	[sflag:s26] =	ssyncadd.s32 $0xFFFF8000  }
0x34: {  	_ =	swait.ge [sflag:s14], $0x8000  }
0x35: {  	[sflag:s14] =	ssyncset.done $0x0  }
0x36: {  	s21 =	simm.s32 $0x3AA0;
	[sflag:s14] =	ssyncadd.s32 $0xFFFF8000  }
0x37: {  	[tilespmem:s13], [sflag:$0x1] =	stream.indirect.gather [hbm4b:s4+s28], $0x10, s21, s28, $0xb8;
	[tilespmem:$0x17BE0] =	vst v63  }
0x38: {  	s22 =	rddreg [dreg:$0xf]  }
0x39: {  	[hbm4b:s22+s2] =	stream.linear.scatter [tilespmem:s16], [sflag:$0x3], $0x8000, $0x38;
	[tilespmem:$0x17BE0] =	vst v63  }
0x3a: {  	_ =	swait.ge [sflag:s26], $0x8000  }
0x3b: {  	[sflag:s26] =	ssyncset.done $0x0  }
0x3c: {  	[sflag:s26] =	ssyncadd.s32 $0xFFFF8000  }
0x3d: {  	_ =	swait.ge [sflag:s12], $0x8000  }
0x3e: {  	[sflag:s12] =	ssyncset.done $0x0  }
0x3f: {  	s23 =	simm.s32 $0x42A0;
	[sflag:s12] =	ssyncadd.s32 $0xFFFF8000  }
0x40: {  	[tilespmem:s16], [sflag:$0x2] =	stream.indirect.gather [hbm4b:s4+s28], $0x10, s23, s28, $0xb8;
	[tilespmem:$0x17BE0] =	vst v63  }
0x41: {  	s24 =	rddreg [dreg:$0x10]  }
0x42: {  	[hbm4b:s24+s2] =	stream.linear.scatter [tilespmem:s13], [sflag:$0x3], $0x8000, $0x38;
	[tilespmem:$0x17BE0] =	vst v63  }
0x43: {  	_ =	swait.ge [sflag:s26], $0x8000  }
0x44: {  	[sflag:s26] =	ssyncset.done $0x0  }
0x45: {  	[sflag:s26] =	ssyncadd.s32 $0xFFFF8000  }
0x46: {  	_ =	swait.ge [sflag:s14], $0x8000  }
0x47: {  	[sflag:s14] =	ssyncset.done $0x0  }
0x48: {  	s25 =	simm.s32 $0x4AA0;
	[sflag:s14] =	ssyncadd.s32 $0xFFFF8000  }
0x49: {  	[tilespmem:s13], [sflag:$0x1] =	stream.indirect.gather [hbm4b:s4+s28], $0x10, s25, s28, $0xb8;
	[tilespmem:$0x17BE0] =	vst v63  }
0x4a: {  	s17 =	rddreg [dreg:$0x11]  }
0x4b: {  	[hbm4b:s17+s2] =	stream.linear.scatter [tilespmem:s16], [sflag:$0x3], $0x8000, $0x38;
	[tilespmem:$0x17BE0] =	vst v63  }
0x4c: {  	_ =	swait.ge [sflag:s26], $0x8000  }
0x4d: {  	[sflag:s26] =	ssyncset.done $0x0  }
0x4e: {  	[sflag:s26] =	ssyncadd.s32 $0xFFFF8000  }
0x4f: {  	_ =	swait.ge [sflag:s12], $0x8000  }
0x50: {  	[sflag:s12] =	ssyncset.done $0x0  }
0x51: {  	s18 =	simm.s32 $0x52A0;
	[sflag:s12] =	ssyncadd.s32 $0xFFFF8000  }
0x52: {  	[tilespmem:s16], [sflag:$0x2] =	stream.indirect.gather [hbm4b:s4+s28], $0x10, s18, s28, $0xb8;
	[tilespmem:$0x17BE0] =	vst v63  }
0x53: {  	s19 =	rddreg [dreg:$0x12]  }
0x54: {  	[hbm4b:s19+s2] =	stream.linear.scatter [tilespmem:s13], [sflag:$0x3], $0x8000, $0x38;
	[tilespmem:$0x17BE0] =	vst v63  }
0x55: {  	_ =	swait.ge [sflag:s26], $0x8000  }
0x56: {  	[sflag:s26] =	ssyncset.done $0x0  }
0x57: {  	[sflag:s26] =	ssyncadd.s32 $0xFFFF8000  }
0x58: {  	_ =	swait.ge [sflag:s14], $0x8000  }
0x59: {  	[sflag:s14] =	ssyncset.done $0x0  }
0x5a: {  	s20 =	simm.s32 $0x5AA0;
	[sflag:s14] =	ssyncadd.s32 $0xFFFF8000  }
0x5b: {  	[tilespmem:s13], [sflag:$0x1] =	stream.indirect.gather [hbm4b:s4+s28], $0x10, s20, s28, $0xb8;
	[tilespmem:$0x17BE0] =	vst v63  }
0x5c: {  	s21 =	rddreg [dreg:$0x13]  }
0x5d: {  	[hbm4b:s21+s2] =	stream.linear.scatter [tilespmem:s16], [sflag:$0x3], $0x8000, $0x38;
	[tilespmem:$0x17BE0] =	vst v63  }
0x5e: {  	_ =	swait.ge [sflag:s26], $0x8000  }
0x5f: {  	[sflag:s26] =	ssyncset.done $0x0  }
0x60: {  	[sflag:s26] =	ssyncadd.s32 $0xFFFF8000  }
0x61: {  	_ =	swait.ge [sflag:s12], $0x8000  }
0x62: {  	[sflag:s12] =	ssyncset.done $0x0  }
0x63: {  	s22 =	simm.s32 $0x62A0;
	[sflag:s12] =	ssyncadd.s32 $0xFFFF8000  }
0x64: {  	[tilespmem:s16], [sflag:$0x2] =	stream.indirect.gather [hbm4b:s4+s28], $0x10, s22, s28, $0xb8;
	[tilespmem:$0x17BE0] =	vst v63  }
0x65: {  	s23 =	rddreg [dreg:$0x14]  }
0x66: {  	[hbm4b:s23+s2] =	stream.linear.scatter [tilespmem:s13], [sflag:$0x3], $0x8000, $0x38;
	[tilespmem:$0x17BE0] =	vst v63  }
0x67: {  	_ =	swait.ge [sflag:s26], $0x8000  }
0x68: {  	[sflag:s26] =	ssyncset.done $0x0  }
0x69: {  	[sflag:s26] =	ssyncadd.s32 $0xFFFF8000  }
0x6a: {  	_ =	swait.ge [sflag:s14], $0x8000  }
0x6b: {  	[sflag:s14] =	ssyncset.done $0x0  }
0x6c: {  	s24 =	rddreg [dreg:$0x15];
	[sflag:s14] =	ssyncadd.s32 $0xFFFF8000  }
0x6d: {  	[hbm4b:s24+s2] =	stream.linear.scatter [tilespmem:s16], [sflag:$0x3], $0x8000, $0x38;
	[tilespmem:$0x17BE0] =	vst v63  }
0x6e: {  	_ =	swait.ge [sflag:s26], $0x8000  }
0x6f: {  	s15 =	sadd.s32 $0x1, s15;
	s25 =	rddreg [dreg:$0x16]  }
0x70: {  	p0 =	sne.s32 s15, s25  }
.Ltmp1:
0x71: {  	_ = 	snop;
	(pc) =	sbr.rel @!p0 .LBB2_70-.Ltmp1, $3  }
0x72: {  	_ =	sdelay $0x1  }
0x73: {  	[sflag:s26] =	ssyncset.done $0x0  }
0x74: {  	[sflag:s26] =	ssyncadd.s32 $0xFFFF8000  }
.LBB2_1:
0x75: {  	s12 =	simm.s32 $0x40;
	s13 =	simm.s32 $0x0  }
.LBB2_2:
0x76: {  	p0 =	sne.s32 s12, $0x2000;
	[tilespmem:s13+$0x1A80] =	vst v4;
	s13 =	smov.u32 s12;
	s12 =	sadd.s32 $0x40, s12  }
.Ltmp2:
0x77: {  	(pc) =	sbr.rel @p0 .LBB2_2-.Ltmp2, $2  }
0x78: {  	_ =	sdelay $0x2  }
0x79: {  	s13 =	sshra.s32 s13, $0x2  }
0x7a: {  	[tilespmem:s13+$0x1A80] =	vst v4;
	s16 =	simm.s32 $0x0;
	s8 =	rddreg [dreg:$0x3]  }
0x7b: {  	[tilespmem:s16], [sflag:$0x3] =	stream.linear.gather [hbm4b:s8+s16], $0x800, $0x38;
	[tilespmem:$0x17BE0] =	vst v63  }
0x7c: {  	_ =	swait.ge [sflag:s26], $0x800  }
0x7d: {  	[sflag:s26] =	ssyncset.done $0x0  }
0x7e: {  	s19 =	rddreg [dreg:$0x4];
	[sflag:s26] =	ssyncadd.s32 $0xFFFFF800  }
0x7f: {  	[tilespmem:s28], [sflag:$0x3] =	stream.linear.gather [hbm4b:s19+s16], $0x800, $0x38;
	[tilespmem:$0x17BE0] =	vst v63  }
0x80: {  	_ =	swait.ge [sflag:s26], $0x800  }
0x81: {  	[sflag:s26] =	ssyncset.done $0x0  }
0x82: {  	s20 =	rddreg [dreg:$0x5];
	[sflag:s26] =	ssyncadd.s32 $0xFFFFF800  }
0x83: {  	[tilespmem:s29], [sflag:$0x3] =	stream.linear.gather [hbm4b:s20+s16], $0x400, $0x38;
	[tilespmem:$0x17BE0] =	vst v63  }
0x84: {  	_ =	swait.ge [sflag:s26], $0x400  }
0x85: {  	[sflag:s26] =	ssyncset.done $0x0  }
0x86: {  	s21 =	rddreg [dreg:$0x6];
	[sflag:s26] =	ssyncadd.s32 $0xFFFFFC00  }
0x87: {  	[tilespmem:s30], [sflag:$0x3] =	stream.linear.gather [hbm4b:s21+s16], $0x400, $0x38;
	[tilespmem:$0x17BE0] =	vst v63  }
0x88: {  	_ =	swait.ge [sflag:s26], $0x400  }
0x89: {  	[sflag:s26] =	ssyncset.done $0x0  }
0x8a: {  	s22 =	rddreg [dreg:$0x7];
	[sflag:s26] =	ssyncadd.s32 $0xFFFFFC00  }
0x8b: {  	[tilespmem:s31], [sflag:$0x3] =	stream.linear.gather [hbm4b:s22+s16], $0x100, $0x38;
	[tilespmem:$0x17BE0] =	vst v63  }
0x8c: {  	_ =	swait.ge [sflag:s26], $0x100  }
0x8d: {  	[sflag:s26] =	ssyncset.done $0x0  }
0x8e: {  	s23 =	rddreg [dreg:$0xa];
	[sflag:s26] =	ssyncadd.s32 $0xFFFFFF00  }
0x8f: {  	[tilespmem:s0], [sflag:$0x3] =	stream.linear.gather [hbm4b:s23+s16], $0x100, $0x38;
	[tilespmem:$0x17BE0] =	vst v63  }
0x90: {  	_ =	swait.ge [sflag:s26], $0x100  }
0x91: {  	[sflag:s26] =	ssyncset.done $0x0  }
0x92: {  	s24 =	rddreg [dreg:$0x8];
	[sflag:s26] =	ssyncadd.s32 $0xFFFFFF00  }
0x93: {  	[tilespmem:s1], [sflag:$0x3] =	stream.linear.gather [hbm4b:s24+s16], $0x40, $0x38;
	[tilespmem:$0x17BE0] =	vst v63  }
0x94: {  	_ =	swait.ge [sflag:s26], $0x40  }
0x95: {  	[sflag:s26] =	ssyncset.done $0x0  }
.Ltmp3:
0x96: {  	s25 =	rddreg [dreg:$0x9];
	[sflag:s26] =	ssyncadd.s32 $0xFFFFFFC0;
	(pc) =	sbr.rel .LBB2_4-.Ltmp3, $4  }
0x97: {  	[tilespmem:s6], [sflag:$0x3] =	stream.linear.gather [hbm4b:s25+s16], $0x40, $0x38;
	[tilespmem:$0x17BE0] =	vst v63  }
0x98: {  	_ =	swait.ge [sflag:s26], $0x40  }
0x99: {  	[sflag:s26] =	ssyncset.done $0x0  }
0x9a: {  	s17 =	simm.s32 $0x0;
	[sflag:s26] =	ssyncadd.s32 $0xFFFFFFC0  }
.LBB2_34:
0x9b: {  	v6 =	vld [tilespmem:$0x1A80];
	_ =	sdelay $0x3  }
0x9c: {  	s8 =	sshll.u32 s17, $0x6  }
0x9d: {  	s8 =	sand.u32 $0x3FFFFFC0, s8;
	v6 =	vadd.s32 v2, v6  }
0x9e: {  	[tilespmem:s8+$0x2AA0] =	vst v6  }
0x9f: {  	v6 =	vld [tilespmem:$0x1A90];
	_ =	sdelay $0x4  }
0xa0: {  	v6 =	vadd.s32 v2, v6  }
0xa1: {  	[tilespmem:s8+$0x2AB0] =	vst v6  }
0xa2: {  	v6 =	vld [tilespmem:$0x1AA0];
	_ =	sdelay $0x4  }
0xa3: {  	v6 =	vadd.s32 v2, v6  }
0xa4: {  	[tilespmem:s8+$0x2AC0] =	vst v6  }
0xa5: {  	v6 =	vld [tilespmem:$0x1AB0];
	_ =	sdelay $0x4  }
0xa6: {  	v6 =	vadd.s32 v2, v6  }
0xa7: {  	[tilespmem:s8+$0x2AD0] =	vst v6  }
.LBB2_35:
0xa8: {  	s17 =	sadd.s32 $0x1, s17  }
0xa9: {  	p0 =	sne.s32 s17, $0x100  }
.Ltmp4:
0xaa: {  	_ = 	snop;
	(pc) =	sbr.rel @!p0 .LBB2_36-.Ltmp4, $1  }
0xab: {  	_ =	sdelay $0x3  }
.LBB2_4:
0xac: {  	v8 =	vmov s17;
	_ =	sdelay $0x2  }
0xad: {  	s12 =	simm.s32 $0x800;
	v10 =	vld [tilespmem:s16+$0x0]  }
0xae: {  	v9 =	vld [tilespmem:s12+$0x0]  }
0xaf: {  	v6 =	vld.idx.msk [tilespmem:v8+s31+$0x0], $0xffff  }
0xb0: {  	v7 =	vld.idx.msk [tilespmem:v8+s0+$0x0], $0xffff;
	_ =	sdelay $0x4  }
0xb1: {  	v10 =	vsub.f32 v10, v6;
	v9 =	vsub.f32 v9, v7;
	_ =	sdelay $0x1  }
0xb2: {  	v10 =	vmul.f32 v10, v10;
	v9 =	vmul.f32 v9, v9;
	_ =	sdelay $0x1  }
0xb3: {  	v9 =	vadd.f32 v9, v10;
	_ =	sdelay $0x1  }
0xb4: {  	vm0 =	vle.f32 v9, $3.999999910e-02  }
0xb5: {  	v9 =	vsel vm0, $0x1, v4  }
0xb6: {  	(xrf0) =	vadd.scan.msk.s32 $0xffff, v9;
	_ =	sdelay $0x3  }
0xb7: {  	v9 =	vor.u32 s16, v5  }
0xb8: {  	s20 =	simm.s32 $0x810;
	[tilespmem:s16+$0x1A80] =	vst.msk vm0, v9  }
0xb9: {  	s18 =	simm.s32 $0x10;
	v9 =	vld [tilespmem:s20+$0x0];
	v11, _, _ =	vpop (xrf0)  }
0xba: {  	s21 =	simm.s32 $0x20;
	s19 =	simm.s32 $0x0;
	s22 =	simm.s32 $0x10;
	v10 =	vld [tilespmem:s18+$0x0];
	(v2sf) =	vpush v11, $0xF  }
.LBB2_5:
0xbb: {  	p0 =	sne.s32 s21, $0x7F0;
	_ =	sdelay $0x3  }
0xbc: {  	v9 =	vsub.f32 v9, v7;
	v10 =	vsub.f32 v10, v6;
	_ =	sdelay $0x1  }
0xbd: {  	v9 =	vmul.f32 v9, v9;
	v10 =	vmul.f32 v10, v10;
	_ =	sdelay $0x1  }
0xbe: {  	v9 =	vadd.f32 v9, v10;
	_ =	sdelay $0x1  }
0xbf: {  	vm0 =	vle.f32 v9, $3.999999910e-02  }
0xc0: {  	v9 =	vsel vm0, $0x1, v4  }
0xc1: {  	(xrf0) =	vadd.scan.msk.s32 $0xffff, v9;
	_ =	sdelay $0x1  }
0xc2: {  	s12 =	spop (v2sf)  }
.Ltmp5:
0xc3: {  	v9 =	vor.u32 s18, v5;
	s18 =	smov.u32 s21;
	s19 =	sadd.s32 s19, s12;
	(pc) =	sbr.rel @p0 .LBB2_5-.Ltmp5, $4  }
0xc4: {  	[tilespmem:s19+$0x1A80] =	vst.msk vm0, v9  }
0xc5: {  	s20 =	sadd.s32 $0x10, s20  }
0xc6: {  	s22 =	sadd.s32 $0x10, s22;
	v9 =	vld [tilespmem:s20+$0x0];
	v11, _, _ =	vpop (xrf0)  }
0xc7: {  	s21 =	sadd.s32 $0x10, s21;
	v10 =	vld [tilespmem:s22+$0x0];
	(v2sf) =	vpush v11, $0xF  }
0xc8: {  	_ =	sdelay $0x3  }
0xc9: {  	v9 =	vsub.f32 v9, v7;
	v10 =	vsub.f32 v10, v6;
	_ =	sdelay $0x1  }
0xca: {  	v9 =	vmul.f32 v9, v9;
	v10 =	vmul.f32 v10, v10;
	_ =	sdelay $0x1  }
0xcb: {  	v9 =	vadd.f32 v9, v10;
	_ =	sdelay $0x1  }
0xcc: {  	vm0 =	vle.f32 v9, $3.999999910e-02  }
0xcd: {  	v9 =	vsel vm0, $0x1, v4  }
0xce: {  	(xrf0) =	vadd.scan.msk.s32 $0xffff, v9;
	_ =	sdelay $0x5  }
0xcf: {  	v9, _, _ =	vpop (xrf0)  }
0xd0: {  	(v2sf) =	vpush v9, $0xF;
	_ =	sdelay $0xd  }
0xd1: {  	s12 =	spop (v2sf)  }
0xd2: {  	s13 =	sadd.s32 s19, s12;
	s25 =	spop (v2sf)  }
0xd3: {  	s12 =	sadd.s32 s13, s25  }
0xd4: {  	p0 =	slt.s32 s12, $0x40;
	s19 =	smov.u32 s12  }
0xd5: {  	s19 =	simm.s32 @!p0 $0x40;
	p0 =	slt.s32 s12, $0x41  }
.Ltmp6:
0xd6: {  	_ = 	snop;
	(pc) =	sbr.rel @p0 .LBB2_34-.Ltmp6, $4  }
0xd7: {  	_ = 	snop  }
0xd8: {  	v62 =	vor.u32 s18, v5  }
0xd9: {  	[tilespmem:s13+$0x1A80] =	vst.msk vm0, v62;
	v63 =	vmov s19  }
0xda: {  	[tilespmem:v8+s7+$0x0] =	vst.idx.msk $0x1, v63  }
0xdb: {  	s13 =	sadd.s32 $0xF, s12  }
0xdc: {  	s18 =	sand.u32 $0xF, s13  }
0xdd: {  	s19 =	sshra.s32 s13, $0x1F;
	p0 =	slt.s32 s13, $0x0;
	p1 =	sne.s32 s18, $0x0  }
0xde: {  	s25 =	sshrl.u32 s19, $0x1C;
	p0 =	por !p0, !p1  }
0xdf: {  	s18 =	simm.s32 $0x1;
	s13 =	sadd.s32 s25, s13;
	p0 =	por !p0, !p0  }
0xe0: {  	s13 =	sshra.s32 s13, $0x4;
	s18 =	simm.s32 @!p0 $0x0  }
0xe1: {  	s18 =	ssub.s32 s13, s18  }
0xe2: {  	p0 =	slt.s32 s18, $0x1  }
.Ltmp7:
0xe3: {  	_ = 	snop;
	(pc) =	sbr.rel @p0 .LBB2_14-.Ltmp7, $1  }
0xe4: {  	_ =	sdelay $0x3  }
0xe5: {  	p2 =	seq.s32 s18, $0x1  }
.Ltmp8:
0xe6: {  	_ = 	snop;
	(pc) =	sbr.rel @p2 .LBB2_9-.Ltmp8, $3  }
0xe7: {  	_ =	sdelay $0x1  }
0xe8: {  	s25 =	simm.s32 $0x1A80;
	s19 =	simm.s32 $0x2290  }
0xe9: {  	v8 =	vmov s12;
	s20 =	simm.s32 $0x0;
	s12 =	sadd.s32 $0xFFFFFFFF, s18;
	p1 =	por $0x0, $0x0;
	v9 =	vld [tilespmem:s25+$0x0]  }
0xea: {  	_ =	sdelay $0x7  }
0xeb: {  	v10 =	vld.idx.msk [tilespmem:v9+s2+$0x0], $0xffff  }
0xec: {  	v9 =	vld.idx.msk [tilespmem:v9+s28+$0x0], $0xffff;
	_ =	sdelay $0x4  }
0xed: {  	v10 =	vsub.f32 v10, v6;
	v9 =	vsub.f32 v9, v7;
	_ =	sdelay $0x1  }
0xee: {  	v10 =	vmul.f32 v10, v10;
	v9 =	vmul.f32 v9, v9;
	_ =	sdelay $0x1  }
0xef: {  	p2 =	seq.s32 s12, $0x1;
	v9 =	vadd.f32 v9, v10;
	v10 =	vor.u32 s20, v5  }
.Ltmp9:
0xf0: {  	vm0 =	vlt.s32 v10, v8;
	(pc) =	sbr.rel @p2 .LBB2_11-.Ltmp9, $4  }
0xf1: {  	v9 =	vnsel vm0, $0x7F800000, v9  }
0xf2: {  	s23 =	simm.s32 $0x1A90;
	[tilespmem:s19+$0x0] =	vst v9  }
0xf3: {  	s24 =	sadd.s32 $0xFFFFFFFF, s12;
	v9 =	vld [tilespmem:s23+$0x0]  }
0xf4: {  	p1 =	por $0x1, $0x1;
	s22 =	simm.s32 $0x0;
	s21 =	simm.s32 $0x2290  }
.LBB2_12:
0xf5: {  	p2 =	seq.s32 s24, $0x1;
	_ =	sdelay $0x5  }
0xf6: {  	v10 =	vld.idx.msk [tilespmem:v9+s2+$0x0], $0xffff  }
0xf7: {  	v9 =	vld.idx.msk [tilespmem:v9+s28+$0x0], $0xffff;
	_ =	sdelay $0x5  }
0xf8: {  	v10 =	vsub.f32 v10, v6;
	v9 =	vsub.f32 v9, v7;
	_ =	sdelay $0x1  }
0xf9: {  	v10 =	vmul.f32 v10, v10;
	v9 =	vmul.f32 v9, v9  }
0xfa: {  	s22 =	sadd.s32 $0x10, s22  }
0xfb: {  	v9 =	vadd.f32 v9, v10;
	v10 =	vor.u32 s22, v5  }
.Ltmp10:
0xfc: {  	vm0 =	vlt.s32 v10, v8;
	(pc) =	sbr.rel @!p2 .LBB2_12-.Ltmp10, $4  }
0xfd: {  	s21 =	sadd.s32 $0x10, s21;
	v9 =	vnsel vm0, $0x7F800000, v9  }
0xfe: {  	s23 =	sadd.s32 $0x10, s23;
	[tilespmem:s21+$0x0] =	vst v9  }
0xff: {  	v9 =	vld [tilespmem:s23+$0x0]  }
0x100: {  	s24 =	sadd.s32 $0xFFFFFFFF, s24  }
.LBB2_13:
0x101: {  	_ =	sdelay $0x6  }
0x102: {  	v10 =	vld.idx.msk [tilespmem:v9+s2+$0x0], $0xffff  }
0x103: {  	v63 =	vld.idx.msk [tilespmem:v9+s28+$0x0], $0xffff;
	_ =	sdelay $0x4  }
0x104: {  	v6 =	vsub.f32 v10, v6;
	v7 =	vsub.f32 v63, v7;
	_ =	sdelay $0x1  }
0x105: {  	s12 =	sadd.s32 @p1 $0x10, s22;
	v6 =	vmul.f32 v6, v6;
	v7 =	vmul.f32 v7, v7  }
0x106: {  	s20 =	smov.u32 @p1 s12  }
0x107: {  	v6 =	vadd.f32 v7, v6;
	v7 =	vor.u32 s20, v5  }
0x108: {  	s12 =	sadd.s32 @p1 $0x10, s21;
	vm0 =	vlt.s32 v7, v8  }
0x109: {  	s19 =	smov.u32 @p1 s12;
	v6 =	vnsel vm0, $0x7F800000, v6  }
0x10a: {  	[tilespmem:s19+$0x0] =	vst v6  }
.LBB2_14:
.Ltmp11:
0x10b: {  	(pc) =	sbr.rel .LBB2_15-.Ltmp11, $2  }
0x10c: {  	_ =	sdelay $0x2  }
0x10d: {  	s19 =	sshll.u32 s17, $0x6;
	s20 =	simm.s32 $0x0  }
.LBB2_32:
0x10e: {  	s8 =	sadd.s32 s19, s20  }
0x10f: {  	v6 =	vmov s8;
	_ =	sdelay $0x4  }
0x110: {  	[tilespmem:v6+s9+$0x0] =	vst.idx.msk $0x1, v0  }
.LBB2_33:
0x111: {  	s20 =	sadd.s32 $0x1, s20  }
0x112: {  	p1 =	seq.s32 s20, $0x40  }
.Ltmp12:
0x113: {  	_ = 	snop;
	(pc) =	sbr.rel @p1 .LBB2_35-.Ltmp12, $1  }
0x114: {  	_ =	sdelay $0x3  }
.LBB2_15:
.Ltmp13:
0x115: {  	(pc) =	sbr.rel @p0 .LBB2_32-.Ltmp13, $1  }
0x116: {  	_ =	sdelay $0x3  }
0x117: {  	p5 =	sne.s32 s18, $0x1  }
.Ltmp14:
0x118: {  	_ = 	snop;
	(pc) =	sbr.rel @!p5 .LBB2_18-.Ltmp14, $3  }
0x119: {  	_ =	sdelay $0x1  }
0x11a: {  	s12 =	simm.s32 $0x2290  }
0x11b: {  	v6 =	vimm.f32 $+Inf;
	s13 =	sadd.s32 $0xFFFFFFFF, s18;
	s21 =	simm.s32 $0x2290;
	v7 =	vld [tilespmem:s12+$0x0]  }
.LBB2_17:
0x11c: {  	p1 =	sne.s32 s13, $0x1  }
.Ltmp15:
0x11d: {  	_ = 	snop;
	(pc) =	sbr.rel @p1 .LBB2_17-.Ltmp15, $3  }
0x11e: {  	_ =	sdelay $0x1  }
0x11f: {  	s13 =	sadd.s32 $0xFFFFFFFF, s13;
	s21 =	sadd.s32 $0x10, s21;
	v6 =	vmin.f32 v6, v7  }
0x120: {  	v7 =	vld [tilespmem:s21+$0x0]  }
.LBB2_18:
0x121: {  	_ =	sdelay $0x3  }
0x122: {  	v6 =	vmin.f32 v6, v7  }
0x123: {  	(xrf0) =	vmin.scan.msk.f32 $0xffff, v6;
	_ =	sdelay $0x2  }
.Ltmp16:
0x124: {  	_ = 	snop;
	(pc) =	sbr.rel @!p5 .LBB2_19-.Ltmp16, $4  }
0x125: {  	_ = 	snop  }
0x126: {  	s23 =	simm.s32 $0x40000000;
	s21 =	simm.s32 $0x1A80  }
0x127: {  	s22 =	sadd.s32 $0xFFFFFFFF, s18;
	s13 =	simm.s32 $0x1A90;
	p1 =	por $0x0, $0x0;
	v8 =	vld [tilespmem:s12+$0x0];
	v6, _, _ =	vpop (xrf0)  }
0x128: {  	p2 =	por $0x0, $0x0;
	p3 =	por $0x0, $0x0;
	p4 =	por $0x0, $0x0;
	v7 =	vld [tilespmem:s21+$0x0];
	v6 =	vbroadcast v6, $0xF  }
0x129: {  	_ = 	snop  }
0x12a: {  	p5 =	sne.s32 s22, $0x1  }
.Ltmp17:
0x12b: {  	_ = 	snop;
	(pc) =	sbr.rel @!p5 .LBB2_21-.Ltmp17, $4  }
0x12c: {  	_ = 	snop  }
0x12d: {  	vm0 =	veq.f32 v8, v6;
	v8 =	vxor.u32 $0x80000000, v7  }
0x12e: {  	s12 =	simm.s32 $0x22A0;
	v7 =	vld [tilespmem:s13+$0x0];
	v9 =	vnsel vm0, $0xC0000000, v8  }
0x12f: {  	p1 =	por $0x1, $0x1;
	s13 =	simm.s32 $0x1AA0;
	v8 =	vld [tilespmem:s12+$0x0];
	s12 =	sadd.s32 $0xFFFFFFFF, s22;
	(xrf0) =	vmin.scan.msk.u32 $0xffff, v9  }
0x130: {  	_ =	sdelay $0x4  }
0x131: {  	v10, _, _ =	vpop (xrf0)  }
0x132: {  	(v2sf) =	vpush v10, $0xF;
	_ =	sdelay $0x7  }
0x133: {  	p5 =	sne.s32 s12, $0x1  }
.Ltmp18:
0x134: {  	_ = 	snop;
	(pc) =	sbr.rel @!p5 .LBB2_23-.Ltmp18, $4  }
0x135: {  	_ = 	snop  }
0x136: {  	vm0 =	veq.f32 v8, v6;
	v8 =	vxor.u32 $0x80000000, v7  }
0x137: {  	s25 =	simm.s32 $0x22B0;
	v7 =	vld [tilespmem:s13+$0x0];
	v9 =	vnsel vm0, $0xC0000000, v8  }
0x138: {  	s12 =	sadd.s32 $0xFFFFFFFF, s12;
	p2 =	por $0x1, $0x1;
	s13 =	simm.s32 $0x1AB0;
	v8 =	vld [tilespmem:s25+$0x0];
	(xrf0) =	vmin.scan.msk.u32 $0xffff, v9  }
0x139: {  	_ =	sdelay $0x4  }
0x13a: {  	v10, _, _ =	vpop (xrf0)  }
0x13b: {  	(v2sf) =	vpush v10, $0xF;
	_ =	sdelay $0x2  }
0x13c: {  	p5 =	sne.s32 s12, $0x1  }
.Ltmp19:
0x13d: {  	_ = 	snop;
	(pc) =	sbr.rel @!p5 .LBB2_25-.Ltmp19, $4  }
0x13e: {  	_ = 	snop  }
0x13f: {  	vm0 =	veq.f32 v8, v6;
	v8 =	vxor.u32 $0x80000000, v7  }
0x140: {  	s25 =	simm.s32 $0x22C0;
	v7 =	vld [tilespmem:s13+$0x0];
	v9 =	vnsel vm0, $0xC0000000, v8  }
0x141: {  	s12 =	sadd.s32 $0xFFFFFFFF, s12;
	p3 =	por $0x1, $0x1;
	s13 =	simm.s32 $0x1AC0;
	v8 =	vld [tilespmem:s25+$0x0];
	(xrf0) =	vmin.scan.msk.u32 $0xffff, v9  }
0x142: {  	_ =	sdelay $0x4  }
0x143: {  	v10, _, _ =	vpop (xrf0)  }
0x144: {  	(v2sf) =	vpush v10, $0xF;
	_ =	sdelay $0x2  }
0x145: {  	p5 =	sne.s32 s12, $0x1  }
.Ltmp20:
0x146: {  	s25 =	simm.s32 $0x22D0;
	vm0 =	veq.f32 v8, v6;
	v8 =	vxor.u32 $0x80000000, v7;
	v7 =	vld [tilespmem:s13+$0x0];
	(pc) =	sbr.rel @!p5 .LBB2_27-.Ltmp20, $4  }
0x147: {  	v9 =	vnsel vm0, $0xC0000000, v8;
	v8 =	vld [tilespmem:s25+$0x0]  }
0x148: {  	(xrf0) =	vmin.scan.msk.u32 $0xffff, v9  }
0x149: {  	s12 =	sadd.s32 $0xFFFFFFFF, s12  }
0x14a: {  	p4 =	por $0x1, $0x1;
	s24 =	simm.s32 $0x40000000;
	s13 =	simm.s32 $0x1AD0  }
.LBB2_28:
0x14b: {  	s8 =	smov.u32 s24  }
0x14c: {  	vm0 =	veq.f32 v8, v6;
	v11 =	vxor.u32 $0x80000000, v7;
	s25 =	sadd.s32 $0x10, s25;
	p5 =	sne.s32 s12, $0x1;
	v7 =	vld [tilespmem:s13+$0x0];
	s24 =	spop (v2sf)  }
.Ltmp21:
0x14d: {  	s12 =	sadd.s32 $0xFFFFFFFF, s12;
	v10 =	vnsel vm0, $0xC0000000, v11;
	v8 =	vld [tilespmem:s25+$0x0];
	s24 =	sxor.u32 $0x80000000, s24;
	(pc) =	sbr.rel @p5 .LBB2_28-.Ltmp21, $3  }
0x14e: {  	(xrf0) =	vmin.scan.msk.u32 $0xffff, v10;
	v9, _, _ =	vpop (xrf0);
	p6 =	slt.s32 s8, s24  }
0x14f: {  	(v2sf) =	vpush v9, $0xF;
	s24 =	smov.u32 @p6 s8;
	_ =	sdelay $0x1  }
0x150: {  	s13 =	sadd.s32 $0x10, s13  }
.LBB2_29:
0x151: {  	vm0 =	veq.f32 v8, v6;
	v6 =	vxor.u32 $0x80000000, v7  }
0x152: {  	v6 =	vnsel vm0, $0xC0000000, v6  }
0x153: {  	(xrf0) =	vmin.scan.msk.u32 $0xffff, v6;
	_ =	sdelay $0x1  }
0x154: {  	v6, _, _ =	vpop @p1 (xrf0)  }
0x155: {  	(v2sf) =	vpush @p1 v6, $0xF;
	_ =	sdelay $0x2  }
0x156: {  	s8 =	spop @p4 (v2sf);
	v6, _, _ =	vpop (xrf0)  }
0x157: {  	s8 =	sxor.u32 @p4 $0x80000000, s8;
	(v2sf) =	vpush v6, $0xF  }
0x158: {  	p5 =	slt.s32 @p4 s24, s8  }
0x159: {  	p5 =	por !p5, !p4  }
0x15a: {  	s12 =	spop @p3 (v2sf);
	s24 =	smov.u32 @p5 s8;
	s8 =	simm.s32 $0x40000000  }
0x15b: {  	s12 =	sxor.u32 @p3 $0x80000000, s12;
	s8 =	smov.u32 @p4 s24  }
0x15c: {  	p4 =	slt.s32 @p3 s8, s12  }
0x15d: {  	p4 =	por !p4, !p3  }
0x15e: {  	s8 =	smov.u32 @p4 s12;
	s12 =	simm.s32 $0x40000000;
	s13 =	spop @p2 (v2sf)  }
0x15f: {  	s12 =	smov.u32 @p3 s8;
	s8 =	sxor.u32 @p2 $0x80000000, s13  }
0x160: {  	p3 =	slt.s32 @p2 s12, s8  }
0x161: {  	p3 =	por !p3, !p2  }
0x162: {  	s12 =	smov.u32 @p3 s8;
	s8 =	simm.s32 $0x40000000;
	s13 =	spop @p1 (v2sf)  }
0x163: {  	s8 =	smov.u32 @p2 s12;
	s12 =	sxor.u32 @p1 $0x80000000, s13  }
0x164: {  	p2 =	slt.s32 @p1 s8, s12  }
0x165: {  	p2 =	por !p2, !p1  }
0x166: {  	s8 =	smov.u32 @p2 s12;
	s13 =	spop (v2sf)  }
0x167: {  	s24 =	sadd.s32 s19, s20;
	s23 =	smov.u32 @p1 s8;
	s8 =	sxor.u32 $0x80000000, s13  }
0x168: {  	v6 =	vmov s24;
	p1 =	slt.s32 s23, s8  }
0x169: {  	s8 =	smov.u32 @p1 s23;
	p1 =	seq.s32 s18, $0x1  }
.Ltmp22:
0x16a: {  	_ = 	snop;
	(pc) =	sbr.rel @p1 .LBB2_31-.Ltmp22, $4  }
0x16b: {  	s25 =	sadd.s32 s5, s8  }
0x16c: {  	v7 =	vmov s25  }
0x16d: {  	[tilespmem:v6+s9+$0x0] =	vst.idx.msk $0x1, v7  }
0x16e: {  	s12 =	simm.s32 $0x2290;
	v6 =	vmov s8;
	v7 =	vld [tilespmem:s21+$0x0]  }
.LBB2_30:
0x16f: {  	p1 =	seq.s32 s22, $0x1;
	v8 =	vld [tilespmem:s12+$0x0];
	_ =	sdelay $0x2  }
.Ltmp23:
0x170: {  	(pc) =	sbr.rel @!p1 .LBB2_30-.Ltmp23, $4  }
0x171: {  	vm0 =	veq.s32 v7, v6  }
0x172: {  	v7 =	vsel vm0, $0x7F800000, v8  }
0x173: {  	s21 =	sadd.s32 $0x10, s21;
	[tilespmem:s12+$0x0] =	vst v7  }
0x174: {  	s22 =	sadd.s32 $0xFFFFFFFF, s22;
	s12 =	sadd.s32 $0x10, s12;
	v7 =	vld [tilespmem:s21+$0x0]  }
.LBB2_31:
0x175: {  	v8 =	vld [tilespmem:s12+$0x0];
	_ =	sdelay $0x1  }
.Ltmp24:
0x176: {  	_ = 	snop;
	(pc) =	sbr.rel .LBB2_33-.Ltmp24, $4  }
0x177: {  	_ = 	snop  }
0x178: {  	vm0 =	veq.s32 v7, v6  }
0x179: {  	v6 =	vsel vm0, $0x7F800000, v8  }
0x17a: {  	[tilespmem:s12+$0x0] =	vst v6  }
.LBB2_19:
.Ltmp25:
0x17b: {  	(pc) =	sbr.rel .LBB2_29-.Ltmp25, $2  }
0x17c: {  	_ =	sdelay $0x2  }
0x17d: {  	s24 =	simm.s32 $0x40000000  }
.LBB2_21:
.Ltmp26:
0x17e: {  	(pc) =	sbr.rel .LBB2_29-.Ltmp26, $2  }
0x17f: {  	_ =	sdelay $0x2  }
0x180: {  	s24 =	simm.s32 $0x40000000  }
.LBB2_23:
.Ltmp27:
0x181: {  	(pc) =	sbr.rel .LBB2_29-.Ltmp27, $2  }
0x182: {  	_ =	sdelay $0x2  }
0x183: {  	s24 =	simm.s32 $0x40000000  }
.LBB2_25:
.Ltmp28:
0x184: {  	(pc) =	sbr.rel .LBB2_29-.Ltmp28, $2  }
0x185: {  	_ =	sdelay $0x3  }
0x186: {  	s24 =	simm.s32 $0x40000000  }
.LBB2_27:
.Ltmp29:
0x187: {  	(pc) =	sbr.rel .LBB2_29-.Ltmp29, $2  }
0x188: {  	_ =	sdelay $0x2  }
0x189: {  	s24 =	simm.s32 $0x40000000  }
.LBB2_9:
.Ltmp30:
0x18a: {  	(pc) =	sbr.rel .LBB2_13-.Ltmp30, $2  }
0x18b: {  	_ =	sdelay $0x2  }
0x18c: {  	s22 =	simm.s32 $0x0;
	s21 =	simm.s32 $0x2290  }
.LBB2_11:
.Ltmp31:
0x18d: {  	(pc) =	sbr.rel .LBB2_13-.Ltmp31, $2  }
0x18e: {  	_ =	sdelay $0x2  }
0x18f: {  	s22 =	simm.s32 $0x0;
	s21 =	simm.s32 $0x2290  }
.LBB2_36:
.Ltmp32:
0x190: {  	s16 =	simm.s32 $0x0;
	s8 =	rddreg [dreg:$0xb];
	(pc) =	sbr.rel .LBB2_37-.Ltmp32, $4  }
0x191: {  	[hbm4b:s8+s16] =	stream.linear.scatter [tilespmem:s7], [sflag:$0x3], $0x100, $0x38;
	[tilespmem:$0x17BE0] =	vst v63  }
0x192: {  	_ =	swait.ge [sflag:s26], $0x100  }
0x193: {  	[sflag:s26] =	ssyncset.done $0x0  }
0x194: {  	s17 =	simm.s32 $0x0;
	[sflag:s26] =	ssyncadd.s32 $0xFFFFFF00  }
.LBB2_67:
0x195: {  	v6 =	vld [tilespmem:$0x1A80];
	_ =	sdelay $0x3  }
0x196: {  	s8 =	sshll.u32 s17, $0x6  }
0x197: {  	s8 =	sand.u32 $0x3FFFFFC0, s8;
	v6 =	vadd.s32 v3, v6  }
0x198: {  	[tilespmem:s8+$0x6BA0] =	vst v6  }
0x199: {  	v6 =	vld [tilespmem:$0x1A90];
	_ =	sdelay $0x4  }
0x19a: {  	v6 =	vadd.s32 v3, v6  }
0x19b: {  	[tilespmem:s8+$0x6BB0] =	vst v6  }
0x19c: {  	v6 =	vld [tilespmem:$0x1AA0];
	_ =	sdelay $0x4  }
0x19d: {  	v6 =	vadd.s32 v3, v6  }
0x19e: {  	[tilespmem:s8+$0x6BC0] =	vst v6  }
0x19f: {  	v6 =	vld [tilespmem:$0x1AB0];
	_ =	sdelay $0x4  }
0x1a0: {  	v6 =	vadd.s32 v3, v6  }
0x1a1: {  	[tilespmem:s8+$0x6BD0] =	vst v6  }
.LBB2_68:
0x1a2: {  	s17 =	sadd.s32 $0x1, s17  }
0x1a3: {  	p0 =	sne.s32 s17, $0x40  }
.Ltmp33:
0x1a4: {  	_ = 	snop;
	(pc) =	sbr.rel @!p0 .LBB2_69-.Ltmp33, $1  }
0x1a5: {  	_ =	sdelay $0x3  }
.LBB2_37:
0x1a6: {  	v8 =	vmov s17;
	_ =	sdelay $0x1  }
0x1a7: {  	s8 =	simm.s32 $0x1400  }
0x1a8: {  	s12 =	simm.s32 $0x1000;
	v9 =	vld [tilespmem:s8+$0x0]  }
0x1a9: {  	v10 =	vld [tilespmem:s12+$0x0]  }
0x1aa: {  	v6 =	vld.idx.msk [tilespmem:v8+s1+$0x0], $0xffff  }
0x1ab: {  	v7 =	vld.idx.msk [tilespmem:v8+s6+$0x0], $0xffff;
	_ =	sdelay $0x4  }
0x1ac: {  	v10 =	vsub.f32 v10, v6;
	v9 =	vsub.f32 v9, v7;
	_ =	sdelay $0x1  }
0x1ad: {  	v10 =	vmul.f32 v10, v10;
	v9 =	vmul.f32 v9, v9;
	_ =	sdelay $0x1  }
0x1ae: {  	v9 =	vadd.f32 v9, v10;
	_ =	sdelay $0x1  }
0x1af: {  	vm0 =	vle.f32 v9, $1.599999960e-01  }
0x1b0: {  	v9 =	vsel vm0, $0x1, v4  }
0x1b1: {  	(xrf0) =	vadd.scan.msk.s32 $0xffff, v9;
	_ =	sdelay $0x3  }
0x1b2: {  	v9 =	vor.u32 s16, v5  }
0x1b3: {  	s20 =	simm.s32 $0x1410;
	[tilespmem:s16+$0x1A80] =	vst.msk vm0, v9  }
0x1b4: {  	s21 =	simm.s32 $0x1010;
	v9 =	vld [tilespmem:s20+$0x0];
	v11, _, _ =	vpop (xrf0)  }
0x1b5: {  	s18 =	simm.s32 $0x10;
	s22 =	simm.s32 $0x20;
	s19 =	simm.s32 $0x0;
	v10 =	vld [tilespmem:s21+$0x0];
	(v2sf) =	vpush v11, $0xF  }
.LBB2_38:
0x1b6: {  	p0 =	sne.s32 s22, $0x3F0;
	_ =	sdelay $0x3  }
0x1b7: {  	v9 =	vsub.f32 v9, v7;
	v10 =	vsub.f32 v10, v6;
	_ =	sdelay $0x1  }
0x1b8: {  	v9 =	vmul.f32 v9, v9;
	v10 =	vmul.f32 v10, v10;
	_ =	sdelay $0x1  }
0x1b9: {  	v9 =	vadd.f32 v9, v10;
	_ =	sdelay $0x1  }
0x1ba: {  	vm0 =	vle.f32 v9, $1.599999960e-01  }
0x1bb: {  	v9 =	vsel vm0, $0x1, v4  }
0x1bc: {  	(xrf0) =	vadd.scan.msk.s32 $0xffff, v9;
	_ =	sdelay $0x1  }
0x1bd: {  	s8 =	spop (v2sf)  }
.Ltmp34:
0x1be: {  	v9 =	vor.u32 s18, v5;
	s18 =	smov.u32 s22;
	s19 =	sadd.s32 s19, s8;
	(pc) =	sbr.rel @p0 .LBB2_38-.Ltmp34, $4  }
0x1bf: {  	[tilespmem:s19+$0x1A80] =	vst.msk vm0, v9  }
0x1c0: {  	s20 =	sadd.s32 $0x10, s20  }
0x1c1: {  	s21 =	sadd.s32 $0x10, s21;
	v9 =	vld [tilespmem:s20+$0x0];
	v11, _, _ =	vpop (xrf0)  }
0x1c2: {  	s22 =	sadd.s32 $0x10, s22;
	v10 =	vld [tilespmem:s21+$0x0];
	(v2sf) =	vpush v11, $0xF  }
0x1c3: {  	_ =	sdelay $0x3  }
0x1c4: {  	v9 =	vsub.f32 v9, v7;
	v10 =	vsub.f32 v10, v6;
	_ =	sdelay $0x1  }
0x1c5: {  	v9 =	vmul.f32 v9, v9;
	v10 =	vmul.f32 v10, v10;
	_ =	sdelay $0x1  }
0x1c6: {  	v9 =	vadd.f32 v9, v10;
	_ =	sdelay $0x1  }
0x1c7: {  	vm0 =	vle.f32 v9, $1.599999960e-01  }
0x1c8: {  	v9 =	vsel vm0, $0x1, v4  }
0x1c9: {  	(xrf0) =	vadd.scan.msk.s32 $0xffff, v9;
	_ =	sdelay $0x5  }
0x1ca: {  	v9, _, _ =	vpop (xrf0)  }
0x1cb: {  	(v2sf) =	vpush v9, $0xF;
	_ =	sdelay $0xd  }
0x1cc: {  	s8 =	spop (v2sf)  }
0x1cd: {  	s8 =	sadd.s32 s19, s8;
	s12 =	spop (v2sf)  }
0x1ce: {  	s12 =	sadd.s32 s8, s12  }
0x1cf: {  	p0 =	slt.s32 s12, $0x40;
	s13 =	smov.u32 s12  }
0x1d0: {  	s13 =	simm.s32 @!p0 $0x40;
	p0 =	slt.s32 s12, $0x41  }
.Ltmp35:
0x1d1: {  	_ = 	snop;
	(pc) =	sbr.rel @p0 .LBB2_67-.Ltmp35, $4  }
0x1d2: {  	_ = 	snop  }
0x1d3: {  	v62 =	vor.u32 s18, v5  }
0x1d4: {  	[tilespmem:s8+$0x1A80] =	vst.msk vm0, v62;
	v63 =	vmov s13  }
0x1d5: {  	[tilespmem:v8+s10+$0x0] =	vst.idx.msk $0x1, v63  }
0x1d6: {  	s8 =	sadd.s32 $0xF, s12  }
0x1d7: {  	s13 =	sand.u32 $0xF, s8  }
0x1d8: {  	s18 =	sshra.s32 s8, $0x1F;
	p0 =	slt.s32 s8, $0x0;
	p1 =	sne.s32 s13, $0x0  }
0x1d9: {  	s25 =	sshrl.u32 s18, $0x1C;
	p0 =	por !p0, !p1  }
0x1da: {  	s13 =	simm.s32 $0x1;
	s8 =	sadd.s32 s25, s8;
	p0 =	por !p0, !p0  }
0x1db: {  	s8 =	sshra.s32 s8, $0x4;
	s13 =	simm.s32 @!p0 $0x0  }
0x1dc: {  	s18 =	ssub.s32 s8, s13  }
0x1dd: {  	p0 =	slt.s32 s18, $0x1  }
.Ltmp36:
0x1de: {  	_ = 	snop;
	(pc) =	sbr.rel @p0 .LBB2_47-.Ltmp36, $1  }
0x1df: {  	_ =	sdelay $0x3  }
0x1e0: {  	p2 =	seq.s32 s18, $0x1  }
.Ltmp37:
0x1e1: {  	_ = 	snop;
	(pc) =	sbr.rel @p2 .LBB2_42-.Ltmp37, $3  }
0x1e2: {  	_ =	sdelay $0x1  }
0x1e3: {  	s25 =	simm.s32 $0x1A80;
	s19 =	simm.s32 $0x2290  }
0x1e4: {  	v8 =	vmov s12;
	s20 =	simm.s32 $0x0;
	s12 =	sadd.s32 $0xFFFFFFFF, s18;
	p1 =	por $0x0, $0x0;
	v9 =	vld [tilespmem:s25+$0x0]  }
0x1e5: {  	_ =	sdelay $0x7  }
0x1e6: {  	v10 =	vld.idx.msk [tilespmem:v9+s29+$0x0], $0xffff  }
0x1e7: {  	v9 =	vld.idx.msk [tilespmem:v9+s30+$0x0], $0xffff;
	_ =	sdelay $0x4  }
0x1e8: {  	v10 =	vsub.f32 v10, v6;
	v9 =	vsub.f32 v9, v7;
	_ =	sdelay $0x1  }
0x1e9: {  	v10 =	vmul.f32 v10, v10;
	v9 =	vmul.f32 v9, v9;
	_ =	sdelay $0x1  }
0x1ea: {  	p2 =	seq.s32 s12, $0x1;
	v9 =	vadd.f32 v9, v10;
	v10 =	vor.u32 s20, v5  }
.Ltmp38:
0x1eb: {  	vm0 =	vlt.s32 v10, v8;
	(pc) =	sbr.rel @p2 .LBB2_44-.Ltmp38, $4  }
0x1ec: {  	v9 =	vnsel vm0, $0x7F800000, v9  }
0x1ed: {  	s23 =	simm.s32 $0x1A90;
	[tilespmem:s19+$0x0] =	vst v9  }
0x1ee: {  	s24 =	sadd.s32 $0xFFFFFFFF, s12;
	v9 =	vld [tilespmem:s23+$0x0]  }
0x1ef: {  	p1 =	por $0x1, $0x1;
	s22 =	simm.s32 $0x0;
	s21 =	simm.s32 $0x2290  }
.LBB2_45:
0x1f0: {  	p2 =	seq.s32 s24, $0x1;
	_ =	sdelay $0x5  }
0x1f1: {  	v10 =	vld.idx.msk [tilespmem:v9+s29+$0x0], $0xffff  }
0x1f2: {  	v9 =	vld.idx.msk [tilespmem:v9+s30+$0x0], $0xffff;
	_ =	sdelay $0x5  }
0x1f3: {  	v10 =	vsub.f32 v10, v6;
	v9 =	vsub.f32 v9, v7;
	_ =	sdelay $0x1  }
0x1f4: {  	v10 =	vmul.f32 v10, v10;
	v9 =	vmul.f32 v9, v9  }
0x1f5: {  	s22 =	sadd.s32 $0x10, s22  }
0x1f6: {  	v9 =	vadd.f32 v9, v10;
	v10 =	vor.u32 s22, v5  }
.Ltmp39:
0x1f7: {  	vm0 =	vlt.s32 v10, v8;
	(pc) =	sbr.rel @!p2 .LBB2_45-.Ltmp39, $4  }
0x1f8: {  	s21 =	sadd.s32 $0x10, s21;
	v9 =	vnsel vm0, $0x7F800000, v9  }
0x1f9: {  	s23 =	sadd.s32 $0x10, s23;
	[tilespmem:s21+$0x0] =	vst v9  }
0x1fa: {  	v9 =	vld [tilespmem:s23+$0x0]  }
0x1fb: {  	s24 =	sadd.s32 $0xFFFFFFFF, s24  }
.LBB2_46:
0x1fc: {  	_ =	sdelay $0x6  }
0x1fd: {  	v10 =	vld.idx.msk [tilespmem:v9+s29+$0x0], $0xffff  }
0x1fe: {  	v63 =	vld.idx.msk [tilespmem:v9+s30+$0x0], $0xffff;
	_ =	sdelay $0x4  }
0x1ff: {  	v6 =	vsub.f32 v10, v6;
	v7 =	vsub.f32 v63, v7;
	_ =	sdelay $0x1  }
0x200: {  	s8 =	sadd.s32 @p1 $0x10, s22;
	v6 =	vmul.f32 v6, v6;
	v7 =	vmul.f32 v7, v7  }
0x201: {  	s20 =	smov.u32 @p1 s8  }
0x202: {  	v6 =	vadd.f32 v7, v6;
	v7 =	vor.u32 s20, v5  }
0x203: {  	s8 =	sadd.s32 @p1 $0x10, s21;
	vm0 =	vlt.s32 v7, v8  }
0x204: {  	s19 =	smov.u32 @p1 s8;
	v6 =	vnsel vm0, $0x7F800000, v6  }
0x205: {  	[tilespmem:s19+$0x0] =	vst v6  }
.LBB2_47:
.Ltmp40:
0x206: {  	(pc) =	sbr.rel .LBB2_48-.Ltmp40, $2  }
0x207: {  	_ =	sdelay $0x2  }
0x208: {  	s19 =	sshll.u32 s17, $0x6;
	s20 =	simm.s32 $0x0  }
.LBB2_65:
0x209: {  	s8 =	sadd.s32 s19, s20  }
0x20a: {  	v6 =	vmov s8;
	_ =	sdelay $0x4  }
0x20b: {  	[tilespmem:v6+s11+$0x0] =	vst.idx.msk $0x1, v1  }
.LBB2_66:
0x20c: {  	s20 =	sadd.s32 $0x1, s20  }
0x20d: {  	p1 =	seq.s32 s20, $0x40  }
.Ltmp41:
0x20e: {  	_ = 	snop;
	(pc) =	sbr.rel @p1 .LBB2_68-.Ltmp41, $1  }
0x20f: {  	_ =	sdelay $0x3  }
.LBB2_48:
.Ltmp42:
0x210: {  	(pc) =	sbr.rel @p0 .LBB2_65-.Ltmp42, $1  }
0x211: {  	_ =	sdelay $0x3  }
0x212: {  	p5 =	sne.s32 s18, $0x1  }
.Ltmp43:
0x213: {  	_ = 	snop;
	(pc) =	sbr.rel @!p5 .LBB2_51-.Ltmp43, $3  }
0x214: {  	_ =	sdelay $0x1  }
0x215: {  	s12 =	simm.s32 $0x2290  }
0x216: {  	v6 =	vimm.f32 $+Inf;
	s13 =	sadd.s32 $0xFFFFFFFF, s18;
	s21 =	simm.s32 $0x2290;
	v7 =	vld [tilespmem:s12+$0x0]  }
.LBB2_50:
0x217: {  	p1 =	sne.s32 s13, $0x1  }
.Ltmp44:
0x218: {  	_ = 	snop;
	(pc) =	sbr.rel @p1 .LBB2_50-.Ltmp44, $3  }
0x219: {  	_ =	sdelay $0x1  }
0x21a: {  	s13 =	sadd.s32 $0xFFFFFFFF, s13;
	s21 =	sadd.s32 $0x10, s21;
	v6 =	vmin.f32 v6, v7  }
0x21b: {  	v7 =	vld [tilespmem:s21+$0x0]  }
.LBB2_51:
0x21c: {  	_ =	sdelay $0x3  }
0x21d: {  	v6 =	vmin.f32 v6, v7  }
0x21e: {  	(xrf0) =	vmin.scan.msk.f32 $0xffff, v6;
	_ =	sdelay $0x2  }
.Ltmp45:
0x21f: {  	_ = 	snop;
	(pc) =	sbr.rel @!p5 .LBB2_52-.Ltmp45, $4  }
0x220: {  	_ = 	snop  }
0x221: {  	s23 =	simm.s32 $0x40000000;
	s21 =	simm.s32 $0x1A80  }
0x222: {  	s22 =	sadd.s32 $0xFFFFFFFF, s18;
	s13 =	simm.s32 $0x1A90;
	p1 =	por $0x0, $0x0;
	v8 =	vld [tilespmem:s12+$0x0];
	v6, _, _ =	vpop (xrf0)  }
0x223: {  	p2 =	por $0x0, $0x0;
	p3 =	por $0x0, $0x0;
	p4 =	por $0x0, $0x0;
	v7 =	vld [tilespmem:s21+$0x0];
	v6 =	vbroadcast v6, $0xF  }
0x224: {  	_ = 	snop  }
0x225: {  	p5 =	sne.s32 s22, $0x1  }
.Ltmp46:
0x226: {  	_ = 	snop;
	(pc) =	sbr.rel @!p5 .LBB2_54-.Ltmp46, $4  }
0x227: {  	_ = 	snop  }
0x228: {  	vm0 =	veq.f32 v8, v6;
	v8 =	vxor.u32 $0x80000000, v7  }
0x229: {  	s8 =	simm.s32 $0x22A0;
	v7 =	vld [tilespmem:s13+$0x0];
	v9 =	vnsel vm0, $0xC0000000, v8  }
0x22a: {  	s12 =	sadd.s32 $0xFFFFFFFF, s22;
	p1 =	por $0x1, $0x1;
	s13 =	simm.s32 $0x1AA0;
	v8 =	vld [tilespmem:s8+$0x0];
	(xrf0) =	vmin.scan.msk.u32 $0xffff, v9  }
0x22b: {  	_ =	sdelay $0x4  }
0x22c: {  	v10, _, _ =	vpop (xrf0)  }
0x22d: {  	(v2sf) =	vpush v10, $0xF;
	_ =	sdelay $0x7  }
0x22e: {  	p5 =	sne.s32 s12, $0x1  }
.Ltmp47:
0x22f: {  	_ = 	snop;
	(pc) =	sbr.rel @!p5 .LBB2_56-.Ltmp47, $4  }
0x230: {  	_ = 	snop  }
0x231: {  	vm0 =	veq.f32 v8, v6;
	v8 =	vxor.u32 $0x80000000, v7  }
0x232: {  	s8 =	simm.s32 $0x22B0;
	v7 =	vld [tilespmem:s13+$0x0];
	v9 =	vnsel vm0, $0xC0000000, v8  }
0x233: {  	s12 =	sadd.s32 $0xFFFFFFFF, s12;
	p2 =	por $0x1, $0x1;
	s13 =	simm.s32 $0x1AB0;
	v8 =	vld [tilespmem:s8+$0x0];
	(xrf0) =	vmin.scan.msk.u32 $0xffff, v9  }
0x234: {  	_ =	sdelay $0x4  }
0x235: {  	v10, _, _ =	vpop (xrf0)  }
0x236: {  	(v2sf) =	vpush v10, $0xF;
	_ =	sdelay $0x2  }
0x237: {  	p5 =	sne.s32 s12, $0x1  }
.Ltmp48:
0x238: {  	_ = 	snop;
	(pc) =	sbr.rel @!p5 .LBB2_58-.Ltmp48, $4  }
0x239: {  	_ = 	snop  }
0x23a: {  	vm0 =	veq.f32 v8, v6;
	v8 =	vxor.u32 $0x80000000, v7  }
0x23b: {  	s8 =	simm.s32 $0x22C0;
	v7 =	vld [tilespmem:s13+$0x0];
	v9 =	vnsel vm0, $0xC0000000, v8  }
0x23c: {  	s12 =	sadd.s32 $0xFFFFFFFF, s12;
	p3 =	por $0x1, $0x1;
	s13 =	simm.s32 $0x1AC0;
	v8 =	vld [tilespmem:s8+$0x0];
	(xrf0) =	vmin.scan.msk.u32 $0xffff, v9  }
0x23d: {  	_ =	sdelay $0x4  }
0x23e: {  	v10, _, _ =	vpop (xrf0)  }
0x23f: {  	(v2sf) =	vpush v10, $0xF;
	_ =	sdelay $0x2  }
0x240: {  	p5 =	sne.s32 s12, $0x1  }
.Ltmp49:
0x241: {  	s25 =	simm.s32 $0x22D0;
	vm0 =	veq.f32 v8, v6;
	v8 =	vxor.u32 $0x80000000, v7;
	v7 =	vld [tilespmem:s13+$0x0];
	(pc) =	sbr.rel @!p5 .LBB2_60-.Ltmp49, $4  }
0x242: {  	v9 =	vnsel vm0, $0xC0000000, v8;
	v8 =	vld [tilespmem:s25+$0x0]  }
0x243: {  	(xrf0) =	vmin.scan.msk.u32 $0xffff, v9  }
0x244: {  	s12 =	sadd.s32 $0xFFFFFFFF, s12  }
0x245: {  	p4 =	por $0x1, $0x1;
	s24 =	simm.s32 $0x40000000;
	s13 =	simm.s32 $0x1AD0  }
.LBB2_61:
0x246: {  	s8 =	smov.u32 s24  }
0x247: {  	vm0 =	veq.f32 v8, v6;
	v11 =	vxor.u32 $0x80000000, v7;
	s25 =	sadd.s32 $0x10, s25;
	p5 =	sne.s32 s12, $0x1;
	v7 =	vld [tilespmem:s13+$0x0];
	s24 =	spop (v2sf)  }
.Ltmp50:
0x248: {  	s12 =	sadd.s32 $0xFFFFFFFF, s12;
	v10 =	vnsel vm0, $0xC0000000, v11;
	v8 =	vld [tilespmem:s25+$0x0];
	s24 =	sxor.u32 $0x80000000, s24;
	(pc) =	sbr.rel @p5 .LBB2_61-.Ltmp50, $3  }
0x249: {  	(xrf0) =	vmin.scan.msk.u32 $0xffff, v10;
	v9, _, _ =	vpop (xrf0);
	p6 =	slt.s32 s8, s24  }
0x24a: {  	(v2sf) =	vpush v9, $0xF;
	s24 =	smov.u32 @p6 s8;
	_ =	sdelay $0x1  }
0x24b: {  	s13 =	sadd.s32 $0x10, s13  }
.LBB2_62:
0x24c: {  	vm0 =	veq.f32 v8, v6;
	v6 =	vxor.u32 $0x80000000, v7  }
0x24d: {  	v6 =	vnsel vm0, $0xC0000000, v6  }
0x24e: {  	(xrf0) =	vmin.scan.msk.u32 $0xffff, v6;
	_ =	sdelay $0x1  }
0x24f: {  	v6, _, _ =	vpop @p1 (xrf0)  }
0x250: {  	(v2sf) =	vpush @p1 v6, $0xF;
	_ =	sdelay $0x2  }
0x251: {  	s8 =	spop @p4 (v2sf);
	v6, _, _ =	vpop (xrf0)  }
0x252: {  	s8 =	sxor.u32 @p4 $0x80000000, s8;
	(v2sf) =	vpush v6, $0xF  }
0x253: {  	p5 =	slt.s32 @p4 s24, s8  }
0x254: {  	p5 =	por !p5, !p4  }
0x255: {  	s12 =	spop @p3 (v2sf);
	s24 =	smov.u32 @p5 s8;
	s8 =	simm.s32 $0x40000000  }
0x256: {  	s12 =	sxor.u32 @p3 $0x80000000, s12;
	s8 =	smov.u32 @p4 s24  }
0x257: {  	p4 =	slt.s32 @p3 s8, s12  }
0x258: {  	p4 =	por !p4, !p3  }
0x259: {  	s8 =	smov.u32 @p4 s12;
	s12 =	simm.s32 $0x40000000;
	s13 =	spop @p2 (v2sf)  }
0x25a: {  	s12 =	smov.u32 @p3 s8;
	s8 =	sxor.u32 @p2 $0x80000000, s13  }
0x25b: {  	p3 =	slt.s32 @p2 s12, s8  }
0x25c: {  	p3 =	por !p3, !p2  }
0x25d: {  	s12 =	smov.u32 @p3 s8;
	s8 =	simm.s32 $0x40000000;
	s13 =	spop @p1 (v2sf)  }
0x25e: {  	s8 =	smov.u32 @p2 s12;
	s12 =	sxor.u32 @p1 $0x80000000, s13  }
0x25f: {  	p2 =	slt.s32 @p1 s8, s12  }
0x260: {  	p2 =	por !p2, !p1  }
0x261: {  	s8 =	smov.u32 @p2 s12;
	s13 =	spop (v2sf)  }
0x262: {  	s24 =	sadd.s32 s19, s20;
	s23 =	smov.u32 @p1 s8;
	s8 =	sxor.u32 $0x80000000, s13  }
0x263: {  	v6 =	vmov s24;
	p1 =	slt.s32 s23, s8  }
0x264: {  	s8 =	smov.u32 @p1 s23;
	p1 =	seq.s32 s18, $0x1  }
.Ltmp51:
0x265: {  	_ = 	snop;
	(pc) =	sbr.rel @p1 .LBB2_64-.Ltmp51, $4  }
0x266: {  	s25 =	sadd.s32 s3, s8  }
0x267: {  	v7 =	vmov s25  }
0x268: {  	[tilespmem:v6+s11+$0x0] =	vst.idx.msk $0x1, v7  }
0x269: {  	s12 =	simm.s32 $0x2290;
	v6 =	vmov s8;
	v7 =	vld [tilespmem:s21+$0x0]  }
.LBB2_63:
0x26a: {  	p1 =	seq.s32 s22, $0x1;
	v8 =	vld [tilespmem:s12+$0x0];
	_ =	sdelay $0x2  }
.Ltmp52:
0x26b: {  	(pc) =	sbr.rel @!p1 .LBB2_63-.Ltmp52, $4  }
0x26c: {  	vm0 =	veq.s32 v7, v6  }
0x26d: {  	v7 =	vsel vm0, $0x7F800000, v8  }
0x26e: {  	s21 =	sadd.s32 $0x10, s21;
	[tilespmem:s12+$0x0] =	vst v7  }
0x26f: {  	s22 =	sadd.s32 $0xFFFFFFFF, s22;
	s12 =	sadd.s32 $0x10, s12;
	v7 =	vld [tilespmem:s21+$0x0]  }
.LBB2_64:
0x270: {  	v8 =	vld [tilespmem:s12+$0x0];
	_ =	sdelay $0x1  }
.Ltmp53:
0x271: {  	_ = 	snop;
	(pc) =	sbr.rel .LBB2_66-.Ltmp53, $4  }
0x272: {  	_ = 	snop  }
0x273: {  	vm0 =	veq.s32 v7, v6  }
0x274: {  	v6 =	vsel vm0, $0x7F800000, v8  }
0x275: {  	[tilespmem:s12+$0x0] =	vst v6  }
.LBB2_52:
.Ltmp54:
0x276: {  	(pc) =	sbr.rel .LBB2_62-.Ltmp54, $2  }
0x277: {  	_ =	sdelay $0x2  }
0x278: {  	s24 =	simm.s32 $0x40000000  }
.LBB2_54:
.Ltmp55:
0x279: {  	(pc) =	sbr.rel .LBB2_62-.Ltmp55, $2  }
0x27a: {  	_ =	sdelay $0x2  }
0x27b: {  	s24 =	simm.s32 $0x40000000  }
.LBB2_56:
.Ltmp56:
0x27c: {  	(pc) =	sbr.rel .LBB2_62-.Ltmp56, $2  }
0x27d: {  	_ =	sdelay $0x2  }
0x27e: {  	s24 =	simm.s32 $0x40000000  }
.LBB2_58:
.Ltmp57:
0x27f: {  	(pc) =	sbr.rel .LBB2_62-.Ltmp57, $2  }
0x280: {  	_ =	sdelay $0x3  }
0x281: {  	s24 =	simm.s32 $0x40000000  }
.LBB2_60:
.Ltmp58:
0x282: {  	(pc) =	sbr.rel .LBB2_62-.Ltmp58, $2  }
0x283: {  	_ =	sdelay $0x2  }
0x284: {  	s24 =	simm.s32 $0x40000000  }
.LBB2_42:
.Ltmp59:
0x285: {  	(pc) =	sbr.rel .LBB2_46-.Ltmp59, $2  }
0x286: {  	_ =	sdelay $0x2  }
0x287: {  	s22 =	simm.s32 $0x0;
	s21 =	simm.s32 $0x2290  }
.LBB2_44:
.Ltmp60:
0x288: {  	(pc) =	sbr.rel .LBB2_46-.Ltmp60, $2  }
0x289: {  	_ =	sdelay $0x2  }
0x28a: {  	s22 =	simm.s32 $0x0;
	s21 =	simm.s32 $0x2290  }
.LBB2_70:
0x28b: {  	_ =	sfence.sel $0x180000  }
0x28c: {  	[bflag:$0x0] =	sbarrier.arrive $0xFFFF  }
0x28d: {  	_ =	strace $0x90000047  }
0x28e: {  	s0 =	stileid.u32;
	[bflag:$0x2] =	sbarrier.arrive $0xFFFF  }
0x28f: {  	p0 =	sne.s32 s0, $0x0;
	s0 =	rddreg [dreg:$0x2]  }
0x290: {  	s0 =	sadd.s32 @!p0 $0x100000, s0  }
0x291: {  	[sflag:s0] =	ssyncadd.tile.s32 @!p0 $0x1;
	_ =	shalt  }
.Lfunc_end2:
_tile_overlayer_lowered:
.L_overlay_start_2:
0x292: {  	(tag) =	ssettag $0x2  }
0x293: {  	s0 =	rddreg [dreg:$0x0];
	s2 =	stileid.u32  }
0x294: {  	s1 =	rddreg [dreg:$0x1];
	p0 =	sne.s32 s2, $0x0  }
0x295: {  	s3 =	rddreg [dreg:$0x2];
	[bflag:$0x3] =	sbarrier.arrive $0xFFFF;
	s2 =	simm.s32 @!p0 $0x1C03  }
0x296: {  	[timem:s3], [sflag:s2] =	dma.local @!p0 [hbm:s0], s1  }
0x297: {  	s0 =	simm.s32 @!p0 $0x3  }
0x298: {  	_ =	swait.ge @!p0 [sflag:s0], s1  }
0x299: {  	s1 =	ssub.s32 @!p0 $0x0, s1;
	[sflag:s0] =	ssyncset.done @!p0 $0x0  }
0x29a: {  	[sflag:s0] =	ssyncadd.s32 @!p0 s1  }
0x29b: {  	[bflag:$0x3] =	sbarrier.arrive $0xFFFF  }
0x29c: {  	_ =	shalt  }

</sc_bundles>
